<compile_context>
chip_gen: v7x
topology: tpu7x:2x2x1
jax: 0.10.2.dev20260603
libtpu: 0.0.44.dev20260713+nightly
codegen_flags: <defaults>
</compile_context>

<pallas_src>
import functools
import math

import numpy as np
import jax
import jax.numpy as jnp
from jax import lax
from jax.experimental import pallas as pl
from jax.experimental.pallas import tpu as pltpu
from jax.experimental.pallas import tpu_sc as plsc

D_MODEL = 128
MAX_SEQ = 8192
NC, NS = 2, 16
NW = NC * NS
LANES = 16
R = 128
SCALE = math.sqrt(float(D_MODEL))


def _make_pe_np(max_seq, d_model):
    position = np.arange(max_seq, dtype=np.float32)[:, None]
    div_term = np.exp(
        np.arange(0, d_model, 2, dtype=np.float32) * (-math.log(10000.0) / d_model))
    pe = np.zeros((max_seq, d_model), dtype=np.float32)
    pe[:, 0::2] = np.sin(position * div_term)
    pe[:, 1::2] = np.cos(position * div_term)
    return pe


@functools.cache
def _build(batch, seq_len, d):
    assert seq_len % NW == 0
    spw = seq_len // NW
    assert spw % R == 0
    hpw = spw // R
    nch = batch * hpw
    mesh = plsc.VectorSubcoreMesh(core_axis_name="c", subcore_axis_name="s")

    @functools.partial(
        pl.kernel,
        mesh=mesh,
        out_type=jax.ShapeDtypeStruct((batch, seq_len, d), jnp.float32),
        scratch_types=[
            pltpu.VMEM((batch, spw), jnp.int32),
            pltpu.VMEM((3, R, d), jnp.float32),
            pltpu.VMEM((spw, d), jnp.float32),
            pltpu.SemaphoreType.DMA,
            pltpu.SemaphoreType.DMA,
            pltpu.SemaphoreType.DMA,
            pltpu.SemaphoreType.DMA,
            pltpu.SemaphoreType.DMA,
            pltpu.SemaphoreType.DMA,
            pltpu.SemaphoreType.DMA,
        ],
    )
    def emb_kernel(table_hbm, x_hbm, pe_hbm, out_hbm,
                   idx_v, rows_v, pe_v, g0, g1, g2, o0, o1, o2, psem):
        gsem = (g0, g1, g2)
        osem = (o0, o1, o2)
        wid = lax.axis_index("s") * NC + lax.axis_index("c")
        s0 = wid * spw

        pdma = pltpu.async_copy(pe_hbm.at[pl.ds(s0, spw)], pe_v, psem)
        pltpu.sync_copy(x_hbm.at[:, pl.ds(s0, spw)], idx_v)

        chunks = [(b, h) for b in range(batch) for h in range(hpw)]

        def gather(c, buf):
            b, h = chunks[c]
            return pltpu.async_copy(
                table_hbm.at[idx_v.at[b, pl.ds(h * R, R)]], rows_v.at[buf],
                gsem[buf])

        gd = [None] * nch
        od = [None] * nch
        gd[0] = gather(0, 0)
        gd[1] = gather(1, 1)
        pdma.wait()
        for c in range(nch):
            b, h = chunks[c]
            bb = c % 3
            if c + 2 < nch:
                nb = (c + 2) % 3
                if c >= 1:
                    od[c - 1].wait()
                gd[c + 2] = gather(c + 2, nb)
            gd[c].wait()

            def comp(i, carry, _bb=bb, _h=h):
                for j in range(d // LANES):
                    sl = pl.ds(j * LANES, LANES)
                    rows_v[_bb, i, sl] = (
                        rows_v[_bb, i, sl] * SCALE + pe_v[_h * R + i, sl])
                return carry

            lax.fori_loop(0, R, comp, 0)
            od[c] = pltpu.async_copy(
                rows_v.at[bb], out_hbm.at[b, pl.ds(s0 + h * R, R)], osem[bb])
        for c in (nch - 3, nch - 2, nch - 1):
            if c >= 0:
                od[c].wait()

    return emb_kernel


def kernel(x, table):
    batch, seq_len = x.shape
    d = table.shape[1]
    pe = jnp.asarray(_make_pe_np(MAX_SEQ, d)[:seq_len])
    return _build(batch, seq_len, d)(table, x.astype(jnp.int32), pe)

# --- scband reference (transcript-rebuilt; emitter-appended) ---
"""Pipeline reference for scband-transformer-embedding-12051678233353 (READ-ONLY COPY).

The authoritative reference and input builder live on the scoring server;
editing this copy changes nothing except your own understanding.
"""

import jax, jax.numpy as jnp
import numpy as np
import math

VOCAB = 1000000
D_MODEL = 128
MAX_SEQ = 8192
BATCH = 4
SEQ_LEN = 8192


def _make_pe(max_seq, d_model):
    position = np.arange(max_seq, dtype=np.float32)[:, None]
    div_term = np.exp(np.arange(0, d_model, 2, dtype=np.float32) * (-math.log(10000.0) / d_model))
    pe = np.zeros((max_seq, d_model), dtype=np.float32)
    pe[:, 0::2] = np.sin(position * div_term)
    pe[:, 1::2] = np.cos(position * div_term)
    return jnp.asarray(pe)


def setup_inputs(seed: int = 0) -> dict:
    key = jax.random.key(seed)
    k_idx, k_tab = jax.random.split(key)
    x = jax.random.randint(k_idx, (BATCH, SEQ_LEN), 0, VOCAB, dtype=jnp.int32)
    table = 0.02 * jax.random.normal(k_tab, (VOCAB, D_MODEL), dtype=jnp.float32)
    table = table.at[0].set(0.0)  # padding_idx = 0 row is zero
    return {"x": x, "table": table}


def reference(x, table):
    seq_len = x.shape[1]
    pe = _make_pe(MAX_SEQ, D_MODEL)
    # TokenEmbedding: lookup + sqrt(d_model) scaling
    emb = jnp.take(table, x, axis=0) * math.sqrt(D_MODEL)
    # SinusoidalPositionalEncoding: additive PE, dropout p=0.0 -> identity
    out = emb + pe[None, :seq_len, :]
    return out

if __name__ == "__main__":
    import jax
    _d = setup_inputs()
    print(jax.jit(kernel)(*tuple(_d.values())))

</pallas_src>

<mosaic_0001>
#map = affine_map<(d0, d1) -> (0, 0)>
#map1 = affine_map<(d0, d1) -> (0, 0, 0)>
module attributes {stable_mosaic.version = 14 : i64} {
  func.func @emb_kernel(%arg0: i32, %arg1: i32, %arg2: memref<1000000x128xf32, #tpu.memory_space<hbm>>, %arg3: memref<4x8192xi32, #tpu.memory_space<hbm>>, %arg4: memref<8192x128xf32, #tpu.memory_space<hbm>>, %arg5: memref<4x8192x128xf32, #tpu.memory_space<hbm>>, %arg6: memref<4x256xi32, #tpu.memory_space<vmem>>, %arg7: memref<3x128x128xf32, #tpu.memory_space<vmem>>, %arg8: memref<256x128xf32, #tpu.memory_space<vmem>>, %arg9: memref<!tpu.dma_semaphore, #tpu.memory_space<semaphore_mem>>, %arg10: memref<!tpu.dma_semaphore, #tpu.memory_space<semaphore_mem>>, %arg11: memref<!tpu.dma_semaphore, #tpu.memory_space<semaphore_mem>>, %arg12: memref<!tpu.dma_semaphore, #tpu.memory_space<semaphore_mem>>, %arg13: memref<!tpu.dma_semaphore, #tpu.memory_space<semaphore_mem>>, %arg14: memref<!tpu.dma_semaphore, #tpu.memory_space<semaphore_mem>>, %arg15: memref<!tpu.dma_semaphore, #tpu.memory_space<semaphore_mem>>) attributes {dimension_semantics = [#tpu.dimension_semantics<core_parallel>, #tpu.dimension_semantics<subcore_parallel>], iteration_bounds = array<i64: 2, 16>, scalar_prefetch = 0 : i64, scratch_operands = 10 : i64, tpu.core_type = #tpu.core_type<sc_vector_subcore>, window_params = [{transform_indices = #map}, {transform_indices = #map}, {transform_indices = #map}, {transform_indices = #map1}]} {
    %mul3A = arith.constant 2 : i32
    %mul3A_0 = arith.muli %arg1, %mul3A : i32
    %add3A = arith.addi %mul3A_0, %arg0 : i32
    %mul3A_1 = arith.constant 256 : i32
    %mul3A_2 = arith.muli %add3A, %mul3A_1 : i32
    %dma_start3A = arith.constant 0 : i32
    %dma_start3A_3 = tpu.memref_slice %arg4[%mul3A_2, %dma_start3A] : memref<8192x128xf32, #tpu.memory_space<hbm>> -> memref<256x128xf32, #tpu.memory_space<hbm>>
    %dma_start3A_4 = arith.constant 0 : i32
    %dma_start3A_5 = tpu.memref_slice %arg4[%mul3A_2, %dma_start3A_4] : memref<8192x128xf32, #tpu.memory_space<hbm>> -> memref<256x128xf32, #tpu.memory_space<hbm>>
    tpu.enqueue_dma source(%dma_start3A_5 : memref<256x128xf32, #tpu.memory_space<hbm>>) target(%arg8 : memref<256x128xf32, #tpu.memory_space<vmem>>) target_semaphore(%arg15 : memref<!tpu.dma_semaphore, #tpu.memory_space<semaphore_mem>>)
    "tpu.region"() ({
      %run_scoped3A = tpu.sem_alloc : memref<!tpu.dma_semaphore, #tpu.memory_space<semaphore_mem>>
      %dma_start3A_520 = arith.constant 0 : i32
      %dma_start3A_521 = tpu.memref_slice %arg3[%dma_start3A_520, %mul3A_2] : memref<4x8192xi32, #tpu.memory_space<hbm>> -> memref<4x256xi32, #tpu.memory_space<hbm>>
      %dma_start3A_522 = arith.constant 0 : i32
      %dma_start3A_523 = tpu.memref_slice %arg3[%dma_start3A_522, %mul3A_2] : memref<4x8192xi32, #tpu.memory_space<hbm>> -> memref<4x256xi32, #tpu.memory_space<hbm>>
      tpu.enqueue_dma source(%dma_start3A_523 : memref<4x256xi32, #tpu.memory_space<hbm>>) target(%arg6 : memref<4x256xi32, #tpu.memory_space<vmem>>) target_semaphore(%run_scoped3A : memref<!tpu.dma_semaphore, #tpu.memory_space<semaphore_mem>>)
      %dma_wait3A_524 = arith.constant 0 : i32
      %dma_wait3A_525 = tpu.memref_slice %arg3[%dma_wait3A_524, %mul3A_2] : memref<4x8192xi32, #tpu.memory_space<hbm>> -> memref<4x256xi32, #tpu.memory_space<hbm>>
      %dma_wait3A_526 = arith.constant 0 : i32
      %dma_wait3A_527 = tpu.memref_slice %arg3[%dma_wait3A_526, %mul3A_2] : memref<4x8192xi32, #tpu.memory_space<hbm>> -> memref<4x256xi32, #tpu.memory_space<hbm>>
      tpu.wait_dma2 semaphore(%run_scoped3A : memref<!tpu.dma_semaphore, #tpu.memory_space<semaphore_mem>>) src(%dma_wait3A_527 : memref<4x256xi32, #tpu.memory_space<hbm>>) dst(%arg6 : memref<4x256xi32, #tpu.memory_space<vmem>>)
      tpu.yield
    }) : () -> ()
    %dma_start3A_6 = arith.constant 0 : i32
    %dma_start3A_7 = arith.constant 0 : i32
    %dma_start3A_8 = arith.constant 0 : i32
    %dma_start3A_9 = arith.constant 0 : i32
    %dma_start3A_10 = tpu.memref_slice %arg7[%dma_start3A_7, %dma_start3A_8, %dma_start3A_9] : memref<3x128x128xf32, #tpu.memory_space<vmem>> -> memref<1x128x128xf32, #tpu.memory_space<vmem>>
    %dma_start3A_11 = tpu.memref_squeeze %dma_start3A_10 : memref<1x128x128xf32, #tpu.memory_space<vmem>> -> memref<128x128xf32, #tpu.memory_space<vmem>>
    %dma_start3A_12 = arith.constant 0 : i32
    %dma_start3A_13 = tpu.memref_slice %arg6[%dma_start3A_6, %dma_start3A_12] : memref<4x256xi32, #tpu.memory_space<vmem>> -> memref<1x128xi32, #tpu.memory_space<vmem>>
    %dma_start3A_14 = tpu.memref_squeeze %dma_start3A_13 : memref<1x128xi32, #tpu.memory_space<vmem>> -> memref<128xi32, #tpu.memory_space<vmem>>
    %dma_start3A_15 = arith.constant 0 : i32
    %dma_start3A_16 = arith.constant 0 : i32
    %dma_start3A_17 = tpu.memref_slice %arg2[%dma_start3A_15, %dma_start3A_16] : memref<1000000x128xf32, #tpu.memory_space<hbm>> -> memref<1000000x128xf32, #tpu.memory_space<hbm>>
    tpu.enqueue_indirect_dma source(%dma_start3A_17 : memref<1000000x128xf32, #tpu.memory_space<hbm>>) target(%dma_start3A_11 : memref<128x128xf32, #tpu.memory_space<vmem>>) offsets(%dma_start3A_14 : memref<128xi32, #tpu.memory_space<vmem>>) semaphore(%arg9 : memref<!tpu.dma_semaphore, #tpu.memory_space<semaphore_mem>>)
    %dma_start3A_18 = arith.constant 0 : i32
    %dma_start3A_19 = arith.constant 1 : i32
    %dma_start3A_20 = arith.constant 0 : i32
    %dma_start3A_21 = arith.constant 0 : i32
    %dma_start3A_22 = tpu.memref_slice %arg7[%dma_start3A_19, %dma_start3A_20, %dma_start3A_21] : memref<3x128x128xf32, #tpu.memory_space<vmem>> -> memref<1x128x128xf32, #tpu.memory_space<vmem>>
    %dma_start3A_23 = tpu.memref_squeeze %dma_start3A_22 : memref<1x128x128xf32, #tpu.memory_space<vmem>> -> memref<128x128xf32, #tpu.memory_space<vmem>>
    %dma_start3A_24 = arith.constant 128 : i32
    %dma_start3A_25 = tpu.memref_slice %arg6[%dma_start3A_18, %dma_start3A_24] : memref<4x256xi32, #tpu.memory_space<vmem>> -> memref<1x128xi32, #tpu.memory_space<vmem>>
    %dma_start3A_26 = tpu.memref_squeeze %dma_start3A_25 : memref<1x128xi32, #tpu.memory_space<vmem>> -> memref<128xi32, #tpu.memory_space<vmem>>
    %dma_start3A_27 = arith.constant 0 : i32
    %dma_start3A_28 = arith.constant 0 : i32
    %dma_start3A_29 = tpu.memref_slice %arg2[%dma_start3A_27, %dma_start3A_28] : memref<1000000x128xf32, #tpu.memory_space<hbm>> -> memref<1000000x128xf32, #tpu.memory_space<hbm>>
    tpu.enqueue_indirect_dma source(%dma_start3A_29 : memref<1000000x128xf32, #tpu.memory_space<hbm>>) target(%dma_start3A_23 : memref<128x128xf32, #tpu.memory_space<vmem>>) offsets(%dma_start3A_26 : memref<128xi32, #tpu.memory_space<vmem>>) semaphore(%arg10 : memref<!tpu.dma_semaphore, #tpu.memory_space<semaphore_mem>>)
    %dma_wait3A = arith.constant 0 : i32
    %dma_wait3A_30 = tpu.memref_slice %arg4[%mul3A_2, %dma_wait3A] : memref<8192x128xf32, #tpu.memory_space<hbm>> -> memref<256x128xf32, #tpu.memory_space<hbm>>
    %dma_wait3A_31 = arith.constant 0 : i32
    %dma_wait3A_32 = tpu.memref_slice %arg4[%mul3A_2, %dma_wait3A_31] : memref<8192x128xf32, #tpu.memory_space<hbm>> -> memref<256x128xf32, #tpu.memory_space<hbm>>
    tpu.wait_dma2 semaphore(%arg15 : memref<!tpu.dma_semaphore, #tpu.memory_space<semaphore_mem>>) src(%dma_wait3A_32 : memref<256x128xf32, #tpu.memory_space<hbm>>) dst(%arg8 : memref<256x128xf32, #tpu.memory_space<vmem>>)
    %dma_start3A_33 = arith.constant 1 : i32
    %dma_start3A_34 = arith.constant 2 : i32
    %dma_start3A_35 = arith.constant 0 : i32
    %dma_start3A_36 = arith.constant 0 : i32
    %dma_start3A_37 = tpu.memref_slice %arg7[%dma_start3A_34, %dma_start3A_35, %dma_start3A_36] : memref<3x128x128xf32, #tpu.memory_space<vmem>> -> memref<1x128x128xf32, #tpu.memory_space<vmem>>
    %dma_start3A_38 = tpu.memref_squeeze %dma_start3A_37 : memref<1x128x128xf32, #tpu.memory_space<vmem>> -> memref<128x128xf32, #tpu.memory_space<vmem>>
    %dma_start3A_39 = arith.constant 0 : i32
    %dma_start3A_40 = tpu.memref_slice %arg6[%dma_start3A_33, %dma_start3A_39] : memref<4x256xi32, #tpu.memory_space<vmem>> -> memref<1x128xi32, #tpu.memory_space<vmem>>
    %dma_start3A_41 = tpu.memref_squeeze %dma_start3A_40 : memref<1x128xi32, #tpu.memory_space<vmem>> -> memref<128xi32, #tpu.memory_space<vmem>>
    %dma_start3A_42 = arith.constant 0 : i32
    %dma_start3A_43 = arith.constant 0 : i32
    %dma_start3A_44 = tpu.memref_slice %arg2[%dma_start3A_42, %dma_start3A_43] : memref<1000000x128xf32, #tpu.memory_space<hbm>> -> memref<1000000x128xf32, #tpu.memory_space<hbm>>
    tpu.enqueue_indirect_dma source(%dma_start3A_44 : memref<1000000x128xf32, #tpu.memory_space<hbm>>) target(%dma_start3A_38 : memref<128x128xf32, #tpu.memory_space<vmem>>) offsets(%dma_start3A_41 : memref<128xi32, #tpu.memory_space<vmem>>) semaphore(%arg11 : memref<!tpu.dma_semaphore, #tpu.memory_space<semaphore_mem>>)
    %dma_wait3A_45 = arith.constant 0 : i32
    %dma_wait3A_46 = arith.constant 0 : i32
    %dma_wait3A_47 = arith.constant 0 : i32
    %dma_wait3A_48 = arith.constant 0 : i32
    %dma_wait3A_49 = tpu.memref_slice %arg7[%dma_wait3A_46, %dma_wait3A_47, %dma_wait3A_48] : memref<3x128x128xf32, #tpu.memory_space<vmem>> -> memref<1x128x128xf32, #tpu.memory_space<vmem>>
    %dma_wait3A_50 = tpu.memref_squeeze %dma_wait3A_49 : memref<1x128x128xf32, #tpu.memory_space<vmem>> -> memref<128x128xf32, #tpu.memory_space<vmem>>
    %dma_wait3A_51 = arith.constant 0 : i32
    %dma_wait3A_52 = tpu.memref_slice %arg6[%dma_wait3A_45, %dma_wait3A_51] : memref<4x256xi32, #tpu.memory_space<vmem>> -> memref<1x128xi32, #tpu.memory_space<vmem>>
    %dma_wait3A_53 = tpu.memref_squeeze %dma_wait3A_52 : memref<1x128xi32, #tpu.memory_space<vmem>> -> memref<128xi32, #tpu.memory_space<vmem>>
    %dma_wait3A_54 = arith.constant 0 : i32
    %dma_wait3A_55 = arith.constant 0 : i32
    %dma_wait3A_56 = tpu.memref_slice %arg2[%dma_wait3A_54, %dma_wait3A_55] : memref<1000000x128xf32, #tpu.memory_space<hbm>> -> memref<1000000x128xf32, #tpu.memory_space<hbm>>
    tpu.wait_indirect_dma semaphore(%arg9 : memref<!tpu.dma_semaphore, #tpu.memory_space<semaphore_mem>>) src(%dma_wait3A_56 : memref<1000000x128xf32, #tpu.memory_space<hbm>>) dst(%dma_wait3A_50 : memref<128x128xf32, #tpu.memory_space<vmem>>)
    %scan3A = arith.constant 0 : i32
    %scan3A_57 = arith.constant 0 : i32
    %scan3A_58 = arith.constant 128 : i32
    %scan3A_59 = arith.addi %scan3A_57, %scan3A_58 : i32
    %scan3A_60 = arith.constant 1 : i32
    scf.for %scan3A_520 = %scan3A_57 to %scan3A_59 step %scan3A_60  : i32 {
      %get3A = arith.constant 0 : i32
      %get3A_521 = arith.index_cast %get3A : i32 to index
      %get3A_522 = arith.index_cast %scan3A_520 : i32 to index
      %get3A_523 = arith.constant 0 : index
      %get3A_524 = tpu.vector_load %arg7[%get3A_521, %get3A_522, %get3A_523] {strides = array<i32>} : memref<3x128x128xf32, #tpu.memory_space<vmem>>, vector<1x1x16xf32>,
      %get3A_525 = vector.shape_cast %get3A_524 : vector<1x1x16xf32> to vector<16xf32>
      %mul3A_526 = arith.constant 11.3137083 : f32
      %mul3A_527 = vector.broadcast %mul3A_526 : f32 to vector<16xf32>
      %mul3A_528 = arith.mulf %get3A_525, %mul3A_527 : vector<16xf32>
      %add3A_529 = arith.constant 0 : i32
      %add3A_530 = arith.addi %add3A_529, %scan3A_520 : i32
      %get3A_531 = arith.index_cast %add3A_530 : i32 to index
      %get3A_532 = arith.constant 0 : index
      %get3A_533 = tpu.vector_load %arg8[%get3A_531, %get3A_532] {strides = array<i32>} : memref<256x128xf32, #tpu.memory_space<vmem>>, vector<1x16xf32>,
      %get3A_534 = vector.shape_cast %get3A_533 : vector<1x16xf32> to vector<16xf32>
      %add3A_535 = arith.addf %mul3A_528, %get3A_534 : vector<16xf32>
      %swap3A = arith.constant 0 : i32
      %swap3A_536 = arith.index_cast %swap3A : i32 to index
      %swap3A_537 = arith.index_cast %scan3A_520 : i32 to index
      %swap3A_538 = arith.constant 0 : index
      %swap3A_539 = tpu.vector_load %arg7[%swap3A_536, %swap3A_537, %swap3A_538] {strides = array<i32>} : memref<3x128x128xf32, #tpu.memory_space<vmem>>, vector<1x1x16xf32>,
      %swap3A_540 = vector.shape_cast %swap3A_539 : vector<1x1x16xf32> to vector<16xf32>
      %swap3A_541 = vector.shape_cast %add3A_535 : vector<16xf32> to vector<1x1x16xf32>
      tpu.vector_store %arg7[%swap3A_536, %swap3A_537, %swap3A_538], %swap3A_541 {strides = array<i32>} : memref<3x128x128xf32, #tpu.memory_space<vmem>>, vector<1x1x16xf32>,
      %get3A_542 = arith.constant 0 : i32
      %get3A_543 = arith.index_cast %get3A_542 : i32 to index
      %get3A_544 = arith.index_cast %scan3A_520 : i32 to index
      %get3A_545 = arith.constant 16 : index
      %get3A_546 = tpu.vector_load %arg7[%get3A_543, %get3A_544, %get3A_545] {strides = array<i32>} : memref<3x128x128xf32, #tpu.memory_space<vmem>>, vector<1x1x16xf32>,
      %get3A_547 = vector.shape_cast %get3A_546 : vector<1x1x16xf32> to vector<16xf32>
      %mul3A_548 = arith.constant 11.3137083 : f32
      %mul3A_549 = vector.broadcast %mul3A_548 : f32 to vector<16xf32>
      %mul3A_550 = arith.mulf %get3A_547, %mul3A_549 : vector<16xf32>
      %add3A_551 = arith.constant 0 : i32
      %add3A_552 = arith.addi %add3A_551, %scan3A_520 : i32
      %get3A_553 = arith.index_cast %add3A_552 : i32 to index
      %get3A_554 = arith.constant 16 : index
      %get3A_555 = tpu.vector_load %arg8[%get3A_553, %get3A_554] {strides = array<i32>} : memref<256x128xf32, #tpu.memory_space<vmem>>, vector<1x16xf32>,
      %get3A_556 = vector.shape_cast %get3A_555 : vector<1x16xf32> to vector<16xf32>
      %add3A_557 = arith.addf %mul3A_550, %get3A_556 : vector<16xf32>
      %swap3A_558 = arith.constant 0 : i32
      %swap3A_559 = arith.index_cast %swap3A_558 : i32 to index
      %swap3A_560 = arith.index_cast %scan3A_520 : i32 to index
      %swap3A_561 = arith.constant 16 : index
      %swap3A_562 = tpu.vector_load %arg7[%swap3A_559, %swap3A_560, %swap3A_561] {strides = array<i32>} : memref<3x128x128xf32, #tpu.memory_space<vmem>>, vector<1x1x16xf32>,
      %swap3A_563 = vector.shape_cast %swap3A_562 : vector<1x1x16xf32> to vector<16xf32>
      %swap3A_564 = vector.shape_cast %add3A_557 : vector<16xf32> to vector<1x1x16xf32>
      tpu.vector_store %arg7[%swap3A_559, %swap3A_560, %swap3A_561], %swap3A_564 {strides = array<i32>} : memref<3x128x128xf32, #tpu.memory_space<vmem>>, vector<1x1x16xf32>,
      %get3A_565 = arith.constant 0 : i32
      %get3A_566 = arith.index_cast %get3A_565 : i32 to index
      %get3A_567 = arith.index_cast %scan3A_520 : i32 to index
      %get3A_568 = arith.constant 32 : index
      %get3A_569 = tpu.vector_load %arg7[%get3A_566, %get3A_567, %get3A_568] {strides = array<i32>} : memref<3x128x128xf32, #tpu.memory_space<vmem>>, vector<1x1x16xf32>,
      %get3A_570 = vector.shape_cast %get3A_569 : vector<1x1x16xf32> to vector<16xf32>
      %mul3A_571 = arith.constant 11.3137083 : f32
      %mul3A_572 = vector.broadcast %mul3A_571 : f32 to vector<16xf32>
      %mul3A_573 = arith.mulf %get3A_570, %mul3A_572 : vector<16xf32>
      %add3A_574 = arith.constant 0 : i32
      %add3A_575 = arith.addi %add3A_574, %scan3A_520 : i32
      %get3A_576 = arith.index_cast %add3A_575 : i32 to index
      %get3A_577 = arith.constant 32 : index
      %get3A_578 = tpu.vector_load %arg8[%get3A_576, %get3A_577] {strides = array<i32>} : memref<256x128xf32, #tpu.memory_space<vmem>>, vector<1x16xf32>,
      %get3A_579 = vector.shape_cast %get3A_578 : vector<1x16xf32> to vector<16xf32>
      %add3A_580 = arith.addf %mul3A_573, %get3A_579 : vector<16xf32>
      %swap3A_581 = arith.constant 0 : i32
      %swap3A_582 = arith.index_cast %swap3A_581 : i32 to index
      %swap3A_583 = arith.index_cast %scan3A_520 : i32 to index
      %swap3A_584 = arith.constant 32 : index
      %swap3A_585 = tpu.vector_load %arg7[%swap3A_582, %swap3A_583, %swap3A_584] {strides = array<i32>} : memref<3x128x128xf32, #tpu.memory_space<vmem>>, vector<1x1x16xf32>,
      %swap3A_586 = vector.shape_cast %swap3A_585 : vector<1x1x16xf32> to vector<16xf32>
      %swap3A_587 = vector.shape_cast %add3A_580 : vector<16xf32> to vector<1x1x16xf32>
      tpu.vector_store %arg7[%swap3A_582, %swap3A_583, %swap3A_584], %swap3A_587 {strides = array<i32>} : memref<3x128x128xf32, #tpu.memory_space<vmem>>, vector<1x1x16xf32>,
      %get3A_588 = arith.constant 0 : i32
      %get3A_589 = arith.index_cast %get3A_588 : i32 to index
      %get3A_590 = arith.index_cast %scan3A_520 : i32 to index
      %get3A_591 = arith.constant 48 : index
      %get3A_592 = tpu.vector_load %arg7[%get3A_589, %get3A_590, %get3A_591] {strides = array<i32>} : memref<3x128x128xf32, #tpu.memory_space<vmem>>, vector<1x1x16xf32>,
      %get3A_593 = vector.shape_cast %get3A_592 : vector<1x1x16xf32> to vector<16xf32>
      %mul3A_594 = arith.constant 11.3137083 : f32
      %mul3A_595 = vector.broadcast %mul3A_594 : f32 to vector<16xf32>
      %mul3A_596 = arith.mulf %get3A_593, %mul3A_595 : vector<16xf32>
      %add3A_597 = arith.constant 0 : i32
      %add3A_598 = arith.addi %add3A_597, %scan3A_520 : i32
      %get3A_599 = arith.index_cast %add3A_598 : i32 to index
      %get3A_600 = arith.constant 48 : index
      %get3A_601 = tpu.vector_load %arg8[%get3A_599, %get3A_600] {strides = array<i32>} : memref<256x128xf32, #tpu.memory_space<vmem>>, vector<1x16xf32>,
      %get3A_602 = vector.shape_cast %get3A_601 : vector<1x16xf32> to vector<16xf32>
      %add3A_603 = arith.addf %mul3A_596, %get3A_602 : vector<16xf32>
      %swap3A_604 = arith.constant 0 : i32
      %swap3A_605 = arith.index_cast %swap3A_604 : i32 to index
      %swap3A_606 = arith.index_cast %scan3A_520 : i32 to index
      %swap3A_607 = arith.constant 48 : index
      %swap3A_608 = tpu.vector_load %arg7[%swap3A_605, %swap3A_606, %swap3A_607] {strides = array<i32>} : memref<3x128x128xf32, #tpu.memory_space<vmem>>, vector<1x1x16xf32>,
      %swap3A_609 = vector.shape_cast %swap3A_608 : vector<1x1x16xf32> to vector<16xf32>
      %swap3A_610 = vector.shape_cast %add3A_603 : vector<16xf32> to vector<1x1x16xf32>
      tpu.vector_store %arg7[%swap3A_605, %swap3A_606, %swap3A_607], %swap3A_610 {strides = array<i32>} : memref<3x128x128xf32, #tpu.memory_space<vmem>>, vector<1x1x16xf32>,
      %get3A_611 = arith.constant 0 : i32
      %get3A_612 = arith.index_cast %get3A_611 : i32 to index
      %get3A_613 = arith.index_cast %scan3A_520 : i32 to index
      %get3A_614 = arith.constant 64 : index
      %get3A_615 = tpu.vector_load %arg7[%get3A_612, %get3A_613, %get3A_614] {strides = array<i32>} : memref<3x128x128xf32, #tpu.memory_space<vmem>>, vector<1x1x16xf32>,
      %get3A_616 = vector.shape_cast %get3A_615 : vector<1x1x16xf32> to vector<16xf32>
      %mul3A_617 = arith.constant 11.3137083 : f32
      %mul3A_618 = vector.broadcast %mul3A_617 : f32 to vector<16xf32>
      %mul3A_619 = arith.mulf %get3A_616, %mul3A_618 : vector<16xf32>
      %add3A_620 = arith.constant 0 : i32
      %add3A_621 = arith.addi %add3A_620, %scan3A_520 : i32
      %get3A_622 = arith.index_cast %add3A_621 : i32 to index
      %get3A_623 = arith.constant 64 : index
      %get3A_624 = tpu.vector_load %arg8[%get3A_622, %get3A_623] {strides = array<i32>} : memref<256x128xf32, #tpu.memory_space<vmem>>, vector<1x16xf32>,
      %get3A_625 = vector.shape_cast %get3A_624 : vector<1x16xf32> to vector<16xf32>
      %add3A_626 = arith.addf %mul3A_619, %get3A_625 : vector<16xf32>
      %swap3A_627 = arith.constant 0 : i32
      %swap3A_628 = arith.index_cast %swap3A_627 : i32 to index
      %swap3A_629 = arith.index_cast %scan3A_520 : i32 to index
      %swap3A_630 = arith.constant 64 : index
      %swap3A_631 = tpu.vector_load %arg7[%swap3A_628, %swap3A_629, %swap3A_630] {strides = array<i32>} : memref<3x128x128xf32, #tpu.memory_space<vmem>>, vector<1x1x16xf32>,
      %swap3A_632 = vector.shape_cast %swap3A_631 : vector<1x1x16xf32> to vector<16xf32>
      %swap3A_633 = vector.shape_cast %add3A_626 : vector<16xf32> to vector<1x1x16xf32>
      tpu.vector_store %arg7[%swap3A_628, %swap3A_629, %swap3A_630], %swap3A_633 {strides = array<i32>} : memref<3x128x128xf32, #tpu.memory_space<vmem>>, vector<1x1x16xf32>,
      %get3A_634 = arith.constant 0 : i32
      %get3A_635 = arith.index_cast %get3A_634 : i32 to index
      %get3A_636 = arith.index_cast %scan3A_520 : i32 to index
      %get3A_637 = arith.constant 80 : index
      %get3A_638 = tpu.vector_load %arg7[%get3A_635, %get3A_636, %get3A_637] {strides = array<i32>} : memref<3x128x128xf32, #tpu.memory_space<vmem>>, vector<1x1x16xf32>,
      %get3A_639 = vector.shape_cast %get3A_638 : vector<1x1x16xf32> to vector<16xf32>
      %mul3A_640 = arith.constant 11.3137083 : f32
      %mul3A_641 = vector.broadcast %mul3A_640 : f32 to vector<16xf32>
      %mul3A_642 = arith.mulf %get3A_639, %mul3A_641 : vector<16xf32>
      %add3A_643 = arith.constant 0 : i32
      %add3A_644 = arith.addi %add3A_643, %scan3A_520 : i32
      %get3A_645 = arith.index_cast %add3A_644 : i32 to index
      %get3A_646 = arith.constant 80 : index
      %get3A_647 = tpu.vector_load %arg8[%get3A_645, %get3A_646] {strides = array<i32>} : memref<256x128xf32, #tpu.memory_space<vmem>>, vector<1x16xf32>,
      %get3A_648 = vector.shape_cast %get3A_647 : vector<1x16xf32> to vector<16xf32>
      %add3A_649 = arith.addf %mul3A_642, %get3A_648 : vector<16xf32>
      %swap3A_650 = arith.constant 0 : i32
      %swap3A_651 = arith.index_cast %swap3A_650 : i32 to index
      %swap3A_652 = arith.index_cast %scan3A_520 : i32 to index
      %swap3A_653 = arith.constant 80 : index
      %swap3A_654 = tpu.vector_load %arg7[%swap3A_651, %swap3A_652, %swap3A_653] {strides = array<i32>} : memref<3x128x128xf32, #tpu.memory_space<vmem>>, vector<1x1x16xf32>,
      %swap3A_655 = vector.shape_cast %swap3A_654 : vector<1x1x16xf32> to vector<16xf32>
      %swap3A_656 = vector.shape_cast %add3A_649 : vector<16xf32> to vector<1x1x16xf32>
      tpu.vector_store %arg7[%swap3A_651, %swap3A_652, %swap3A_653], %swap3A_656 {strides = array<i32>} : memref<3x128x128xf32, #tpu.memory_space<vmem>>, vector<1x1x16xf32>,
      %get3A_657 = arith.constant 0 : i32
      %get3A_658 = arith.index_cast %get3A_657 : i32 to index
      %get3A_659 = arith.index_cast %scan3A_520 : i32 to index
      %get3A_660 = arith.constant 96 : index
      %get3A_661 = tpu.vector_load %arg7[%get3A_658, %get3A_659, %get3A_660] {strides = array<i32>} : memref<3x128x128xf32, #tpu.memory_space<vmem>>, vector<1x1x16xf32>,
      %get3A_662 = vector.shape_cast %get3A_661 : vector<1x1x16xf32> to vector<16xf32>
      %mul3A_663 = arith.constant 11.3137083 : f32
      %mul3A_664 = vector.broadcast %mul3A_663 : f32 to vector<16xf32>
      %mul3A_665 = arith.mulf %get3A_662, %mul3A_664 : vector<16xf32>
      %add3A_666 = arith.constant 0 : i32
      %add3A_667 = arith.addi %add3A_666, %scan3A_520 : i32
      %get3A_668 = arith.index_cast %add3A_667 : i32 to index
      %get3A_669 = arith.constant 96 : index
      %get3A_670 = tpu.vector_load %arg8[%get3A_668, %get3A_669] {strides = array<i32>} : memref<256x128xf32, #tpu.memory_space<vmem>>, vector<1x16xf32>,
      %get3A_671 = vector.shape_cast %get3A_670 : vector<1x16xf32> to vector<16xf32>
      %add3A_672 = arith.addf %mul3A_665, %get3A_671 : vector<16xf32>
      %swap3A_673 = arith.constant 0 : i32
      %swap3A_674 = arith.index_cast %swap3A_673 : i32 to index
      %swap3A_675 = arith.index_cast %scan3A_520 : i32 to index
      %swap3A_676 = arith.constant 96 : index
      %swap3A_677 = tpu.vector_load %arg7[%swap3A_674, %swap3A_675, %swap3A_676] {strides = array<i32>} : memref<3x128x128xf32, #tpu.memory_space<vmem>>, vector<1x1x16xf32>,
      %swap3A_678 = vector.shape_cast %swap3A_677 : vector<1x1x16xf32> to vector<16xf32>
      %swap3A_679 = vector.shape_cast %add3A_672 : vector<16xf32> to vector<1x1x16xf32>
      tpu.vector_store %arg7[%swap3A_674, %swap3A_675, %swap3A_676], %swap3A_679 {strides = array<i32>} : memref<3x128x128xf32, #tpu.memory_space<vmem>>, vector<1x1x16xf32>,
      %get3A_680 = arith.constant 0 : i32
      %get3A_681 = arith.index_cast %get3A_680 : i32 to index
      %get3A_682 = arith.index_cast %scan3A_520 : i32 to index
      %get3A_683 = arith.constant 112 : index
      %get3A_684 = tpu.vector_load %arg7[%get3A_681, %get3A_682, %get3A_683] {strides = array<i32>} : memref<3x128x128xf32, #tpu.memory_space<vmem>>, vector<1x1x16xf32>,
      %get3A_685 = vector.shape_cast %get3A_684 : vector<1x1x16xf32> to vector<16xf32>
      %mul3A_686 = arith.constant 11.3137083 : f32
      %mul3A_687 = vector.broadcast %mul3A_686 : f32 to vector<16xf32>
      %mul3A_688 = arith.mulf %get3A_685, %mul3A_687 : vector<16xf32>
      %add3A_689 = arith.constant 0 : i32
      %add3A_690 = arith.addi %add3A_689, %scan3A_520 : i32
      %get3A_691 = arith.index_cast %add3A_690 : i32 to index
      %get3A_692 = arith.constant 112 : index
      %get3A_693 = tpu.vector_load %arg8[%get3A_691, %get3A_692] {strides = array<i32>} : memref<256x128xf32, #tpu.memory_space<vmem>>, vector<1x16xf32>,
      %get3A_694 = vector.shape_cast %get3A_693 : vector<1x16xf32> to vector<16xf32>
      %add3A_695 = arith.addf %mul3A_688, %get3A_694 : vector<16xf32>
      %swap3A_696 = arith.constant 0 : i32
      %swap3A_697 = arith.index_cast %swap3A_696 : i32 to index
      %swap3A_698 = arith.index_cast %scan3A_520 : i32 to index
      %swap3A_699 = arith.constant 112 : index
      %swap3A_700 = tpu.vector_load %arg7[%swap3A_697, %swap3A_698, %swap3A_699] {strides = array<i32>} : memref<3x128x128xf32, #tpu.memory_space<vmem>>, vector<1x1x16xf32>,
      %swap3A_701 = vector.shape_cast %swap3A_700 : vector<1x1x16xf32> to vector<16xf32>
      %swap3A_702 = vector.shape_cast %add3A_695 : vector<16xf32> to vector<1x1x16xf32>
      tpu.vector_store %arg7[%swap3A_697, %swap3A_698, %swap3A_699], %swap3A_702 {strides = array<i32>} : memref<3x128x128xf32, #tpu.memory_space<vmem>>, vector<1x1x16xf32>,
    }
    %scan3A_61 = arith.constant 128 : i32
    %add3A_62 = arith.constant 0 : i32
    %add3A_63 = arith.addi %mul3A_2, %add3A_62 : i32
    %dma_start3A_64 = arith.constant 0 : i32
    %dma_start3A_65 = arith.constant 0 : i32
    %dma_start3A_66 = arith.constant 0 : i32
    %dma_start3A_67 = arith.constant 0 : i32
    %dma_start3A_68 = tpu.memref_slice %arg7[%dma_start3A_64, %dma_start3A_66, %dma_start3A_67] : memref<3x128x128xf32, #tpu.memory_space<vmem>> -> memref<1x128x128xf32, #tpu.memory_space<vmem>>
    %dma_start3A_69 = tpu.memref_squeeze %dma_start3A_68 : memref<1x128x128xf32, #tpu.memory_space<vmem>> -> memref<128x128xf32, #tpu.memory_space<vmem>>
    %dma_start3A_70 = arith.constant 0 : i32
    %dma_start3A_71 = tpu.memref_slice %arg5[%dma_start3A_65, %add3A_63, %dma_start3A_70] : memref<4x8192x128xf32, #tpu.memory_space<hbm>> -> memref<1x128x128xf32, #tpu.memory_space<hbm>>
    %dma_start3A_72 = tpu.memref_squeeze %dma_start3A_71 : memref<1x128x128xf32, #tpu.memory_space<hbm>> -> memref<128x128xf32, #tpu.memory_space<hbm>>
    %dma_start3A_73 = arith.constant 0 : i32
    %dma_start3A_74 = tpu.memref_slice %arg5[%dma_start3A_65, %add3A_63, %dma_start3A_73] : memref<4x8192x128xf32, #tpu.memory_space<hbm>> -> memref<1x128x128xf32, #tpu.memory_space<hbm>>
    %dma_start3A_75 = tpu.memref_squeeze %dma_start3A_74 : memref<1x128x128xf32, #tpu.memory_space<hbm>> -> memref<128x128xf32, #tpu.memory_space<hbm>>
    %dma_start3A_76 = arith.constant 0 : i32
    %dma_start3A_77 = arith.constant 0 : i32
    %dma_start3A_78 = tpu.memref_slice %arg7[%dma_start3A_64, %dma_start3A_76, %dma_start3A_77] : memref<3x128x128xf32, #tpu.memory_space<vmem>> -> memref<1x128x128xf32, #tpu.memory_space<vmem>>
    %dma_start3A_79 = tpu.memref_squeeze %dma_start3A_78 : memref<1x128x128xf32, #tpu.memory_space<vmem>> -> memref<128x128xf32, #tpu.memory_space<vmem>>
    tpu.enqueue_dma source(%dma_start3A_79 : memref<128x128xf32, #tpu.memory_space<vmem>>) target(%dma_start3A_75 : memref<128x128xf32, #tpu.memory_space<hbm>>) target_semaphore(%arg12 : memref<!tpu.dma_semaphore, #tpu.memory_space<semaphore_mem>>)
    %dma_wait3A_80 = arith.constant 0 : i32
    %dma_wait3A_81 = arith.constant 0 : i32
    %dma_wait3A_82 = arith.constant 0 : i32
    %dma_wait3A_83 = arith.constant 0 : i32
    %dma_wait3A_84 = tpu.memref_slice %arg7[%dma_wait3A_80, %dma_wait3A_82, %dma_wait3A_83] : memref<3x128x128xf32, #tpu.memory_space<vmem>> -> memref<1x128x128xf32, #tpu.memory_space<vmem>>
    %dma_wait3A_85 = tpu.memref_squeeze %dma_wait3A_84 : memref<1x128x128xf32, #tpu.memory_space<vmem>> -> memref<128x128xf32, #tpu.memory_space<vmem>>
    %dma_wait3A_86 = arith.constant 0 : i32
    %dma_wait3A_87 = tpu.memref_slice %arg5[%dma_wait3A_81, %add3A_63, %dma_wait3A_86] : memref<4x8192x128xf32, #tpu.memory_space<hbm>> -> memref<1x128x128xf32, #tpu.memory_space<hbm>>
    %dma_wait3A_88 = tpu.memref_squeeze %dma_wait3A_87 : memref<1x128x128xf32, #tpu.memory_space<hbm>> -> memref<128x128xf32, #tpu.memory_space<hbm>>
    %dma_wait3A_89 = arith.constant 0 : i32
    %dma_wait3A_90 = tpu.memref_slice %arg5[%dma_wait3A_81, %add3A_63, %dma_wait3A_89] : memref<4x8192x128xf32, #tpu.memory_space<hbm>> -> memref<1x128x128xf32, #tpu.memory_space<hbm>>
    %dma_wait3A_91 = tpu.memref_squeeze %dma_wait3A_90 : memref<1x128x128xf32, #tpu.memory_space<hbm>> -> memref<128x128xf32, #tpu.memory_space<hbm>>
    %dma_wait3A_92 = arith.constant 0 : i32
    %dma_wait3A_93 = arith.constant 0 : i32
    %dma_wait3A_94 = tpu.memref_slice %arg7[%dma_wait3A_80, %dma_wait3A_92, %dma_wait3A_93] : memref<3x128x128xf32, #tpu.memory_space<vmem>> -> memref<1x128x128xf32, #tpu.memory_space<vmem>>
    %dma_wait3A_95 = tpu.memref_squeeze %dma_wait3A_94 : memref<1x128x128xf32, #tpu.memory_space<vmem>> -> memref<128x128xf32, #tpu.memory_space<vmem>>
    tpu.wait_dma2 semaphore(%arg12 : memref<!tpu.dma_semaphore, #tpu.memory_space<semaphore_mem>>) src(%dma_wait3A_95 : memref<128x128xf32, #tpu.memory_space<vmem>>) dst(%dma_wait3A_91 : memref<128x128xf32, #tpu.memory_space<hbm>>)
    %dma_start3A_96 = arith.constant 1 : i32
    %dma_start3A_97 = arith.constant 0 : i32
    %dma_start3A_98 = arith.constant 0 : i32
    %dma_start3A_99 = arith.constant 0 : i32
    %dma_start3A_100 = tpu.memref_slice %arg7[%dma_start3A_97, %dma_start3A_98, %dma_start3A_99] : memref<3x128x128xf32, #tpu.memory_space<vmem>> -> memref<1x128x128xf32, #tpu.memory_space<vmem>>
    %dma_start3A_101 = tpu.memref_squeeze %dma_start3A_100 : memref<1x128x128xf32, #tpu.memory_space<vmem>> -> memref<128x128xf32, #tpu.memory_space<vmem>>
    %dma_start3A_102 = arith.constant 128 : i32
    %dma_start3A_103 = tpu.memref_slice %arg6[%dma_start3A_96, %dma_start3A_102] : memref<4x256xi32, #tpu.memory_space<vmem>> -> memref<1x128xi32, #tpu.memory_space<vmem>>
    %dma_start3A_104 = tpu.memref_squeeze %dma_start3A_103 : memref<1x128xi32, #tpu.memory_space<vmem>> -> memref<128xi32, #tpu.memory_space<vmem>>
    %dma_start3A_105 = arith.constant 0 : i32
    %dma_start3A_106 = arith.constant 0 : i32
    %dma_start3A_107 = tpu.memref_slice %arg2[%dma_start3A_105, %dma_start3A_106] : memref<1000000x128xf32, #tpu.memory_space<hbm>> -> memref<1000000x128xf32, #tpu.memory_space<hbm>>
    tpu.enqueue_indirect_dma source(%dma_start3A_107 : memref<1000000x128xf32, #tpu.memory_space<hbm>>) target(%dma_start3A_101 : memref<128x128xf32, #tpu.memory_space<vmem>>) offsets(%dma_start3A_104 : memref<128xi32, #tpu.memory_space<vmem>>) semaphore(%arg9 : memref<!tpu.dma_semaphore, #tpu.memory_space<semaphore_mem>>)
    %dma_wait3A_108 = arith.constant 0 : i32
    %dma_wait3A_109 = arith.constant 1 : i32
    %dma_wait3A_110 = arith.constant 0 : i32
    %dma_wait3A_111 = arith.constant 0 : i32
    %dma_wait3A_112 = tpu.memref_slice %arg7[%dma_wait3A_109, %dma_wait3A_110, %dma_wait3A_111] : memref<3x128x128xf32, #tpu.memory_space<vmem>> -> memref<1x128x128xf32, #tpu.memory_space<vmem>>
    %dma_wait3A_113 = tpu.memref_squeeze %dma_wait3A_112 : memref<1x128x128xf32, #tpu.memory_space<vmem>> -> memref<128x128xf32, #tpu.memory_space<vmem>>
    %dma_wait3A_114 = arith.constant 128 : i32
    %dma_wait3A_115 = tpu.memref_slice %arg6[%dma_wait3A_108, %dma_wait3A_114] : memref<4x256xi32, #tpu.memory_space<vmem>> -> memref<1x128xi32, #tpu.memory_space<vmem>>
    %dma_wait3A_116 = tpu.memref_squeeze %dma_wait3A_115 : memref<1x128xi32, #tpu.memory_space<vmem>> -> memref<128xi32, #tpu.memory_space<vmem>>
    %dma_wait3A_117 = arith.constant 0 : i32
    %dma_wait3A_118 = arith.constant 0 : i32
    %dma_wait3A_119 = tpu.memref_slice %arg2[%dma_wait3A_117, %dma_wait3A_118] : memref<1000000x128xf32, #tpu.memory_space<hbm>> -> memref<1000000x128xf32, #tpu.memory_space<hbm>>
    tpu.wait_indirect_dma semaphore(%arg10 : memref<!tpu.dma_semaphore, #tpu.memory_space<semaphore_mem>>) src(%dma_wait3A_119 : memref<1000000x128xf32, #tpu.memory_space<hbm>>) dst(%dma_wait3A_113 : memref<128x128xf32, #tpu.memory_space<vmem>>)
    %scan3A_120 = arith.constant 0 : i32
    %scan3A_121 = arith.constant 0 : i32
    %scan3A_122 = arith.constant 128 : i32
    %scan3A_123 = arith.addi %scan3A_121, %scan3A_122 : i32
    %scan3A_124 = arith.constant 1 : i32
    scf.for %scan3A_520 = %scan3A_121 to %scan3A_123 step %scan3A_124  : i32 {
      %get3A = arith.constant 1 : i32
      %get3A_521 = arith.index_cast %get3A : i32 to index
      %get3A_522 = arith.index_cast %scan3A_520 : i32 to index
      %get3A_523 = arith.constant 0 : index
      %get3A_524 = tpu.vector_load %arg7[%get3A_521, %get3A_522, %get3A_523] {strides = array<i32>} : memref<3x128x128xf32, #tpu.memory_space<vmem>>, vector<1x1x16xf32>,
      %get3A_525 = vector.shape_cast %get3A_524 : vector<1x1x16xf32> to vector<16xf32>
      %mul3A_526 = arith.constant 11.3137083 : f32
      %mul3A_527 = vector.broadcast %mul3A_526 : f32 to vector<16xf32>
      %mul3A_528 = arith.mulf %get3A_525, %mul3A_527 : vector<16xf32>
      %add3A_529 = arith.constant 128 : i32
      %add3A_530 = arith.addi %add3A_529, %scan3A_520 : i32
      %get3A_531 = arith.index_cast %add3A_530 : i32 to index
      %get3A_532 = arith.constant 0 : index
      %get3A_533 = tpu.vector_load %arg8[%get3A_531, %get3A_532] {strides = array<i32>} : memref<256x128xf32, #tpu.memory_space<vmem>>, vector<1x16xf32>,
      %get3A_534 = vector.shape_cast %get3A_533 : vector<1x16xf32> to vector<16xf32>
      %add3A_535 = arith.addf %mul3A_528, %get3A_534 : vector<16xf32>
      %swap3A = arith.constant 1 : i32
      %swap3A_536 = arith.index_cast %swap3A : i32 to index
      %swap3A_537 = arith.index_cast %scan3A_520 : i32 to index
      %swap3A_538 = arith.constant 0 : index
      %swap3A_539 = tpu.vector_load %arg7[%swap3A_536, %swap3A_537, %swap3A_538] {strides = array<i32>} : memref<3x128x128xf32, #tpu.memory_space<vmem>>, vector<1x1x16xf32>,
      %swap3A_540 = vector.shape_cast %swap3A_539 : vector<1x1x16xf32> to vector<16xf32>
      %swap3A_541 = vector.shape_cast %add3A_535 : vector<16xf32> to vector<1x1x16xf32>
      tpu.vector_store %arg7[%swap3A_536, %swap3A_537, %swap3A_538], %swap3A_541 {strides = array<i32>} : memref<3x128x128xf32, #tpu.memory_space<vmem>>, vector<1x1x16xf32>,
      %get3A_542 = arith.constant 1 : i32
      %get3A_543 = arith.index_cast %get3A_542 : i32 to index
      %get3A_544 = arith.index_cast %scan3A_520 : i32 to index
      %get3A_545 = arith.constant 16 : index
      %get3A_546 = tpu.vector_load %arg7[%get3A_543, %get3A_544, %get3A_545] {strides = array<i32>} : memref<3x128x128xf32, #tpu.memory_space<vmem>>, vector<1x1x16xf32>,
      %get3A_547 = vector.shape_cast %get3A_546 : vector<1x1x16xf32> to vector<16xf32>
      %mul3A_548 = arith.constant 11.3137083 : f32
      %mul3A_549 = vector.broadcast %mul3A_548 : f32 to vector<16xf32>
      %mul3A_550 = arith.mulf %get3A_547, %mul3A_549 : vector<16xf32>
      %add3A_551 = arith.constant 128 : i32
      %add3A_552 = arith.addi %add3A_551, %scan3A_520 : i32
      %get3A_553 = arith.index_cast %add3A_552 : i32 to index
      %get3A_554 = arith.constant 16 : index
      %get3A_555 = tpu.vector_load %arg8[%get3A_553, %get3A_554] {strides = array<i32>} : memref<256x128xf32, #tpu.memory_space<vmem>>, vector<1x16xf32>,
      %get3A_556 = vector.shape_cast %get3A_555 : vector<1x16xf32> to vector<16xf32>
      %add3A_557 = arith.addf %mul3A_550, %get3A_556 : vector<16xf32>
      %swap3A_558 = arith.constant 1 : i32
      %swap3A_559 = arith.index_cast %swap3A_558 : i32 to index
      %swap3A_560 = arith.index_cast %scan3A_520 : i32 to index
      %swap3A_561 = arith.constant 16 : index
      %swap3A_562 = tpu.vector_load %arg7[%swap3A_559, %swap3A_560, %swap3A_561] {strides = array<i32>} : memref<3x128x128xf32, #tpu.memory_space<vmem>>, vector<1x1x16xf32>,
      %swap3A_563 = vector.shape_cast %swap3A_562 : vector<1x1x16xf32> to vector<16xf32>
      %swap3A_564 = vector.shape_cast %add3A_557 : vector<16xf32> to vector<1x1x16xf32>
      tpu.vector_store %arg7[%swap3A_559, %swap3A_560, %swap3A_561], %swap3A_564 {strides = array<i32>} : memref<3x128x128xf32, #tpu.memory_space<vmem>>, vector<1x1x16xf32>,
      %get3A_565 = arith.constant 1 : i32
      %get3A_566 = arith.index_cast %get3A_565 : i32 to index
      %get3A_567 = arith.index_cast %scan3A_520 : i32 to index
      %get3A_568 = arith.constant 32 : index
      %get3A_569 = tpu.vector_load %arg7[%get3A_566, %get3A_567, %get3A_568] {strides = array<i32>} : memref<3x128x128xf32, #tpu.memory_space<vmem>>, vector<1x1x16xf32>,
      %get3A_570 = vector.shape_cast %get3A_569 : vector<1x1x16xf32> to vector<16xf32>
      %mul3A_571 = arith.constant 11.3137083 : f32
      %mul3A_572 = vector.broadcast %mul3A_571 : f32 to vector<16xf32>
      %mul3A_573 = arith.mulf %get3A_570, %mul3A_572 : vector<16xf32>
      %add3A_574 = arith.constant 128 : i32
      %add3A_575 = arith.addi %add3A_574, %scan3A_520 : i32
      %get3A_576 = arith.index_cast %add3A_575 : i32 to index
      %get3A_577 = arith.constant 32 : index
      %get3A_578 = tpu.vector_load %arg8[%get3A_576, %get3A_577] {strides = array<i32>} : memref<256x128xf32, #tpu.memory_space<vmem>>, vector<1x16xf32>,
      %get3A_579 = vector.shape_cast %get3A_578 : vector<1x16xf32> to vector<16xf32>
      %add3A_580 = arith.addf %mul3A_573, %get3A_579 : vector<16xf32>
      %swap3A_581 = arith.constant 1 : i32
      %swap3A_582 = arith.index_cast %swap3A_581 : i32 to index
      %swap3A_583 = arith.index_cast %scan3A_520 : i32 to index
      %swap3A_584 = arith.constant 32 : index
      %swap3A_585 = tpu.vector_load %arg7[%swap3A_582, %swap3A_583, %swap3A_584] {strides = array<i32>} : memref<3x128x128xf32, #tpu.memory_space<vmem>>, vector<1x1x16xf32>,
      %swap3A_586 = vector.shape_cast %swap3A_585 : vector<1x1x16xf32> to vector<16xf32>
      %swap3A_587 = vector.shape_cast %add3A_580 : vector<16xf32> to vector<1x1x16xf32>
      tpu.vector_store %arg7[%swap3A_582, %swap3A_583, %swap3A_584], %swap3A_587 {strides = array<i32>} : memref<3x128x128xf32, #tpu.memory_space<vmem>>, vector<1x1x16xf32>,
      %get3A_588 = arith.constant 1 : i32
      %get3A_589 = arith.index_cast %get3A_588 : i32 to index
      %get3A_590 = arith.index_cast %scan3A_520 : i32 to index
      %get3A_591 = arith.constant 48 : index
      %get3A_592 = tpu.vector_load %arg7[%get3A_589, %get3A_590, %get3A_591] {strides = array<i32>} : memref<3x128x128xf32, #tpu.memory_space<vmem>>, vector<1x1x16xf32>,
      %get3A_593 = vector.shape_cast %get3A_592 : vector<1x1x16xf32> to vector<16xf32>
      %mul3A_594 = arith.constant 11.3137083 : f32
      %mul3A_595 = vector.broadcast %mul3A_594 : f32 to vector<16xf32>
      %mul3A_596 = arith.mulf %get3A_593, %mul3A_595 : vector<16xf32>
      %add3A_597 = arith.constant 128 : i32
      %add3A_598 = arith.addi %add3A_597, %scan3A_520 : i32
      %get3A_599 = arith.index_cast %add3A_598 : i32 to index
      %get3A_600 = arith.constant 48 : index
      %get3A_601 = tpu.vector_load %arg8[%get3A_599, %get3A_600] {strides = array<i32>} : memref<256x128xf32, #tpu.memory_space<vmem>>, vector<1x16xf32>,
      %get3A_602 = vector.shape_cast %get3A_601 : vector<1x16xf32> to vector<16xf32>
      %add3A_603 = arith.addf %mul3A_596, %get3A_602 : vector<16xf32>
      %swap3A_604 = arith.constant 1 : i32
      %swap3A_605 = arith.index_cast %swap3A_604 : i32 to index
      %swap3A_606 = arith.index_cast %scan3A_520 : i32 to index
      %swap3A_607 = arith.constant 48 : index
      %swap3A_608 = tpu.vector_load %arg7[%swap3A_605, %swap3A_606, %swap3A_607] {strides = array<i32>} : memref<3x128x128xf32, #tpu.memory_space<vmem>>, vector<1x1x16xf32>,
      %swap3A_609 = vector.shape_cast %swap3A_608 : vector<1x1x16xf32> to vector<16xf32>
      %swap3A_610 = vector.shape_cast %add3A_603 : vector<16xf32> to vector<1x1x16xf32>
      tpu.vector_store %arg7[%swap3A_605, %swap3A_606, %swap3A_607], %swap3A_610 {strides = array<i32>} : memref<3x128x128xf32, #tpu.memory_space<vmem>>, vector<1x1x16xf32>,
      %get3A_611 = arith.constant 1 : i32
      %get3A_612 = arith.index_cast %get3A_611 : i32 to index
      %get3A_613 = arith.index_cast %scan3A_520 : i32 to index
      %get3A_614 = arith.constant 64 : index
      %get3A_615 = tpu.vector_load %arg7[%get3A_612, %get3A_613, %get3A_614] {strides = array<i32>} : memref<3x128x128xf32, #tpu.memory_space<vmem>>, vector<1x1x16xf32>,
      %get3A_616 = vector.shape_cast %get3A_615 : vector<1x1x16xf32> to vector<16xf32>
      %mul3A_617 = arith.constant 11.3137083 : f32
      %mul3A_618 = vector.broadcast %mul3A_617 : f32 to vector<16xf32>
      %mul3A_619 = arith.mulf %get3A_616, %mul3A_618 : vector<16xf32>
      %add3A_620 = arith.constant 128 : i32
      %add3A_621 = arith.addi %add3A_620, %scan3A_520 : i32
      %get3A_622 = arith.index_cast %add3A_621 : i32 to index
      %get3A_623 = arith.constant 64 : index
      %get3A_624 = tpu.vector_load %arg8[%get3A_622, %get3A_623] {strides = array<i32>} : memref<256x128xf32, #tpu.memory_space<vmem>>, vector<1x16xf32>,
      %get3A_625 = vector.shape_cast %get3A_624 : vector<1x16xf32> to vector<16xf32>
      %add3A_626 = arith.addf %mul3A_619, %get3A_625 : vector<16xf32>
      %swap3A_627 = arith.constant 1 : i32
      %swap3A_628 = arith.index_cast %swap3A_627 : i32 to index
      %swap3A_629 = arith.index_cast %scan3A_520 : i32 to index
      %swap3A_630 = arith.constant 64 : index
      %swap3A_631 = tpu.vector_load %arg7[%swap3A_628, %swap3A_629, %swap3A_630] {strides = array<i32>} : memref<3x128x128xf32, #tpu.memory_space<vmem>>, vector<1x1x16xf32>,
      %swap3A_632 = vector.shape_cast %swap3A_631 : vector<1x1x16xf32> to vector<16xf32>
      %swap3A_633 = vector.shape_cast %add3A_626 : vector<16xf32> to vector<1x1x16xf32>
      tpu.vector_store %arg7[%swap3A_628, %swap3A_629, %swap3A_630], %swap3A_633 {strides = array<i32>} : memref<3x128x128xf32, #tpu.memory_space<vmem>>, vector<1x1x16xf32>,
      %get3A_634 = arith.constant 1 : i32
      %get3A_635 = arith.index_cast %get3A_634 : i32 to index
      %get3A_636 = arith.index_cast %scan3A_520 : i32 to index
      %get3A_637 = arith.constant 80 : index
      %get3A_638 = tpu.vector_load %arg7[%get3A_635, %get3A_636, %get3A_637] {strides = array<i32>} : memref<3x128x128xf32, #tpu.memory_space<vmem>>, vector<1x1x16xf32>,
      %get3A_639 = vector.shape_cast %get3A_638 : vector<1x1x16xf32> to vector<16xf32>
      %mul3A_640 = arith.constant 11.3137083 : f32
      %mul3A_641 = vector.broadcast %mul3A_640 : f32 to vector<16xf32>
      %mul3A_642 = arith.mulf %get3A_639, %mul3A_641 : vector<16xf32>
      %add3A_643 = arith.constant 128 : i32
      %add3A_644 = arith.addi %add3A_643, %scan3A_520 : i32
      %get3A_645 = arith.index_cast %add3A_644 : i32 to index
      %get3A_646 = arith.constant 80 : index
      %get3A_647 = tpu.vector_load %arg8[%get3A_645, %get3A_646] {strides = array<i32>} : memref<256x128xf32, #tpu.memory_space<vmem>>, vector<1x16xf32>,
      %get3A_648 = vector.shape_cast %get3A_647 : vector<1x16xf32> to vector<16xf32>
      %add3A_649 = arith.addf %mul3A_642, %get3A_648 : vector<16xf32>
      %swap3A_650 = arith.constant 1 : i32
      %swap3A_651 = arith.index_cast %swap3A_650 : i32 to index
      %swap3A_652 = arith.index_cast %scan3A_520 : i32 to index
      %swap3A_653 = arith.constant 80 : index
      %swap3A_654 = tpu.vector_load %arg7[%swap3A_651, %swap3A_652, %swap3A_653] {strides = array<i32>} : memref<3x128x128xf32, #tpu.memory_space<vmem>>, vector<1x1x16xf32>,
      %swap3A_655 = vector.shape_cast %swap3A_654 : vector<1x1x16xf32> to vector<16xf32>
      %swap3A_656 = vector.shape_cast %add3A_649 : vector<16xf32> to vector<1x1x16xf32>
      tpu.vector_store %arg7[%swap3A_651, %swap3A_652, %swap3A_653], %swap3A_656 {strides = array<i32>} : memref<3x128x128xf32, #tpu.memory_space<vmem>>, vector<1x1x16xf32>,
      %get3A_657 = arith.constant 1 : i32
      %get3A_658 = arith.index_cast %get3A_657 : i32 to index
      %get3A_659 = arith.index_cast %scan3A_520 : i32 to index
      %get3A_660 = arith.constant 96 : index
      %get3A_661 = tpu.vector_load %arg7[%get3A_658, %get3A_659, %get3A_660] {strides = array<i32>} : memref<3x128x128xf32, #tpu.memory_space<vmem>>, vector<1x1x16xf32>,
      %get3A_662 = vector.shape_cast %get3A_661 : vector<1x1x16xf32> to vector<16xf32>
      %mul3A_663 = arith.constant 11.3137083 : f32
      %mul3A_664 = vector.broadcast %mul3A_663 : f32 to vector<16xf32>
      %mul3A_665 = arith.mulf %get3A_662, %mul3A_664 : vector<16xf32>
      %add3A_666 = arith.constant 128 : i32
      %add3A_667 = arith.addi %add3A_666, %scan3A_520 : i32
      %get3A_668 = arith.index_cast %add3A_667 : i32 to index
      %get3A_669 = arith.constant 96 : index
      %get3A_670 = tpu.vector_load %arg8[%get3A_668, %get3A_669] {strides = array<i32>} : memref<256x128xf32, #tpu.memory_space<vmem>>, vector<1x16xf32>,
      %get3A_671 = vector.shape_cast %get3A_670 : vector<1x16xf32> to vector<16xf32>
      %add3A_672 = arith.addf %mul3A_665, %get3A_671 : vector<16xf32>
      %swap3A_673 = arith.constant 1 : i32
      %swap3A_674 = arith.index_cast %swap3A_673 : i32 to index
      %swap3A_675 = arith.index_cast %scan3A_520 : i32 to index
      %swap3A_676 = arith.constant 96 : index
      %swap3A_677 = tpu.vector_load %arg7[%swap3A_674, %swap3A_675, %swap3A_676] {strides = array<i32>} : memref<3x128x128xf32, #tpu.memory_space<vmem>>, vector<1x1x16xf32>,
      %swap3A_678 = vector.shape_cast %swap3A_677 : vector<1x1x16xf32> to vector<16xf32>
      %swap3A_679 = vector.shape_cast %add3A_672 : vector<16xf32> to vector<1x1x16xf32>
      tpu.vector_store %arg7[%swap3A_674, %swap3A_675, %swap3A_676], %swap3A_679 {strides = array<i32>} : memref<3x128x128xf32, #tpu.memory_space<vmem>>, vector<1x1x16xf32>,
      %get3A_680 = arith.constant 1 : i32
      %get3A_681 = arith.index_cast %get3A_680 : i32 to index
      %get3A_682 = arith.index_cast %scan3A_520 : i32 to index
      %get3A_683 = arith.constant 112 : index
      %get3A_684 = tpu.vector_load %arg7[%get3A_681, %get3A_682, %get3A_683] {strides = array<i32>} : memref<3x128x128xf32, #tpu.memory_space<vmem>>, vector<1x1x16xf32>,
      %get3A_685 = vector.shape_cast %get3A_684 : vector<1x1x16xf32> to vector<16xf32>
      %mul3A_686 = arith.constant 11.3137083 : f32
      %mul3A_687 = vector.broadcast %mul3A_686 : f32 to vector<16xf32>
      %mul3A_688 = arith.mulf %get3A_685, %mul3A_687 : vector<16xf32>
      %add3A_689 = arith.constant 128 : i32
      %add3A_690 = arith.addi %add3A_689, %scan3A_520 : i32
      %get3A_691 = arith.index_cast %add3A_690 : i32 to index
      %get3A_692 = arith.constant 112 : index
      %get3A_693 = tpu.vector_load %arg8[%get3A_691, %get3A_692] {strides = array<i32>} : memref<256x128xf32, #tpu.memory_space<vmem>>, vector<1x16xf32>,
      %get3A_694 = vector.shape_cast %get3A_693 : vector<1x16xf32> to vector<16xf32>
      %add3A_695 = arith.addf %mul3A_688, %get3A_694 : vector<16xf32>
      %swap3A_696 = arith.constant 1 : i32
      %swap3A_697 = arith.index_cast %swap3A_696 : i32 to index
      %swap3A_698 = arith.index_cast %scan3A_520 : i32 to index
      %swap3A_699 = arith.constant 112 : index
      %swap3A_700 = tpu.vector_load %arg7[%swap3A_697, %swap3A_698, %swap3A_699] {strides = array<i32>} : memref<3x128x128xf32, #tpu.memory_space<vmem>>, vector<1x1x16xf32>,
      %swap3A_701 = vector.shape_cast %swap3A_700 : vector<1x1x16xf32> to vector<16xf32>
      %swap3A_702 = vector.shape_cast %add3A_695 : vector<16xf32> to vector<1x1x16xf32>
      tpu.vector_store %arg7[%swap3A_697, %swap3A_698, %swap3A_699], %swap3A_702 {strides = array<i32>} : memref<3x128x128xf32, #tpu.memory_space<vmem>>, vector<1x1x16xf32>,
    }
    %scan3A_125 = arith.constant 128 : i32
    %add3A_126 = arith.constant 128 : i32
    %add3A_127 = arith.addi %mul3A_2, %add3A_126 : i32
    %dma_start3A_128 = arith.constant 1 : i32
    %dma_start3A_129 = arith.constant 0 : i32
    %dma_start3A_130 = arith.constant 0 : i32
    %dma_start3A_131 = arith.constant 0 : i32
    %dma_start3A_132 = tpu.memref_slice %arg7[%dma_start3A_128, %dma_start3A_130, %dma_start3A_131] : memref<3x128x128xf32, #tpu.memory_space<vmem>> -> memref<1x128x128xf32, #tpu.memory_space<vmem>>
    %dma_start3A_133 = tpu.memref_squeeze %dma_start3A_132 : memref<1x128x128xf32, #tpu.memory_space<vmem>> -> memref<128x128xf32, #tpu.memory_space<vmem>>
    %dma_start3A_134 = arith.constant 0 : i32
    %dma_start3A_135 = tpu.memref_slice %arg5[%dma_start3A_129, %add3A_127, %dma_start3A_134] : memref<4x8192x128xf32, #tpu.memory_space<hbm>> -> memref<1x128x128xf32, #tpu.memory_space<hbm>>
    %dma_start3A_136 = tpu.memref_squeeze %dma_start3A_135 : memref<1x128x128xf32, #tpu.memory_space<hbm>> -> memref<128x128xf32, #tpu.memory_space<hbm>>
    %dma_start3A_137 = arith.constant 0 : i32
    %dma_start3A_138 = tpu.memref_slice %arg5[%dma_start3A_129, %add3A_127, %dma_start3A_137] : memref<4x8192x128xf32, #tpu.memory_space<hbm>> -> memref<1x128x128xf32, #tpu.memory_space<hbm>>
    %dma_start3A_139 = tpu.memref_squeeze %dma_start3A_138 : memref<1x128x128xf32, #tpu.memory_space<hbm>> -> memref<128x128xf32, #tpu.memory_space<hbm>>
    %dma_start3A_140 = arith.constant 0 : i32
    %dma_start3A_141 = arith.constant 0 : i32
    %dma_start3A_142 = tpu.memref_slice %arg7[%dma_start3A_128, %dma_start3A_140, %dma_start3A_141] : memref<3x128x128xf32, #tpu.memory_space<vmem>> -> memref<1x128x128xf32, #tpu.memory_space<vmem>>
    %dma_start3A_143 = tpu.memref_squeeze %dma_start3A_142 : memref<1x128x128xf32, #tpu.memory_space<vmem>> -> memref<128x128xf32, #tpu.memory_space<vmem>>
    tpu.enqueue_dma source(%dma_start3A_143 : memref<128x128xf32, #tpu.memory_space<vmem>>) target(%dma_start3A_139 : memref<128x128xf32, #tpu.memory_space<hbm>>) target_semaphore(%arg13 : memref<!tpu.dma_semaphore, #tpu.memory_space<semaphore_mem>>)
    %dma_wait3A_144 = arith.constant 1 : i32
    %dma_wait3A_145 = arith.constant 0 : i32
    %dma_wait3A_146 = arith.constant 0 : i32
    %dma_wait3A_147 = arith.constant 0 : i32
    %dma_wait3A_148 = tpu.memref_slice %arg7[%dma_wait3A_144, %dma_wait3A_146, %dma_wait3A_147] : memref<3x128x128xf32, #tpu.memory_space<vmem>> -> memref<1x128x128xf32, #tpu.memory_space<vmem>>
    %dma_wait3A_149 = tpu.memref_squeeze %dma_wait3A_148 : memref<1x128x128xf32, #tpu.memory_space<vmem>> -> memref<128x128xf32, #tpu.memory_space<vmem>>
    %dma_wait3A_150 = arith.constant 0 : i32
    %dma_wait3A_151 = tpu.memref_slice %arg5[%dma_wait3A_145, %add3A_127, %dma_wait3A_150] : memref<4x8192x128xf32, #tpu.memory_space<hbm>> -> memref<1x128x128xf32, #tpu.memory_space<hbm>>
    %dma_wait3A_152 = tpu.memref_squeeze %dma_wait3A_151 : memref<1x128x128xf32, #tpu.memory_space<hbm>> -> memref<128x128xf32, #tpu.memory_space<hbm>>
    %dma_wait3A_153 = arith.constant 0 : i32
    %dma_wait3A_154 = tpu.memref_slice %arg5[%dma_wait3A_145, %add3A_127, %dma_wait3A_153] : memref<4x8192x128xf32, #tpu.memory_space<hbm>> -> memref<1x128x128xf32, #tpu.memory_space<hbm>>
    %dma_wait3A_155 = tpu.memref_squeeze %dma_wait3A_154 : memref<1x128x128xf32, #tpu.memory_space<hbm>> -> memref<128x128xf32, #tpu.memory_space<hbm>>
    %dma_wait3A_156 = arith.constant 0 : i32
    %dma_wait3A_157 = arith.constant 0 : i32
    %dma_wait3A_158 = tpu.memref_slice %arg7[%dma_wait3A_144, %dma_wait3A_156, %dma_wait3A_157] : memref<3x128x128xf32, #tpu.memory_space<vmem>> -> memref<1x128x128xf32, #tpu.memory_space<vmem>>
    %dma_wait3A_159 = tpu.memref_squeeze %dma_wait3A_158 : memref<1x128x128xf32, #tpu.memory_space<vmem>> -> memref<128x128xf32, #tpu.memory_space<vmem>>
    tpu.wait_dma2 semaphore(%arg13 : memref<!tpu.dma_semaphore, #tpu.memory_space<semaphore_mem>>) src(%dma_wait3A_159 : memref<128x128xf32, #tpu.memory_space<vmem>>) dst(%dma_wait3A_155 : memref<128x128xf32, #tpu.memory_space<hbm>>)
    %dma_start3A_160 = arith.constant 2 : i32
    %dma_start3A_161 = arith.constant 1 : i32
    %dma_start3A_162 = arith.constant 0 : i32
    %dma_start3A_163 = arith.constant 0 : i32
    %dma_start3A_164 = tpu.memref_slice %arg7[%dma_start3A_161, %dma_start3A_162, %dma_start3A_163] : memref<3x128x128xf32, #tpu.memory_space<vmem>> -> memref<1x128x128xf32, #tpu.memory_space<vmem>>
    %dma_start3A_165 = tpu.memref_squeeze %dma_start3A_164 : memref<1x128x128xf32, #tpu.memory_space<vmem>> -> memref<128x128xf32, #tpu.memory_space<vmem>>
    %dma_start3A_166 = arith.constant 0 : i32
    %dma_start3A_167 = tpu.memref_slice %arg6[%dma_start3A_160, %dma_start3A_166] : memref<4x256xi32, #tpu.memory_space<vmem>> -> memref<1x128xi32, #tpu.memory_space<vmem>>
    %dma_start3A_168 = tpu.memref_squeeze %dma_start3A_167 : memref<1x128xi32, #tpu.memory_space<vmem>> -> memref<128xi32, #tpu.memory_space<vmem>>
    %dma_start3A_169 = arith.constant 0 : i32
    %dma_start3A_170 = arith.constant 0 : i32
    %dma_start3A_171 = tpu.memref_slice %arg2[%dma_start3A_169, %dma_start3A_170] : memref<1000000x128xf32, #tpu.memory_space<hbm>> -> memref<1000000x128xf32, #tpu.memory_space<hbm>>
    tpu.enqueue_indirect_dma source(%dma_start3A_171 : memref<1000000x128xf32, #tpu.memory_space<hbm>>) target(%dma_start3A_165 : memref<128x128xf32, #tpu.memory_space<vmem>>) offsets(%dma_start3A_168 : memref<128xi32, #tpu.memory_space<vmem>>) semaphore(%arg10 : memref<!tpu.dma_semaphore, #tpu.memory_space<semaphore_mem>>)
    %dma_wait3A_172 = arith.constant 1 : i32
    %dma_wait3A_173 = arith.constant 2 : i32
    %dma_wait3A_174 = arith.constant 0 : i32
    %dma_wait3A_175 = arith.constant 0 : i32
    %dma_wait3A_176 = tpu.memref_slice %arg7[%dma_wait3A_173, %dma_wait3A_174, %dma_wait3A_175] : memref<3x128x128xf32, #tpu.memory_space<vmem>> -> memref<1x128x128xf32, #tpu.memory_space<vmem>>
    %dma_wait3A_177 = tpu.memref_squeeze %dma_wait3A_176 : memref<1x128x128xf32, #tpu.memory_space<vmem>> -> memref<128x128xf32, #tpu.memory_space<vmem>>
    %dma_wait3A_178 = arith.constant 0 : i32
    %dma_wait3A_179 = tpu.memref_slice %arg6[%dma_wait3A_172, %dma_wait3A_178] : memref<4x256xi32, #tpu.memory_space<vmem>> -> memref<1x128xi32, #tpu.memory_space<vmem>>
    %dma_wait3A_180 = tpu.memref_squeeze %dma_wait3A_179 : memref<1x128xi32, #tpu.memory_space<vmem>> -> memref<128xi32, #tpu.memory_space<vmem>>
    %dma_wait3A_181 = arith.constant 0 : i32
    %dma_wait3A_182 = arith.constant 0 : i32
    %dma_wait3A_183 = tpu.memref_slice %arg2[%dma_wait3A_181, %dma_wait3A_182] : memref<1000000x128xf32, #tpu.memory_space<hbm>> -> memref<1000000x128xf32, #tpu.memory_space<hbm>>
    tpu.wait_indirect_dma semaphore(%arg11 : memref<!tpu.dma_semaphore, #tpu.memory_space<semaphore_mem>>) src(%dma_wait3A_183 : memref<1000000x128xf32, #tpu.memory_space<hbm>>) dst(%dma_wait3A_177 : memref<128x128xf32, #tpu.memory_space<vmem>>)
    %scan3A_184 = arith.constant 0 : i32
    %scan3A_185 = arith.constant 0 : i32
    %scan3A_186 = arith.constant 128 : i32
    %scan3A_187 = arith.addi %scan3A_185, %scan3A_186 : i32
    %scan3A_188 = arith.constant 1 : i32
    scf.for %scan3A_520 = %scan3A_185 to %scan3A_187 step %scan3A_188  : i32 {
      %get3A = arith.constant 2 : i32
      %get3A_521 = arith.index_cast %get3A : i32 to index
      %get3A_522 = arith.index_cast %scan3A_520 : i32 to index
      %get3A_523 = arith.constant 0 : index
      %get3A_524 = tpu.vector_load %arg7[%get3A_521, %get3A_522, %get3A_523] {strides = array<i32>} : memref<3x128x128xf32, #tpu.memory_space<vmem>>, vector<1x1x16xf32>,
      %get3A_525 = vector.shape_cast %get3A_524 : vector<1x1x16xf32> to vector<16xf32>
      %mul3A_526 = arith.constant 11.3137083 : f32
      %mul3A_527 = vector.broadcast %mul3A_526 : f32 to vector<16xf32>
      %mul3A_528 = arith.mulf %get3A_525, %mul3A_527 : vector<16xf32>
      %add3A_529 = arith.constant 0 : i32
      %add3A_530 = arith.addi %add3A_529, %scan3A_520 : i32
      %get3A_531 = arith.index_cast %add3A_530 : i32 to index
      %get3A_532 = arith.constant 0 : index
      %get3A_533 = tpu.vector_load %arg8[%get3A_531, %get3A_532] {strides = array<i32>} : memref<256x128xf32, #tpu.memory_space<vmem>>, vector<1x16xf32>,
      %get3A_534 = vector.shape_cast %get3A_533 : vector<1x16xf32> to vector<16xf32>
      %add3A_535 = arith.addf %mul3A_528, %get3A_534 : vector<16xf32>
      %swap3A = arith.constant 2 : i32
      %swap3A_536 = arith.index_cast %swap3A : i32 to index
      %swap3A_537 = arith.index_cast %scan3A_520 : i32 to index
      %swap3A_538 = arith.constant 0 : index
      %swap3A_539 = tpu.vector_load %arg7[%swap3A_536, %swap3A_537, %swap3A_538] {strides = array<i32>} : memref<3x128x128xf32, #tpu.memory_space<vmem>>, vector<1x1x16xf32>,
      %swap3A_540 = vector.shape_cast %swap3A_539 : vector<1x1x16xf32> to vector<16xf32>
      %swap3A_541 = vector.shape_cast %add3A_535 : vector<16xf32> to vector<1x1x16xf32>
      tpu.vector_store %arg7[%swap3A_536, %swap3A_537, %swap3A_538], %swap3A_541 {strides = array<i32>} : memref<3x128x128xf32, #tpu.memory_space<vmem>>, vector<1x1x16xf32>,
      %get3A_542 = arith.constant 2 : i32
      %get3A_543 = arith.index_cast %get3A_542 : i32 to index
      %get3A_544 = arith.index_cast %scan3A_520 : i32 to index
      %get3A_545 = arith.constant 16 : index
      %get3A_546 = tpu.vector_load %arg7[%get3A_543, %get3A_544, %get3A_545] {strides = array<i32>} : memref<3x128x128xf32, #tpu.memory_space<vmem>>, vector<1x1x16xf32>,
      %get3A_547 = vector.shape_cast %get3A_546 : vector<1x1x16xf32> to vector<16xf32>
      %mul3A_548 = arith.constant 11.3137083 : f32
      %mul3A_549 = vector.broadcast %mul3A_548 : f32 to vector<16xf32>
      %mul3A_550 = arith.mulf %get3A_547, %mul3A_549 : vector<16xf32>
      %add3A_551 = arith.constant 0 : i32
      %add3A_552 = arith.addi %add3A_551, %scan3A_520 : i32
      %get3A_553 = arith.index_cast %add3A_552 : i32 to index
      %get3A_554 = arith.constant 16 : index
      %get3A_555 = tpu.vector_load %arg8[%get3A_553, %get3A_554] {strides = array<i32>} : memref<256x128xf32, #tpu.memory_space<vmem>>, vector<1x16xf32>,
      %get3A_556 = vector.shape_cast %get3A_555 : vector<1x16xf32> to vector<16xf32>
      %add3A_557 = arith.addf %mul3A_550, %get3A_556 : vector<16xf32>
      %swap3A_558 = arith.constant 2 : i32
      %swap3A_559 = arith.index_cast %swap3A_558 : i32 to index
      %swap3A_560 = arith.index_cast %scan3A_520 : i32 to index
      %swap3A_561 = arith.constant 16 : index
      %swap3A_562 = tpu.vector_load %arg7[%swap3A_559, %swap3A_560, %swap3A_561] {strides = array<i32>} : memref<3x128x128xf32, #tpu.memory_space<vmem>>, vector<1x1x16xf32>,
      %swap3A_563 = vector.shape_cast %swap3A_562 : vector<1x1x16xf32> to vector<16xf32>
      %swap3A_564 = vector.shape_cast %add3A_557 : vector<16xf32> to vector<1x1x16xf32>
      tpu.vector_store %arg7[%swap3A_559, %swap3A_560, %swap3A_561], %swap3A_564 {strides = array<i32>} : memref<3x128x128xf32, #tpu.memory_space<vmem>>, vector<1x1x16xf32>,
      %get3A_565 = arith.constant 2 : i32
      %get3A_566 = arith.index_cast %get3A_565 : i32 to index
      %get3A_567 = arith.index_cast %scan3A_520 : i32 to index
      %get3A_568 = arith.constant 32 : index
      %get3A_569 = tpu.vector_load %arg7[%get3A_566, %get3A_567, %get3A_568] {strides = array<i32>} : memref<3x128x128xf32, #tpu.memory_space<vmem>>, vector<1x1x16xf32>,
      %get3A_570 = vector.shape_cast %get3A_569 : vector<1x1x16xf32> to vector<16xf32>
      %mul3A_571 = arith.constant 11.3137083 : f32
      %mul3A_572 = vector.broadcast %mul3A_571 : f32 to vector<16xf32>
      %mul3A_573 = arith.mulf %get3A_570, %mul3A_572 : vector<16xf32>
      %add3A_574 = arith.constant 0 : i32
      %add3A_575 = arith.addi %add3A_574, %scan3A_520 : i32
      %get3A_576 = arith.index_cast %add3A_575 : i32 to index
      %get3A_577 = arith.constant 32 : index
      %get3A_578 = tpu.vector_load %arg8[%get3A_576, %get3A_577] {strides = array<i32>} : memref<256x128xf32, #tpu.memory_space<vmem>>, vector<1x16xf32>,
      %get3A_579 = vector.shape_cast %get3A_578 : vector<1x16xf32> to vector<16xf32>
      %add3A_580 = arith.addf %mul3A_573, %get3A_579 : vector<16xf32>
      %swap3A_581 = arith.constant 2 : i32
      %swap3A_582 = arith.index_cast %swap3A_581 : i32 to index
      %swap3A_583 = arith.index_cast %scan3A_520 : i32 to index
      %swap3A_584 = arith.constant 32 : index
      %swap3A_585 = tpu.vector_load %arg7[%swap3A_582, %swap3A_583, %swap3A_584] {strides = array<i32>} : memref<3x128x128xf32, #tpu.memory_space<vmem>>, vector<1x1x16xf32>,
      %swap3A_586 = vector.shape_cast %swap3A_585 : vector<1x1x16xf32> to vector<16xf32>
      %swap3A_587 = vector.shape_cast %add3A_580 : vector<16xf32> to vector<1x1x16xf32>
      tpu.vector_store %arg7[%swap3A_582, %swap3A_583, %swap3A_584], %swap3A_587 {strides = array<i32>} : memref<3x128x128xf32, #tpu.memory_space<vmem>>, vector<1x1x16xf32>,
      %get3A_588 = arith.constant 2 : i32
      %get3A_589 = arith.index_cast %get3A_588 : i32 to index
      %get3A_590 = arith.index_cast %scan3A_520 : i32 to index
      %get3A_591 = arith.constant 48 : index
      %get3A_592 = tpu.vector_load %arg7[%get3A_589, %get3A_590, %get3A_591] {strides = array<i32>} : memref<3x128x128xf32, #tpu.memory_space<vmem>>, vector<1x1x16xf32>,
      %get3A_593 = vector.shape_cast %get3A_592 : vector<1x1x16xf32> to vector<16xf32>
      %mul3A_594 = arith.constant 11.3137083 : f32
      %mul3A_595 = vector.broadcast %mul3A_594 : f32 to vector<16xf32>
      %mul3A_596 = arith.mulf %get3A_593, %mul3A_595 : vector<16xf32>
      %add3A_597 = arith.constant 0 : i32
      %add3A_598 = arith.addi %add3A_597, %scan3A_520 : i32
      %get3A_599 = arith.index_cast %add3A_598 : i32 to index
      %get3A_600 = arith.constant 48 : index
      %get3A_601 = tpu.vector_load %arg8[%get3A_599, %get3A_600] {strides = array<i32>} : memref<256x128xf32, #tpu.memory_space<vmem>>, vector<1x16xf32>,
      %get3A_602 = vector.shape_cast %get3A_601 : vector<1x16xf32> to vector<16xf32>
      %add3A_603 = arith.addf %mul3A_596, %get3A_602 : vector<16xf32>
      %swap3A_604 = arith.constant 2 : i32
      %swap3A_605 = arith.index_cast %swap3A_604 : i32 to index
      %swap3A_606 = arith.index_cast %scan3A_520 : i32 to index
      %swap3A_607 = arith.constant 48 : index
      %swap3A_608 = tpu.vector_load %arg7[%swap3A_605, %swap3A_606, %swap3A_607] {strides = array<i32>} : memref<3x128x128xf32, #tpu.memory_space<vmem>>, vector<1x1x16xf32>,
      %swap3A_609 = vector.shape_cast %swap3A_608 : vector<1x1x16xf32> to vector<16xf32>
      %swap3A_610 = vector.shape_cast %add3A_603 : vector<16xf32> to vector<1x1x16xf32>
      tpu.vector_store %arg7[%swap3A_605, %swap3A_606, %swap3A_607], %swap3A_610 {strides = array<i32>} : memref<3x128x128xf32, #tpu.memory_space<vmem>>, vector<1x1x16xf32>,
      %get3A_611 = arith.constant 2 : i32
      %get3A_612 = arith.index_cast %get3A_611 : i32 to index
      %get3A_613 = arith.index_cast %scan3A_520 : i32 to index
      %get3A_614 = arith.constant 64 : index
      %get3A_615 = tpu.vector_load %arg7[%get3A_612, %get3A_613, %get3A_614] {strides = array<i32>} : memref<3x128x128xf32, #tpu.memory_space<vmem>>, vector<1x1x16xf32>,
      %get3A_616 = vector.shape_cast %get3A_615 : vector<1x1x16xf32> to vector<16xf32>
      %mul3A_617 = arith.constant 11.3137083 : f32
      %mul3A_618 = vector.broadcast %mul3A_617 : f32 to vector<16xf32>
      %mul3A_619 = arith.mulf %get3A_616, %mul3A_618 : vector<16xf32>
      %add3A_620 = arith.constant 0 : i32
      %add3A_621 = arith.addi %add3A_620, %scan3A_520 : i32
      %get3A_622 = arith.index_cast %add3A_621 : i32 to index
      %get3A_623 = arith.constant 64 : index
      %get3A_624 = tpu.vector_load %arg8[%get3A_622, %get3A_623] {strides = array<i32>} : memref<256x128xf32, #tpu.memory_space<vmem>>, vector<1x16xf32>,
      %get3A_625 = vector.shape_cast %get3A_624 : vector<1x16xf32> to vector<16xf32>
      %add3A_626 = arith.addf %mul3A_619, %get3A_625 : vector<16xf32>
      %swap3A_627 = arith.constant 2 : i32
      %swap3A_628 = arith.index_cast %swap3A_627 : i32 to index
      %swap3A_629 = arith.index_cast %scan3A_520 : i32 to index
      %swap3A_630 = arith.constant 64 : index
      %swap3A_631 = tpu.vector_load %arg7[%swap3A_628, %swap3A_629, %swap3A_630] {strides = array<i32>} : memref<3x128x128xf32, #tpu.memory_space<vmem>>, vector<1x1x16xf32>,
      %swap3A_632 = vector.shape_cast %swap3A_631 : vector<1x1x16xf32> to vector<16xf32>
      %swap3A_633 = vector.shape_cast %add3A_626 : vector<16xf32> to vector<1x1x16xf32>
      tpu.vector_store %arg7[%swap3A_628, %swap3A_629, %swap3A_630], %swap3A_633 {strides = array<i32>} : memref<3x128x128xf32, #tpu.memory_space<vmem>>, vector<1x1x16xf32>,
      %get3A_634 = arith.constant 2 : i32
      %get3A_635 = arith.index_cast %get3A_634 : i32 to index
      %get3A_636 = arith.index_cast %scan3A_520 : i32 to index
      %get3A_637 = arith.constant 80 : index
      %get3A_638 = tpu.vector_load %arg7[%get3A_635, %get3A_636, %get3A_637] {strides = array<i32>} : memref<3x128x128xf32, #tpu.memory_space<vmem>>, vector<1x1x16xf32>,
      %get3A_639 = vector.shape_cast %get3A_638 : vector<1x1x16xf32> to vector<16xf32>
      %mul3A_640 = arith.constant 11.3137083 : f32
      %mul3A_641 = vector.broadcast %mul3A_640 : f32 to vector<16xf32>
      %mul3A_642 = arith.mulf %get3A_639, %mul3A_641 : vector<16xf32>
      %add3A_643 = arith.constant 0 : i32
      %add3A_644 = arith.addi %add3A_643, %scan3A_520 : i32
      %get3A_645 = arith.index_cast %add3A_644 : i32 to index
      %get3A_646 = arith.constant 80 : index
      %get3A_647 = tpu.vector_load %arg8[%get3A_645, %get3A_646] {strides = array<i32>} : memref<256x128xf32, #tpu.memory_space<vmem>>, vector<1x16xf32>,
      %get3A_648 = vector.shape_cast %get3A_647 : vector<1x16xf32> to vector<16xf32>
      %add3A_649 = arith.addf %mul3A_642, %get3A_648 : vector<16xf32>
      %swap3A_650 = arith.constant 2 : i32
      %swap3A_651 = arith.index_cast %swap3A_650 : i32 to index
      %swap3A_652 = arith.index_cast %scan3A_520 : i32 to index
      %swap3A_653 = arith.constant 80 : index
      %swap3A_654 = tpu.vector_load %arg7[%swap3A_651, %swap3A_652, %swap3A_653] {strides = array<i32>} : memref<3x128x128xf32, #tpu.memory_space<vmem>>, vector<1x1x16xf32>,
      %swap3A_655 = vector.shape_cast %swap3A_654 : vector<1x1x16xf32> to vector<16xf32>
      %swap3A_656 = vector.shape_cast %add3A_649 : vector<16xf32> to vector<1x1x16xf32>
      tpu.vector_store %arg7[%swap3A_651, %swap3A_652, %swap3A_653], %swap3A_656 {strides = array<i32>} : memref<3x128x128xf32, #tpu.memory_space<vmem>>, vector<1x1x16xf32>,
      %get3A_657 = arith.constant 2 : i32
      %get3A_658 = arith.index_cast %get3A_657 : i32 to index
      %get3A_659 = arith.index_cast %scan3A_520 : i32 to index
      %get3A_660 = arith.constant 96 : index
      %get3A_661 = tpu.vector_load %arg7[%get3A_658, %get3A_659, %get3A_660] {strides = array<i32>} : memref<3x128x128xf32, #tpu.memory_space<vmem>>, vector<1x1x16xf32>,
      %get3A_662 = vector.shape_cast %get3A_661 : vector<1x1x16xf32> to vector<16xf32>
      %mul3A_663 = arith.constant 11.3137083 : f32
      %mul3A_664 = vector.broadcast %mul3A_663 : f32 to vector<16xf32>
      %mul3A_665 = arith.mulf %get3A_662, %mul3A_664 : vector<16xf32>
      %add3A_666 = arith.constant 0 : i32
      %add3A_667 = arith.addi %add3A_666, %scan3A_520 : i32
      %get3A_668 = arith.index_cast %add3A_667 : i32 to index
      %get3A_669 = arith.constant 96 : index
      %get3A_670 = tpu.vector_load %arg8[%get3A_668, %get3A_669] {strides = array<i32>} : memref<256x128xf32, #tpu.memory_space<vmem>>, vector<1x16xf32>,
      %get3A_671 = vector.shape_cast %get3A_670 : vector<1x16xf32> to vector<16xf32>
      %add3A_672 = arith.addf %mul3A_665, %get3A_671 : vector<16xf32>
      %swap3A_673 = arith.constant 2 : i32
      %swap3A_674 = arith.index_cast %swap3A_673 : i32 to index
      %swap3A_675 = arith.index_cast %scan3A_520 : i32 to index
      %swap3A_676 = arith.constant 96 : index
      %swap3A_677 = tpu.vector_load %arg7[%swap3A_674, %swap3A_675, %swap3A_676] {strides = array<i32>} : memref<3x128x128xf32, #tpu.memory_space<vmem>>, vector<1x1x16xf32>,
      %swap3A_678 = vector.shape_cast %swap3A_677 : vector<1x1x16xf32> to vector<16xf32>
      %swap3A_679 = vector.shape_cast %add3A_672 : vector<16xf32> to vector<1x1x16xf32>
      tpu.vector_store %arg7[%swap3A_674, %swap3A_675, %swap3A_676], %swap3A_679 {strides = array<i32>} : memref<3x128x128xf32, #tpu.memory_space<vmem>>, vector<1x1x16xf32>,
      %get3A_680 = arith.constant 2 : i32
      %get3A_681 = arith.index_cast %get3A_680 : i32 to index
      %get3A_682 = arith.index_cast %scan3A_520 : i32 to index
      %get3A_683 = arith.constant 112 : index
      %get3A_684 = tpu.vector_load %arg7[%get3A_681, %get3A_682, %get3A_683] {strides = array<i32>} : memref<3x128x128xf32, #tpu.memory_space<vmem>>, vector<1x1x16xf32>,
      %get3A_685 = vector.shape_cast %get3A_684 : vector<1x1x16xf32> to vector<16xf32>
      %mul3A_686 = arith.constant 11.3137083 : f32
      %mul3A_687 = vector.broadcast %mul3A_686 : f32 to vector<16xf32>
      %mul3A_688 = arith.mulf %get3A_685, %mul3A_687 : vector<16xf32>
      %add3A_689 = arith.constant 0 : i32
      %add3A_690 = arith.addi %add3A_689, %scan3A_520 : i32
      %get3A_691 = arith.index_cast %add3A_690 : i32 to index
      %get3A_692 = arith.constant 112 : index
      %get3A_693 = tpu.vector_load %arg8[%get3A_691, %get3A_692] {strides = array<i32>} : memref<256x128xf32, #tpu.memory_space<vmem>>, vector<1x16xf32>,
      %get3A_694 = vector.shape_cast %get3A_693 : vector<1x16xf32> to vector<16xf32>
      %add3A_695 = arith.addf %mul3A_688, %get3A_694 : vector<16xf32>
      %swap3A_696 = arith.constant 2 : i32
      %swap3A_697 = arith.index_cast %swap3A_696 : i32 to index
      %swap3A_698 = arith.index_cast %scan3A_520 : i32 to index
      %swap3A_699 = arith.constant 112 : index
      %swap3A_700 = tpu.vector_load %arg7[%swap3A_697, %swap3A_698, %swap3A_699] {strides = array<i32>} : memref<3x128x128xf32, #tpu.memory_space<vmem>>, vector<1x1x16xf32>,
      %swap3A_701 = vector.shape_cast %swap3A_700 : vector<1x1x16xf32> to vector<16xf32>
      %swap3A_702 = vector.shape_cast %add3A_695 : vector<16xf32> to vector<1x1x16xf32>
      tpu.vector_store %arg7[%swap3A_697, %swap3A_698, %swap3A_699], %swap3A_702 {strides = array<i32>} : memref<3x128x128xf32, #tpu.memory_space<vmem>>, vector<1x1x16xf32>,
    }
    %scan3A_189 = arith.constant 128 : i32
    %add3A_190 = arith.constant 0 : i32
    %add3A_191 = arith.addi %mul3A_2, %add3A_190 : i32
    %dma_start3A_192 = arith.constant 2 : i32
    %dma_start3A_193 = arith.constant 1 : i32
    %dma_start3A_194 = arith.constant 0 : i32
    %dma_start3A_195 = arith.constant 0 : i32
    %dma_start3A_196 = tpu.memref_slice %arg7[%dma_start3A_192, %dma_start3A_194, %dma_start3A_195] : memref<3x128x128xf32, #tpu.memory_space<vmem>> -> memref<1x128x128xf32, #tpu.memory_space<vmem>>
    %dma_start3A_197 = tpu.memref_squeeze %dma_start3A_196 : memref<1x128x128xf32, #tpu.memory_space<vmem>> -> memref<128x128xf32, #tpu.memory_space<vmem>>
    %dma_start3A_198 = arith.constant 0 : i32
    %dma_start3A_199 = tpu.memref_slice %arg5[%dma_start3A_193, %add3A_191, %dma_start3A_198] : memref<4x8192x128xf32, #tpu.memory_space<hbm>> -> memref<1x128x128xf32, #tpu.memory_space<hbm>>
    %dma_start3A_200 = tpu.memref_squeeze %dma_start3A_199 : memref<1x128x128xf32, #tpu.memory_space<hbm>> -> memref<128x128xf32, #tpu.memory_space<hbm>>
    %dma_start3A_201 = arith.constant 0 : i32
    %dma_start3A_202 = tpu.memref_slice %arg5[%dma_start3A_193, %add3A_191, %dma_start3A_201] : memref<4x8192x128xf32, #tpu.memory_space<hbm>> -> memref<1x128x128xf32, #tpu.memory_space<hbm>>
    %dma_start3A_203 = tpu.memref_squeeze %dma_start3A_202 : memref<1x128x128xf32, #tpu.memory_space<hbm>> -> memref<128x128xf32, #tpu.memory_space<hbm>>
    %dma_start3A_204 = arith.constant 0 : i32
    %dma_start3A_205 = arith.constant 0 : i32
    %dma_start3A_206 = tpu.memref_slice %arg7[%dma_start3A_192, %dma_start3A_204, %dma_start3A_205] : memref<3x128x128xf32, #tpu.memory_space<vmem>> -> memref<1x128x128xf32, #tpu.memory_space<vmem>>
    %dma_start3A_207 = tpu.memref_squeeze %dma_start3A_206 : memref<1x128x128xf32, #tpu.memory_space<vmem>> -> memref<128x128xf32, #tpu.memory_space<vmem>>
    tpu.enqueue_dma source(%dma_start3A_207 : memref<128x128xf32, #tpu.memory_space<vmem>>) target(%dma_start3A_203 : memref<128x128xf32, #tpu.memory_space<hbm>>) target_semaphore(%arg14 : memref<!tpu.dma_semaphore, #tpu.memory_space<semaphore_mem>>)
    %dma_wait3A_208 = arith.constant 2 : i32
    %dma_wait3A_209 = arith.constant 1 : i32
    %dma_wait3A_210 = arith.constant 0 : i32
    %dma_wait3A_211 = arith.constant 0 : i32
    %dma_wait3A_212 = tpu.memref_slice %arg7[%dma_wait3A_208, %dma_wait3A_210, %dma_wait3A_211] : memref<3x128x128xf32, #tpu.memory_space<vmem>> -> memref<1x128x128xf32, #tpu.memory_space<vmem>>
    %dma_wait3A_213 = tpu.memref_squeeze %dma_wait3A_212 : memref<1x128x128xf32, #tpu.memory_space<vmem>> -> memref<128x128xf32, #tpu.memory_space<vmem>>
    %dma_wait3A_214 = arith.constant 0 : i32
    %dma_wait3A_215 = tpu.memref_slice %arg5[%dma_wait3A_209, %add3A_191, %dma_wait3A_214] : memref<4x8192x128xf32, #tpu.memory_space<hbm>> -> memref<1x128x128xf32, #tpu.memory_space<hbm>>
    %dma_wait3A_216 = tpu.memref_squeeze %dma_wait3A_215 : memref<1x128x128xf32, #tpu.memory_space<hbm>> -> memref<128x128xf32, #tpu.memory_space<hbm>>
    %dma_wait3A_217 = arith.constant 0 : i32
    %dma_wait3A_218 = tpu.memref_slice %arg5[%dma_wait3A_209, %add3A_191, %dma_wait3A_217] : memref<4x8192x128xf32, #tpu.memory_space<hbm>> -> memref<1x128x128xf32, #tpu.memory_space<hbm>>
    %dma_wait3A_219 = tpu.memref_squeeze %dma_wait3A_218 : memref<1x128x128xf32, #tpu.memory_space<hbm>> -> memref<128x128xf32, #tpu.memory_space<hbm>>
    %dma_wait3A_220 = arith.constant 0 : i32
    %dma_wait3A_221 = arith.constant 0 : i32
    %dma_wait3A_222 = tpu.memref_slice %arg7[%dma_wait3A_208, %dma_wait3A_220, %dma_wait3A_221] : memref<3x128x128xf32, #tpu.memory_space<vmem>> -> memref<1x128x128xf32, #tpu.memory_space<vmem>>
    %dma_wait3A_223 = tpu.memref_squeeze %dma_wait3A_222 : memref<1x128x128xf32, #tpu.memory_space<vmem>> -> memref<128x128xf32, #tpu.memory_space<vmem>>
    tpu.wait_dma2 semaphore(%arg14 : memref<!tpu.dma_semaphore, #tpu.memory_space<semaphore_mem>>) src(%dma_wait3A_223 : memref<128x128xf32, #tpu.memory_space<vmem>>) dst(%dma_wait3A_219 : memref<128x128xf32, #tpu.memory_space<hbm>>)
    %dma_start3A_224 = arith.constant 2 : i32
    %dma_start3A_225 = arith.constant 2 : i32
    %dma_start3A_226 = arith.constant 0 : i32
    %dma_start3A_227 = arith.constant 0 : i32
    %dma_start3A_228 = tpu.memref_slice %arg7[%dma_start3A_225, %dma_start3A_226, %dma_start3A_227] : memref<3x128x128xf32, #tpu.memory_space<vmem>> -> memref<1x128x128xf32, #tpu.memory_space<vmem>>
    %dma_start3A_229 = tpu.memref_squeeze %dma_start3A_228 : memref<1x128x128xf32, #tpu.memory_space<vmem>> -> memref<128x128xf32, #tpu.memory_space<vmem>>
    %dma_start3A_230 = arith.constant 128 : i32
    %dma_start3A_231 = tpu.memref_slice %arg6[%dma_start3A_224, %dma_start3A_230] : memref<4x256xi32, #tpu.memory_space<vmem>> -> memref<1x128xi32, #tpu.memory_space<vmem>>
    %dma_start3A_232 = tpu.memref_squeeze %dma_start3A_231 : memref<1x128xi32, #tpu.memory_space<vmem>> -> memref<128xi32, #tpu.memory_space<vmem>>
    %dma_start3A_233 = arith.constant 0 : i32
    %dma_start3A_234 = arith.constant 0 : i32
    %dma_start3A_235 = tpu.memref_slice %arg2[%dma_start3A_233, %dma_start3A_234] : memref<1000000x128xf32, #tpu.memory_space<hbm>> -> memref<1000000x128xf32, #tpu.memory_space<hbm>>
    tpu.enqueue_indirect_dma source(%dma_start3A_235 : memref<1000000x128xf32, #tpu.memory_space<hbm>>) target(%dma_start3A_229 : memref<128x128xf32, #tpu.memory_space<vmem>>) offsets(%dma_start3A_232 : memref<128xi32, #tpu.memory_space<vmem>>) semaphore(%arg11 : memref<!tpu.dma_semaphore, #tpu.memory_space<semaphore_mem>>)
    %dma_wait3A_236 = arith.constant 1 : i32
    %dma_wait3A_237 = arith.constant 0 : i32
    %dma_wait3A_238 = arith.constant 0 : i32
    %dma_wait3A_239 = arith.constant 0 : i32
    %dma_wait3A_240 = tpu.memref_slice %arg7[%dma_wait3A_237, %dma_wait3A_238, %dma_wait3A_239] : memref<3x128x128xf32, #tpu.memory_space<vmem>> -> memref<1x128x128xf32, #tpu.memory_space<vmem>>
    %dma_wait3A_241 = tpu.memref_squeeze %dma_wait3A_240 : memref<1x128x128xf32, #tpu.memory_space<vmem>> -> memref<128x128xf32, #tpu.memory_space<vmem>>
    %dma_wait3A_242 = arith.constant 128 : i32
    %dma_wait3A_243 = tpu.memref_slice %arg6[%dma_wait3A_236, %dma_wait3A_242] : memref<4x256xi32, #tpu.memory_space<vmem>> -> memref<1x128xi32, #tpu.memory_space<vmem>>
    %dma_wait3A_244 = tpu.memref_squeeze %dma_wait3A_243 : memref<1x128xi32, #tpu.memory_space<vmem>> -> memref<128xi32, #tpu.memory_space<vmem>>
    %dma_wait3A_245 = arith.constant 0 : i32
    %dma_wait3A_246 = arith.constant 0 : i32
    %dma_wait3A_247 = tpu.memref_slice %arg2[%dma_wait3A_245, %dma_wait3A_246] : memref<1000000x128xf32, #tpu.memory_space<hbm>> -> memref<1000000x128xf32, #tpu.memory_space<hbm>>
    tpu.wait_indirect_dma semaphore(%arg9 : memref<!tpu.dma_semaphore, #tpu.memory_space<semaphore_mem>>) src(%dma_wait3A_247 : memref<1000000x128xf32, #tpu.memory_space<hbm>>) dst(%dma_wait3A_241 : memref<128x128xf32, #tpu.memory_space<vmem>>)
    %scan3A_248 = arith.constant 0 : i32
    %scan3A_249 = arith.constant 0 : i32
    %scan3A_250 = arith.constant 128 : i32
    %scan3A_251 = arith.addi %scan3A_249, %scan3A_250 : i32
    %scan3A_252 = arith.constant 1 : i32
    scf.for %scan3A_520 = %scan3A_249 to %scan3A_251 step %scan3A_252  : i32 {
      %get3A = arith.constant 0 : i32
      %get3A_521 = arith.index_cast %get3A : i32 to index
      %get3A_522 = arith.index_cast %scan3A_520 : i32 to index
      %get3A_523 = arith.constant 0 : index
      %get3A_524 = tpu.vector_load %arg7[%get3A_521, %get3A_522, %get3A_523] {strides = array<i32>} : memref<3x128x128xf32, #tpu.memory_space<vmem>>, vector<1x1x16xf32>,
      %get3A_525 = vector.shape_cast %get3A_524 : vector<1x1x16xf32> to vector<16xf32>
      %mul3A_526 = arith.constant 11.3137083 : f32
      %mul3A_527 = vector.broadcast %mul3A_526 : f32 to vector<16xf32>
      %mul3A_528 = arith.mulf %get3A_525, %mul3A_527 : vector<16xf32>
      %add3A_529 = arith.constant 128 : i32
      %add3A_530 = arith.addi %add3A_529, %scan3A_520 : i32
      %get3A_531 = arith.index_cast %add3A_530 : i32 to index
      %get3A_532 = arith.constant 0 : index
      %get3A_533 = tpu.vector_load %arg8[%get3A_531, %get3A_532] {strides = array<i32>} : memref<256x128xf32, #tpu.memory_space<vmem>>, vector<1x16xf32>,
      %get3A_534 = vector.shape_cast %get3A_533 : vector<1x16xf32> to vector<16xf32>
      %add3A_535 = arith.addf %mul3A_528, %get3A_534 : vector<16xf32>
      %swap3A = arith.constant 0 : i32
      %swap3A_536 = arith.index_cast %swap3A : i32 to index
      %swap3A_537 = arith.index_cast %scan3A_520 : i32 to index
      %swap3A_538 = arith.constant 0 : index
      %swap3A_539 = tpu.vector_load %arg7[%swap3A_536, %swap3A_537, %swap3A_538] {strides = array<i32>} : memref<3x128x128xf32, #tpu.memory_space<vmem>>, vector<1x1x16xf32>,
      %swap3A_540 = vector.shape_cast %swap3A_539 : vector<1x1x16xf32> to vector<16xf32>
      %swap3A_541 = vector.shape_cast %add3A_535 : vector<16xf32> to vector<1x1x16xf32>
      tpu.vector_store %arg7[%swap3A_536, %swap3A_537, %swap3A_538], %swap3A_541 {strides = array<i32>} : memref<3x128x128xf32, #tpu.memory_space<vmem>>, vector<1x1x16xf32>,
      %get3A_542 = arith.constant 0 : i32
      %get3A_543 = arith.index_cast %get3A_542 : i32 to index
      %get3A_544 = arith.index_cast %scan3A_520 : i32 to index
      %get3A_545 = arith.constant 16 : index
      %get3A_546 = tpu.vector_load %arg7[%get3A_543, %get3A_544, %get3A_545] {strides = array<i32>} : memref<3x128x128xf32, #tpu.memory_space<vmem>>, vector<1x1x16xf32>,
      %get3A_547 = vector.shape_cast %get3A_546 : vector<1x1x16xf32> to vector<16xf32>
      %mul3A_548 = arith.constant 11.3137083 : f32
      %mul3A_549 = vector.broadcast %mul3A_548 : f32 to vector<16xf32>
      %mul3A_550 = arith.mulf %get3A_547, %mul3A_549 : vector<16xf32>
      %add3A_551 = arith.constant 128 : i32
      %add3A_552 = arith.addi %add3A_551, %scan3A_520 : i32
      %get3A_553 = arith.index_cast %add3A_552 : i32 to index
      %get3A_554 = arith.constant 16 : index
      %get3A_555 = tpu.vector_load %arg8[%get3A_553, %get3A_554] {strides = array<i32>} : memref<256x128xf32, #tpu.memory_space<vmem>>, vector<1x16xf32>,
      %get3A_556 = vector.shape_cast %get3A_555 : vector<1x16xf32> to vector<16xf32>
      %add3A_557 = arith.addf %mul3A_550, %get3A_556 : vector<16xf32>
      %swap3A_558 = arith.constant 0 : i32
      %swap3A_559 = arith.index_cast %swap3A_558 : i32 to index
      %swap3A_560 = arith.index_cast %scan3A_520 : i32 to index
      %swap3A_561 = arith.constant 16 : index
      %swap3A_562 = tpu.vector_load %arg7[%swap3A_559, %swap3A_560, %swap3A_561] {strides = array<i32>} : memref<3x128x128xf32, #tpu.memory_space<vmem>>, vector<1x1x16xf32>,
      %swap3A_563 = vector.shape_cast %swap3A_562 : vector<1x1x16xf32> to vector<16xf32>
      %swap3A_564 = vector.shape_cast %add3A_557 : vector<16xf32> to vector<1x1x16xf32>
      tpu.vector_store %arg7[%swap3A_559, %swap3A_560, %swap3A_561], %swap3A_564 {strides = array<i32>} : memref<3x128x128xf32, #tpu.memory_space<vmem>>, vector<1x1x16xf32>,
      %get3A_565 = arith.constant 0 : i32
      %get3A_566 = arith.index_cast %get3A_565 : i32 to index
      %get3A_567 = arith.index_cast %scan3A_520 : i32 to index
      %get3A_568 = arith.constant 32 : index
      %get3A_569 = tpu.vector_load %arg7[%get3A_566, %get3A_567, %get3A_568] {strides = array<i32>} : memref<3x128x128xf32, #tpu.memory_space<vmem>>, vector<1x1x16xf32>,
      %get3A_570 = vector.shape_cast %get3A_569 : vector<1x1x16xf32> to vector<16xf32>
      %mul3A_571 = arith.constant 11.3137083 : f32
      %mul3A_572 = vector.broadcast %mul3A_571 : f32 to vector<16xf32>
      %mul3A_573 = arith.mulf %get3A_570, %mul3A_572 : vector<16xf32>
      %add3A_574 = arith.constant 128 : i32
      %add3A_575 = arith.addi %add3A_574, %scan3A_520 : i32
      %get3A_576 = arith.index_cast %add3A_575 : i32 to index
      %get3A_577 = arith.constant 32 : index
      %get3A_578 = tpu.vector_load %arg8[%get3A_576, %get3A_577] {strides = array<i32>} : memref<256x128xf32, #tpu.memory_space<vmem>>, vector<1x16xf32>,
      %get3A_579 = vector.shape_cast %get3A_578 : vector<1x16xf32> to vector<16xf32>
      %add3A_580 = arith.addf %mul3A_573, %get3A_579 : vector<16xf32>
      %swap3A_581 = arith.constant 0 : i32
      %swap3A_582 = arith.index_cast %swap3A_581 : i32 to index
      %swap3A_583 = arith.index_cast %scan3A_520 : i32 to index
      %swap3A_584 = arith.constant 32 : index
      %swap3A_585 = tpu.vector_load %arg7[%swap3A_582, %swap3A_583, %swap3A_584] {strides = array<i32>} : memref<3x128x128xf32, #tpu.memory_space<vmem>>, vector<1x1x16xf32>,
      %swap3A_586 = vector.shape_cast %swap3A_585 : vector<1x1x16xf32> to vector<16xf32>
      %swap3A_587 = vector.shape_cast %add3A_580 : vector<16xf32> to vector<1x1x16xf32>
      tpu.vector_store %arg7[%swap3A_582, %swap3A_583, %swap3A_584], %swap3A_587 {strides = array<i32>} : memref<3x128x128xf32, #tpu.memory_space<vmem>>, vector<1x1x16xf32>,
      %get3A_588 = arith.constant 0 : i32
      %get3A_589 = arith.index_cast %get3A_588 : i32 to index
      %get3A_590 = arith.index_cast %scan3A_520 : i32 to index
      %get3A_591 = arith.constant 48 : index
      %get3A_592 = tpu.vector_load %arg7[%get3A_589, %get3A_590, %get3A_591] {strides = array<i32>} : memref<3x128x128xf32, #tpu.memory_space<vmem>>, vector<1x1x16xf32>,
      %get3A_593 = vector.shape_cast %get3A_592 : vector<1x1x16xf32> to vector<16xf32>
      %mul3A_594 = arith.constant 11.3137083 : f32
      %mul3A_595 = vector.broadcast %mul3A_594 : f32 to vector<16xf32>
      %mul3A_596 = arith.mulf %get3A_593, %mul3A_595 : vector<16xf32>
      %add3A_597 = arith.constant 128 : i32
      %add3A_598 = arith.addi %add3A_597, %scan3A_520 : i32
      %get3A_599 = arith.index_cast %add3A_598 : i32 to index
      %get3A_600 = arith.constant 48 : index
      %get3A_601 = tpu.vector_load %arg8[%get3A_599, %get3A_600] {strides = array<i32>} : memref<256x128xf32, #tpu.memory_space<vmem>>, vector<1x16xf32>,
      %get3A_602 = vector.shape_cast %get3A_601 : vector<1x16xf32> to vector<16xf32>
      %add3A_603 = arith.addf %mul3A_596, %get3A_602 : vector<16xf32>
      %swap3A_604 = arith.constant 0 : i32
      %swap3A_605 = arith.index_cast %swap3A_604 : i32 to index
      %swap3A_606 = arith.index_cast %scan3A_520 : i32 to index
      %swap3A_607 = arith.constant 48 : index
      %swap3A_608 = tpu.vector_load %arg7[%swap3A_605, %swap3A_606, %swap3A_607] {strides = array<i32>} : memref<3x128x128xf32, #tpu.memory_space<vmem>>, vector<1x1x16xf32>,
      %swap3A_609 = vector.shape_cast %swap3A_608 : vector<1x1x16xf32> to vector<16xf32>
      %swap3A_610 = vector.shape_cast %add3A_603 : vector<16xf32> to vector<1x1x16xf32>
      tpu.vector_store %arg7[%swap3A_605, %swap3A_606, %swap3A_607], %swap3A_610 {strides = array<i32>} : memref<3x128x128xf32, #tpu.memory_space<vmem>>, vector<1x1x16xf32>,
      %get3A_611 = arith.constant 0 : i32
      %get3A_612 = arith.index_cast %get3A_611 : i32 to index
      %get3A_613 = arith.index_cast %scan3A_520 : i32 to index
      %get3A_614 = arith.constant 64 : index
      %get3A_615 = tpu.vector_load %arg7[%get3A_612, %get3A_613, %get3A_614] {strides = array<i32>} : memref<3x128x128xf32, #tpu.memory_space<vmem>>, vector<1x1x16xf32>,
      %get3A_616 = vector.shape_cast %get3A_615 : vector<1x1x16xf32> to vector<16xf32>
      %mul3A_617 = arith.constant 11.3137083 : f32
      %mul3A_618 = vector.broadcast %mul3A_617 : f32 to vector<16xf32>
      %mul3A_619 = arith.mulf %get3A_616, %mul3A_618 : vector<16xf32>
      %add3A_620 = arith.constant 128 : i32
      %add3A_621 = arith.addi %add3A_620, %scan3A_520 : i32
      %get3A_622 = arith.index_cast %add3A_621 : i32 to index
      %get3A_623 = arith.constant 64 : index
      %get3A_624 = tpu.vector_load %arg8[%get3A_622, %get3A_623] {strides = array<i32>} : memref<256x128xf32, #tpu.memory_space<vmem>>, vector<1x16xf32>,
      %get3A_625 = vector.shape_cast %get3A_624 : vector<1x16xf32> to vector<16xf32>
      %add3A_626 = arith.addf %mul3A_619, %get3A_625 : vector<16xf32>
      %swap3A_627 = arith.constant 0 : i32
      %swap3A_628 = arith.index_cast %swap3A_627 : i32 to index
      %swap3A_629 = arith.index_cast %scan3A_520 : i32 to index
      %swap3A_630 = arith.constant 64 : index
      %swap3A_631 = tpu.vector_load %arg7[%swap3A_628, %swap3A_629, %swap3A_630] {strides = array<i32>} : memref<3x128x128xf32, #tpu.memory_space<vmem>>, vector<1x1x16xf32>,
      %swap3A_632 = vector.shape_cast %swap3A_631 : vector<1x1x16xf32> to vector<16xf32>
      %swap3A_633 = vector.shape_cast %add3A_626 : vector<16xf32> to vector<1x1x16xf32>
      tpu.vector_store %arg7[%swap3A_628, %swap3A_629, %swap3A_630], %swap3A_633 {strides = array<i32>} : memref<3x128x128xf32, #tpu.memory_space<vmem>>, vector<1x1x16xf32>,
      %get3A_634 = arith.constant 0 : i32
      %get3A_635 = arith.index_cast %get3A_634 : i32 to index
      %get3A_636 = arith.index_cast %scan3A_520 : i32 to index
      %get3A_637 = arith.constant 80 : index
      %get3A_638 = tpu.vector_load %arg7[%get3A_635, %get3A_636, %get3A_637] {strides = array<i32>} : memref<3x128x128xf32, #tpu.memory_space<vmem>>, vector<1x1x16xf32>,
      %get3A_639 = vector.shape_cast %get3A_638 : vector<1x1x16xf32> to vector<16xf32>
      %mul3A_640 = arith.constant 11.3137083 : f32
      %mul3A_641 = vector.broadcast %mul3A_640 : f32 to vector<16xf32>
      %mul3A_642 = arith.mulf %get3A_639, %mul3A_641 : vector<16xf32>
      %add3A_643 = arith.constant 128 : i32
      %add3A_644 = arith.addi %add3A_643, %scan3A_520 : i32
      %get3A_645 = arith.index_cast %add3A_644 : i32 to index
      %get3A_646 = arith.constant 80 : index
      %get3A_647 = tpu.vector_load %arg8[%get3A_645, %get3A_646] {strides = array<i32>} : memref<256x128xf32, #tpu.memory_space<vmem>>, vector<1x16xf32>,
      %get3A_648 = vector.shape_cast %get3A_647 : vector<1x16xf32> to vector<16xf32>
      %add3A_649 = arith.addf %mul3A_642, %get3A_648 : vector<16xf32>
      %swap3A_650 = arith.constant 0 : i32
      %swap3A_651 = arith.index_cast %swap3A_650 : i32 to index
      %swap3A_652 = arith.index_cast %scan3A_520 : i32 to index
      %swap3A_653 = arith.constant 80 : index
      %swap3A_654 = tpu.vector_load %arg7[%swap3A_651, %swap3A_652, %swap3A_653] {strides = array<i32>} : memref<3x128x128xf32, #tpu.memory_space<vmem>>, vector<1x1x16xf32>,
      %swap3A_655 = vector.shape_cast %swap3A_654 : vector<1x1x16xf32> to vector<16xf32>
      %swap3A_656 = vector.shape_cast %add3A_649 : vector<16xf32> to vector<1x1x16xf32>
      tpu.vector_store %arg7[%swap3A_651, %swap3A_652, %swap3A_653], %swap3A_656 {strides = array<i32>} : memref<3x128x128xf32, #tpu.memory_space<vmem>>, vector<1x1x16xf32>,
      %get3A_657 = arith.constant 0 : i32
      %get3A_658 = arith.index_cast %get3A_657 : i32 to index
      %get3A_659 = arith.index_cast %scan3A_520 : i32 to index
      %get3A_660 = arith.constant 96 : index
      %get3A_661 = tpu.vector_load %arg7[%get3A_658, %get3A_659, %get3A_660] {strides = array<i32>} : memref<3x128x128xf32, #tpu.memory_space<vmem>>, vector<1x1x16xf32>,
      %get3A_662 = vector.shape_cast %get3A_661 : vector<1x1x16xf32> to vector<16xf32>
      %mul3A_663 = arith.constant 11.3137083 : f32
      %mul3A_664 = vector.broadcast %mul3A_663 : f32 to vector<16xf32>
      %mul3A_665 = arith.mulf %get3A_662, %mul3A_664 : vector<16xf32>
      %add3A_666 = arith.constant 128 : i32
      %add3A_667 = arith.addi %add3A_666, %scan3A_520 : i32
      %get3A_668 = arith.index_cast %add3A_667 : i32 to index
      %get3A_669 = arith.constant 96 : index
      %get3A_670 = tpu.vector_load %arg8[%get3A_668, %get3A_669] {strides = array<i32>} : memref<256x128xf32, #tpu.memory_space<vmem>>, vector<1x16xf32>,
      %get3A_671 = vector.shape_cast %get3A_670 : vector<1x16xf32> to vector<16xf32>
      %add3A_672 = arith.addf %mul3A_665, %get3A_671 : vector<16xf32>
      %swap3A_673 = arith.constant 0 : i32
      %swap3A_674 = arith.index_cast %swap3A_673 : i32 to index
      %swap3A_675 = arith.index_cast %scan3A_520 : i32 to index
      %swap3A_676 = arith.constant 96 : index
      %swap3A_677 = tpu.vector_load %arg7[%swap3A_674, %swap3A_675, %swap3A_676] {strides = array<i32>} : memref<3x128x128xf32, #tpu.memory_space<vmem>>, vector<1x1x16xf32>,
      %swap3A_678 = vector.shape_cast %swap3A_677 : vector<1x1x16xf32> to vector<16xf32>
      %swap3A_679 = vector.shape_cast %add3A_672 : vector<16xf32> to vector<1x1x16xf32>
      tpu.vector_store %arg7[%swap3A_674, %swap3A_675, %swap3A_676], %swap3A_679 {strides = array<i32>} : memref<3x128x128xf32, #tpu.memory_space<vmem>>, vector<1x1x16xf32>,
      %get3A_680 = arith.constant 0 : i32
      %get3A_681 = arith.index_cast %get3A_680 : i32 to index
      %get3A_682 = arith.index_cast %scan3A_520 : i32 to index
      %get3A_683 = arith.constant 112 : index
      %get3A_684 = tpu.vector_load %arg7[%get3A_681, %get3A_682, %get3A_683] {strides = array<i32>} : memref<3x128x128xf32, #tpu.memory_space<vmem>>, vector<1x1x16xf32>,
      %get3A_685 = vector.shape_cast %get3A_684 : vector<1x1x16xf32> to vector<16xf32>
      %mul3A_686 = arith.constant 11.3137083 : f32
      %mul3A_687 = vector.broadcast %mul3A_686 : f32 to vector<16xf32>
      %mul3A_688 = arith.mulf %get3A_685, %mul3A_687 : vector<16xf32>
      %add3A_689 = arith.constant 128 : i32
      %add3A_690 = arith.addi %add3A_689, %scan3A_520 : i32
      %get3A_691 = arith.index_cast %add3A_690 : i32 to index
      %get3A_692 = arith.constant 112 : index
      %get3A_693 = tpu.vector_load %arg8[%get3A_691, %get3A_692] {strides = array<i32>} : memref<256x128xf32, #tpu.memory_space<vmem>>, vector<1x16xf32>,
      %get3A_694 = vector.shape_cast %get3A_693 : vector<1x16xf32> to vector<16xf32>
      %add3A_695 = arith.addf %mul3A_688, %get3A_694 : vector<16xf32>
      %swap3A_696 = arith.constant 0 : i32
      %swap3A_697 = arith.index_cast %swap3A_696 : i32 to index
      %swap3A_698 = arith.index_cast %scan3A_520 : i32 to index
      %swap3A_699 = arith.constant 112 : index
      %swap3A_700 = tpu.vector_load %arg7[%swap3A_697, %swap3A_698, %swap3A_699] {strides = array<i32>} : memref<3x128x128xf32, #tpu.memory_space<vmem>>, vector<1x1x16xf32>,
      %swap3A_701 = vector.shape_cast %swap3A_700 : vector<1x1x16xf32> to vector<16xf32>
      %swap3A_702 = vector.shape_cast %add3A_695 : vector<16xf32> to vector<1x1x16xf32>
      tpu.vector_store %arg7[%swap3A_697, %swap3A_698, %swap3A_699], %swap3A_702 {strides = array<i32>} : memref<3x128x128xf32, #tpu.memory_space<vmem>>, vector<1x1x16xf32>,
    }
    %scan3A_253 = arith.constant 128 : i32
    %add3A_254 = arith.constant 128 : i32
    %add3A_255 = arith.addi %mul3A_2, %add3A_254 : i32
    %dma_start3A_256 = arith.constant 0 : i32
    %dma_start3A_257 = arith.constant 1 : i32
    %dma_start3A_258 = arith.constant 0 : i32
    %dma_start3A_259 = arith.constant 0 : i32
    %dma_start3A_260 = tpu.memref_slice %arg7[%dma_start3A_256, %dma_start3A_258, %dma_start3A_259] : memref<3x128x128xf32, #tpu.memory_space<vmem>> -> memref<1x128x128xf32, #tpu.memory_space<vmem>>
    %dma_start3A_261 = tpu.memref_squeeze %dma_start3A_260 : memref<1x128x128xf32, #tpu.memory_space<vmem>> -> memref<128x128xf32, #tpu.memory_space<vmem>>
    %dma_start3A_262 = arith.constant 0 : i32
    %dma_start3A_263 = tpu.memref_slice %arg5[%dma_start3A_257, %add3A_255, %dma_start3A_262] : memref<4x8192x128xf32, #tpu.memory_space<hbm>> -> memref<1x128x128xf32, #tpu.memory_space<hbm>>
    %dma_start3A_264 = tpu.memref_squeeze %dma_start3A_263 : memref<1x128x128xf32, #tpu.memory_space<hbm>> -> memref<128x128xf32, #tpu.memory_space<hbm>>
    %dma_start3A_265 = arith.constant 0 : i32
    %dma_start3A_266 = tpu.memref_slice %arg5[%dma_start3A_257, %add3A_255, %dma_start3A_265] : memref<4x8192x128xf32, #tpu.memory_space<hbm>> -> memref<1x128x128xf32, #tpu.memory_space<hbm>>
    %dma_start3A_267 = tpu.memref_squeeze %dma_start3A_266 : memref<1x128x128xf32, #tpu.memory_space<hbm>> -> memref<128x128xf32, #tpu.memory_space<hbm>>
    %dma_start3A_268 = arith.constant 0 : i32
    %dma_start3A_269 = arith.constant 0 : i32
    %dma_start3A_270 = tpu.memref_slice %arg7[%dma_start3A_256, %dma_start3A_268, %dma_start3A_269] : memref<3x128x128xf32, #tpu.memory_space<vmem>> -> memref<1x128x128xf32, #tpu.memory_space<vmem>>
    %dma_start3A_271 = tpu.memref_squeeze %dma_start3A_270 : memref<1x128x128xf32, #tpu.memory_space<vmem>> -> memref<128x128xf32, #tpu.memory_space<vmem>>
    tpu.enqueue_dma source(%dma_start3A_271 : memref<128x128xf32, #tpu.memory_space<vmem>>) target(%dma_start3A_267 : memref<128x128xf32, #tpu.memory_space<hbm>>) target_semaphore(%arg12 : memref<!tpu.dma_semaphore, #tpu.memory_space<semaphore_mem>>)
    %dma_wait3A_272 = arith.constant 0 : i32
    %dma_wait3A_273 = arith.constant 1 : i32
    %dma_wait3A_274 = arith.constant 0 : i32
    %dma_wait3A_275 = arith.constant 0 : i32
    %dma_wait3A_276 = tpu.memref_slice %arg7[%dma_wait3A_272, %dma_wait3A_274, %dma_wait3A_275] : memref<3x128x128xf32, #tpu.memory_space<vmem>> -> memref<1x128x128xf32, #tpu.memory_space<vmem>>
    %dma_wait3A_277 = tpu.memref_squeeze %dma_wait3A_276 : memref<1x128x128xf32, #tpu.memory_space<vmem>> -> memref<128x128xf32, #tpu.memory_space<vmem>>
    %dma_wait3A_278 = arith.constant 0 : i32
    %dma_wait3A_279 = tpu.memref_slice %arg5[%dma_wait3A_273, %add3A_255, %dma_wait3A_278] : memref<4x8192x128xf32, #tpu.memory_space<hbm>> -> memref<1x128x128xf32, #tpu.memory_space<hbm>>
    %dma_wait3A_280 = tpu.memref_squeeze %dma_wait3A_279 : memref<1x128x128xf32, #tpu.memory_space<hbm>> -> memref<128x128xf32, #tpu.memory_space<hbm>>
    %dma_wait3A_281 = arith.constant 0 : i32
    %dma_wait3A_282 = tpu.memref_slice %arg5[%dma_wait3A_273, %add3A_255, %dma_wait3A_281] : memref<4x8192x128xf32, #tpu.memory_space<hbm>> -> memref<1x128x128xf32, #tpu.memory_space<hbm>>
    %dma_wait3A_283 = tpu.memref_squeeze %dma_wait3A_282 : memref<1x128x128xf32, #tpu.memory_space<hbm>> -> memref<128x128xf32, #tpu.memory_space<hbm>>
    %dma_wait3A_284 = arith.constant 0 : i32
    %dma_wait3A_285 = arith.constant 0 : i32
    %dma_wait3A_286 = tpu.memref_slice %arg7[%dma_wait3A_272, %dma_wait3A_284, %dma_wait3A_285] : memref<3x128x128xf32, #tpu.memory_space<vmem>> -> memref<1x128x128xf32, #tpu.memory_space<vmem>>
    %dma_wait3A_287 = tpu.memref_squeeze %dma_wait3A_286 : memref<1x128x128xf32, #tpu.memory_space<vmem>> -> memref<128x128xf32, #tpu.memory_space<vmem>>
    tpu.wait_dma2 semaphore(%arg12 : memref<!tpu.dma_semaphore, #tpu.memory_space<semaphore_mem>>) src(%dma_wait3A_287 : memref<128x128xf32, #tpu.memory_space<vmem>>) dst(%dma_wait3A_283 : memref<128x128xf32, #tpu.memory_space<hbm>>)
    %dma_start3A_288 = arith.constant 3 : i32
    %dma_start3A_289 = arith.constant 0 : i32
    %dma_start3A_290 = arith.constant 0 : i32
    %dma_start3A_291 = arith.constant 0 : i32
    %dma_start3A_292 = tpu.memref_slice %arg7[%dma_start3A_289, %dma_start3A_290, %dma_start3A_291] : memref<3x128x128xf32, #tpu.memory_space<vmem>> -> memref<1x128x128xf32, #tpu.memory_space<vmem>>
    %dma_start3A_293 = tpu.memref_squeeze %dma_start3A_292 : memref<1x128x128xf32, #tpu.memory_space<vmem>> -> memref<128x128xf32, #tpu.memory_space<vmem>>
    %dma_start3A_294 = arith.constant 0 : i32
    %dma_start3A_295 = tpu.memref_slice %arg6[%dma_start3A_288, %dma_start3A_294] : memref<4x256xi32, #tpu.memory_space<vmem>> -> memref<1x128xi32, #tpu.memory_space<vmem>>
    %dma_start3A_296 = tpu.memref_squeeze %dma_start3A_295 : memref<1x128xi32, #tpu.memory_space<vmem>> -> memref<128xi32, #tpu.memory_space<vmem>>
    %dma_start3A_297 = arith.constant 0 : i32
    %dma_start3A_298 = arith.constant 0 : i32
    %dma_start3A_299 = tpu.memref_slice %arg2[%dma_start3A_297, %dma_start3A_298] : memref<1000000x128xf32, #tpu.memory_space<hbm>> -> memref<1000000x128xf32, #tpu.memory_space<hbm>>
    tpu.enqueue_indirect_dma source(%dma_start3A_299 : memref<1000000x128xf32, #tpu.memory_space<hbm>>) target(%dma_start3A_293 : memref<128x128xf32, #tpu.memory_space<vmem>>) offsets(%dma_start3A_296 : memref<128xi32, #tpu.memory_space<vmem>>) semaphore(%arg9 : memref<!tpu.dma_semaphore, #tpu.memory_space<semaphore_mem>>)
    %dma_wait3A_300 = arith.constant 2 : i32
    %dma_wait3A_301 = arith.constant 1 : i32
    %dma_wait3A_302 = arith.constant 0 : i32
    %dma_wait3A_303 = arith.constant 0 : i32
    %dma_wait3A_304 = tpu.memref_slice %arg7[%dma_wait3A_301, %dma_wait3A_302, %dma_wait3A_303] : memref<3x128x128xf32, #tpu.memory_space<vmem>> -> memref<1x128x128xf32, #tpu.memory_space<vmem>>
    %dma_wait3A_305 = tpu.memref_squeeze %dma_wait3A_304 : memref<1x128x128xf32, #tpu.memory_space<vmem>> -> memref<128x128xf32, #tpu.memory_space<vmem>>
    %dma_wait3A_306 = arith.constant 0 : i32
    %dma_wait3A_307 = tpu.memref_slice %arg6[%dma_wait3A_300, %dma_wait3A_306] : memref<4x256xi32, #tpu.memory_space<vmem>> -> memref<1x128xi32, #tpu.memory_space<vmem>>
    %dma_wait3A_308 = tpu.memref_squeeze %dma_wait3A_307 : memref<1x128xi32, #tpu.memory_space<vmem>> -> memref<128xi32, #tpu.memory_space<vmem>>
    %dma_wait3A_309 = arith.constant 0 : i32
    %dma_wait3A_310 = arith.constant 0 : i32
    %dma_wait3A_311 = tpu.memref_slice %arg2[%dma_wait3A_309, %dma_wait3A_310] : memref<1000000x128xf32, #tpu.memory_space<hbm>> -> memref<1000000x128xf32, #tpu.memory_space<hbm>>
    tpu.wait_indirect_dma semaphore(%arg10 : memref<!tpu.dma_semaphore, #tpu.memory_space<semaphore_mem>>) src(%dma_wait3A_311 : memref<1000000x128xf32, #tpu.memory_space<hbm>>) dst(%dma_wait3A_305 : memref<128x128xf32, #tpu.memory_space<vmem>>)
    %scan3A_312 = arith.constant 0 : i32
    %scan3A_313 = arith.constant 0 : i32
    %scan3A_314 = arith.constant 128 : i32
    %scan3A_315 = arith.addi %scan3A_313, %scan3A_314 : i32
    %scan3A_316 = arith.constant 1 : i32
    scf.for %scan3A_520 = %scan3A_313 to %scan3A_315 step %scan3A_316  : i32 {
      %get3A = arith.constant 1 : i32
      %get3A_521 = arith.index_cast %get3A : i32 to index
      %get3A_522 = arith.index_cast %scan3A_520 : i32 to index
      %get3A_523 = arith.constant 0 : index
      %get3A_524 = tpu.vector_load %arg7[%get3A_521, %get3A_522, %get3A_523] {strides = array<i32>} : memref<3x128x128xf32, #tpu.memory_space<vmem>>, vector<1x1x16xf32>,
      %get3A_525 = vector.shape_cast %get3A_524 : vector<1x1x16xf32> to vector<16xf32>
      %mul3A_526 = arith.constant 11.3137083 : f32
      %mul3A_527 = vector.broadcast %mul3A_526 : f32 to vector<16xf32>
      %mul3A_528 = arith.mulf %get3A_525, %mul3A_527 : vector<16xf32>
      %add3A_529 = arith.constant 0 : i32
      %add3A_530 = arith.addi %add3A_529, %scan3A_520 : i32
      %get3A_531 = arith.index_cast %add3A_530 : i32 to index
      %get3A_532 = arith.constant 0 : index
      %get3A_533 = tpu.vector_load %arg8[%get3A_531, %get3A_532] {strides = array<i32>} : memref<256x128xf32, #tpu.memory_space<vmem>>, vector<1x16xf32>,
      %get3A_534 = vector.shape_cast %get3A_533 : vector<1x16xf32> to vector<16xf32>
      %add3A_535 = arith.addf %mul3A_528, %get3A_534 : vector<16xf32>
      %swap3A = arith.constant 1 : i32
      %swap3A_536 = arith.index_cast %swap3A : i32 to index
      %swap3A_537 = arith.index_cast %scan3A_520 : i32 to index
      %swap3A_538 = arith.constant 0 : index
      %swap3A_539 = tpu.vector_load %arg7[%swap3A_536, %swap3A_537, %swap3A_538] {strides = array<i32>} : memref<3x128x128xf32, #tpu.memory_space<vmem>>, vector<1x1x16xf32>,
      %swap3A_540 = vector.shape_cast %swap3A_539 : vector<1x1x16xf32> to vector<16xf32>
      %swap3A_541 = vector.shape_cast %add3A_535 : vector<16xf32> to vector<1x1x16xf32>
      tpu.vector_store %arg7[%swap3A_536, %swap3A_537, %swap3A_538], %swap3A_541 {strides = array<i32>} : memref<3x128x128xf32, #tpu.memory_space<vmem>>, vector<1x1x16xf32>,
      %get3A_542 = arith.constant 1 : i32
      %get3A_543 = arith.index_cast %get3A_542 : i32 to index
      %get3A_544 = arith.index_cast %scan3A_520 : i32 to index
      %get3A_545 = arith.constant 16 : index
      %get3A_546 = tpu.vector_load %arg7[%get3A_543, %get3A_544, %get3A_545] {strides = array<i32>} : memref<3x128x128xf32, #tpu.memory_space<vmem>>, vector<1x1x16xf32>,
      %get3A_547 = vector.shape_cast %get3A_546 : vector<1x1x16xf32> to vector<16xf32>
      %mul3A_548 = arith.constant 11.3137083 : f32
      %mul3A_549 = vector.broadcast %mul3A_548 : f32 to vector<16xf32>
      %mul3A_550 = arith.mulf %get3A_547, %mul3A_549 : vector<16xf32>
      %add3A_551 = arith.constant 0 : i32
      %add3A_552 = arith.addi %add3A_551, %scan3A_520 : i32
      %get3A_553 = arith.index_cast %add3A_552 : i32 to index
      %get3A_554 = arith.constant 16 : index
      %get3A_555 = tpu.vector_load %arg8[%get3A_553, %get3A_554] {strides = array<i32>} : memref<256x128xf32, #tpu.memory_space<vmem>>, vector<1x16xf32>,
      %get3A_556 = vector.shape_cast %get3A_555 : vector<1x16xf32> to vector<16xf32>
      %add3A_557 = arith.addf %mul3A_550, %get3A_556 : vector<16xf32>
      %swap3A_558 = arith.constant 1 : i32
      %swap3A_559 = arith.index_cast %swap3A_558 : i32 to index
      %swap3A_560 = arith.index_cast %scan3A_520 : i32 to index
      %swap3A_561 = arith.constant 16 : index
      %swap3A_562 = tpu.vector_load %arg7[%swap3A_559, %swap3A_560, %swap3A_561] {strides = array<i32>} : memref<3x128x128xf32, #tpu.memory_space<vmem>>, vector<1x1x16xf32>,
      %swap3A_563 = vector.shape_cast %swap3A_562 : vector<1x1x16xf32> to vector<16xf32>
      %swap3A_564 = vector.shape_cast %add3A_557 : vector<16xf32> to vector<1x1x16xf32>
      tpu.vector_store %arg7[%swap3A_559, %swap3A_560, %swap3A_561], %swap3A_564 {strides = array<i32>} : memref<3x128x128xf32, #tpu.memory_space<vmem>>, vector<1x1x16xf32>,
      %get3A_565 = arith.constant 1 : i32
      %get3A_566 = arith.index_cast %get3A_565 : i32 to index
      %get3A_567 = arith.index_cast %scan3A_520 : i32 to index
      %get3A_568 = arith.constant 32 : index
      %get3A_569 = tpu.vector_load %arg7[%get3A_566, %get3A_567, %get3A_568] {strides = array<i32>} : memref<3x128x128xf32, #tpu.memory_space<vmem>>, vector<1x1x16xf32>,
      %get3A_570 = vector.shape_cast %get3A_569 : vector<1x1x16xf32> to vector<16xf32>
      %mul3A_571 = arith.constant 11.3137083 : f32
      %mul3A_572 = vector.broadcast %mul3A_571 : f32 to vector<16xf32>
      %mul3A_573 = arith.mulf %get3A_570, %mul3A_572 : vector<16xf32>
      %add3A_574 = arith.constant 0 : i32
      %add3A_575 = arith.addi %add3A_574, %scan3A_520 : i32
      %get3A_576 = arith.index_cast %add3A_575 : i32 to index
      %get3A_577 = arith.constant 32 : index
      %get3A_578 = tpu.vector_load %arg8[%get3A_576, %get3A_577] {strides = array<i32>} : memref<256x128xf32, #tpu.memory_space<vmem>>, vector<1x16xf32>,
      %get3A_579 = vector.shape_cast %get3A_578 : vector<1x16xf32> to vector<16xf32>
      %add3A_580 = arith.addf %mul3A_573, %get3A_579 : vector<16xf32>
      %swap3A_581 = arith.constant 1 : i32
      %swap3A_582 = arith.index_cast %swap3A_581 : i32 to index
      %swap3A_583 = arith.index_cast %scan3A_520 : i32 to index
      %swap3A_584 = arith.constant 32 : index
      %swap3A_585 = tpu.vector_load %arg7[%swap3A_582, %swap3A_583, %swap3A_584] {strides = array<i32>} : memref<3x128x128xf32, #tpu.memory_space<vmem>>, vector<1x1x16xf32>,
      %swap3A_586 = vector.shape_cast %swap3A_585 : vector<1x1x16xf32> to vector<16xf32>
      %swap3A_587 = vector.shape_cast %add3A_580 : vector<16xf32> to vector<1x1x16xf32>
      tpu.vector_store %arg7[%swap3A_582, %swap3A_583, %swap3A_584], %swap3A_587 {strides = array<i32>} : memref<3x128x128xf32, #tpu.memory_space<vmem>>, vector<1x1x16xf32>,
      %get3A_588 = arith.constant 1 : i32
      %get3A_589 = arith.index_cast %get3A_588 : i32 to index
      %get3A_590 = arith.index_cast %scan3A_520 : i32 to index
      %get3A_591 = arith.constant 48 : index
      %get3A_592 = tpu.vector_load %arg7[%get3A_589, %get3A_590, %get3A_591] {strides = array<i32>} : memref<3x128x128xf32, #tpu.memory_space<vmem>>, vector<1x1x16xf32>,
      %get3A_593 = vector.shape_cast %get3A_592 : vector<1x1x16xf32> to vector<16xf32>
      %mul3A_594 = arith.constant 11.3137083 : f32
      %mul3A_595 = vector.broadcast %mul3A_594 : f32 to vector<16xf32>
      %mul3A_596 = arith.mulf %get3A_593, %mul3A_595 : vector<16xf32>
      %add3A_597 = arith.constant 0 : i32
      %add3A_598 = arith.addi %add3A_597, %scan3A_520 : i32
      %get3A_599 = arith.index_cast %add3A_598 : i32 to index
      %get3A_600 = arith.constant 48 : index
      %get3A_601 = tpu.vector_load %arg8[%get3A_599, %get3A_600] {strides = array<i32>} : memref<256x128xf32, #tpu.memory_space<vmem>>, vector<1x16xf32>,
      %get3A_602 = vector.shape_cast %get3A_601 : vector<1x16xf32> to vector<16xf32>
      %add3A_603 = arith.addf %mul3A_596, %get3A_602 : vector<16xf32>
      %swap3A_604 = arith.constant 1 : i32
      %swap3A_605 = arith.index_cast %swap3A_604 : i32 to index
      %swap3A_606 = arith.index_cast %scan3A_520 : i32 to index
      %swap3A_607 = arith.constant 48 : index
      %swap3A_608 = tpu.vector_load %arg7[%swap3A_605, %swap3A_606, %swap3A_607] {strides = array<i32>} : memref<3x128x128xf32, #tpu.memory_space<vmem>>, vector<1x1x16xf32>,
      %swap3A_609 = vector.shape_cast %swap3A_608 : vector<1x1x16xf32> to vector<16xf32>
      %swap3A_610 = vector.shape_cast %add3A_603 : vector<16xf32> to vector<1x1x16xf32>
      tpu.vector_store %arg7[%swap3A_605, %swap3A_606, %swap3A_607], %swap3A_610 {strides = array<i32>} : memref<3x128x128xf32, #tpu.memory_space<vmem>>, vector<1x1x16xf32>,
      %get3A_611 = arith.constant 1 : i32
      %get3A_612 = arith.index_cast %get3A_611 : i32 to index
      %get3A_613 = arith.index_cast %scan3A_520 : i32 to index
      %get3A_614 = arith.constant 64 : index
      %get3A_615 = tpu.vector_load %arg7[%get3A_612, %get3A_613, %get3A_614] {strides = array<i32>} : memref<3x128x128xf32, #tpu.memory_space<vmem>>, vector<1x1x16xf32>,
      %get3A_616 = vector.shape_cast %get3A_615 : vector<1x1x16xf32> to vector<16xf32>
      %mul3A_617 = arith.constant 11.3137083 : f32
      %mul3A_618 = vector.broadcast %mul3A_617 : f32 to vector<16xf32>
      %mul3A_619 = arith.mulf %get3A_616, %mul3A_618 : vector<16xf32>
      %add3A_620 = arith.constant 0 : i32
      %add3A_621 = arith.addi %add3A_620, %scan3A_520 : i32
      %get3A_622 = arith.index_cast %add3A_621 : i32 to index
      %get3A_623 = arith.constant 64 : index
      %get3A_624 = tpu.vector_load %arg8[%get3A_622, %get3A_623] {strides = array<i32>} : memref<256x128xf32, #tpu.memory_space<vmem>>, vector<1x16xf32>,
      %get3A_625 = vector.shape_cast %get3A_624 : vector<1x16xf32> to vector<16xf32>
      %add3A_626 = arith.addf %mul3A_619, %get3A_625 : vector<16xf32>
      %swap3A_627 = arith.constant 1 : i32
      %swap3A_628 = arith.index_cast %swap3A_627 : i32 to index
      %swap3A_629 = arith.index_cast %scan3A_520 : i32 to index
      %swap3A_630 = arith.constant 64 : index
      %swap3A_631 = tpu.vector_load %arg7[%swap3A_628, %swap3A_629, %swap3A_630] {strides = array<i32>} : memref<3x128x128xf32, #tpu.memory_space<vmem>>, vector<1x1x16xf32>,
      %swap3A_632 = vector.shape_cast %swap3A_631 : vector<1x1x16xf32> to vector<16xf32>
      %swap3A_633 = vector.shape_cast %add3A_626 : vector<16xf32> to vector<1x1x16xf32>
      tpu.vector_store %arg7[%swap3A_628, %swap3A_629, %swap3A_630], %swap3A_633 {strides = array<i32>} : memref<3x128x128xf32, #tpu.memory_space<vmem>>, vector<1x1x16xf32>,
      %get3A_634 = arith.constant 1 : i32
      %get3A_635 = arith.index_cast %get3A_634 : i32 to index
      %get3A_636 = arith.index_cast %scan3A_520 : i32 to index
      %get3A_637 = arith.constant 80 : index
      %get3A_638 = tpu.vector_load %arg7[%get3A_635, %get3A_636, %get3A_637] {strides = array<i32>} : memref<3x128x128xf32, #tpu.memory_space<vmem>>, vector<1x1x16xf32>,
      %get3A_639 = vector.shape_cast %get3A_638 : vector<1x1x16xf32> to vector<16xf32>
      %mul3A_640 = arith.constant 11.3137083 : f32
      %mul3A_641 = vector.broadcast %mul3A_640 : f32 to vector<16xf32>
      %mul3A_642 = arith.mulf %get3A_639, %mul3A_641 : vector<16xf32>
      %add3A_643 = arith.constant 0 : i32
      %add3A_644 = arith.addi %add3A_643, %scan3A_520 : i32
      %get3A_645 = arith.index_cast %add3A_644 : i32 to index
      %get3A_646 = arith.constant 80 : index
      %get3A_647 = tpu.vector_load %arg8[%get3A_645, %get3A_646] {strides = array<i32>} : memref<256x128xf32, #tpu.memory_space<vmem>>, vector<1x16xf32>,
      %get3A_648 = vector.shape_cast %get3A_647 : vector<1x16xf32> to vector<16xf32>
      %add3A_649 = arith.addf %mul3A_642, %get3A_648 : vector<16xf32>
      %swap3A_650 = arith.constant 1 : i32
      %swap3A_651 = arith.index_cast %swap3A_650 : i32 to index
      %swap3A_652 = arith.index_cast %scan3A_520 : i32 to index
      %swap3A_653 = arith.constant 80 : index
      %swap3A_654 = tpu.vector_load %arg7[%swap3A_651, %swap3A_652, %swap3A_653] {strides = array<i32>} : memref<3x128x128xf32, #tpu.memory_space<vmem>>, vector<1x1x16xf32>,
      %swap3A_655 = vector.shape_cast %swap3A_654 : vector<1x1x16xf32> to vector<16xf32>
      %swap3A_656 = vector.shape_cast %add3A_649 : vector<16xf32> to vector<1x1x16xf32>
      tpu.vector_store %arg7[%swap3A_651, %swap3A_652, %swap3A_653], %swap3A_656 {strides = array<i32>} : memref<3x128x128xf32, #tpu.memory_space<vmem>>, vector<1x1x16xf32>,
      %get3A_657 = arith.constant 1 : i32
      %get3A_658 = arith.index_cast %get3A_657 : i32 to index
      %get3A_659 = arith.index_cast %scan3A_520 : i32 to index
      %get3A_660 = arith.constant 96 : index
      %get3A_661 = tpu.vector_load %arg7[%get3A_658, %get3A_659, %get3A_660] {strides = array<i32>} : memref<3x128x128xf32, #tpu.memory_space<vmem>>, vector<1x1x16xf32>,
      %get3A_662 = vector.shape_cast %get3A_661 : vector<1x1x16xf32> to vector<16xf32>
      %mul3A_663 = arith.constant 11.3137083 : f32
      %mul3A_664 = vector.broadcast %mul3A_663 : f32 to vector<16xf32>
      %mul3A_665 = arith.mulf %get3A_662, %mul3A_664 : vector<16xf32>
      %add3A_666 = arith.constant 0 : i32
      %add3A_667 = arith.addi %add3A_666, %scan3A_520 : i32
      %get3A_668 = arith.index_cast %add3A_667 : i32 to index
      %get3A_669 = arith.constant 96 : index
      %get3A_670 = tpu.vector_load %arg8[%get3A_668, %get3A_669] {strides = array<i32>} : memref<256x128xf32, #tpu.memory_space<vmem>>, vector<1x16xf32>,
      %get3A_671 = vector.shape_cast %get3A_670 : vector<1x16xf32> to vector<16xf32>
      %add3A_672 = arith.addf %mul3A_665, %get3A_671 : vector<16xf32>
      %swap3A_673 = arith.constant 1 : i32
      %swap3A_674 = arith.index_cast %swap3A_673 : i32 to index
      %swap3A_675 = arith.index_cast %scan3A_520 : i32 to index
      %swap3A_676 = arith.constant 96 : index
      %swap3A_677 = tpu.vector_load %arg7[%swap3A_674, %swap3A_675, %swap3A_676] {strides = array<i32>} : memref<3x128x128xf32, #tpu.memory_space<vmem>>, vector<1x1x16xf32>,
      %swap3A_678 = vector.shape_cast %swap3A_677 : vector<1x1x16xf32> to vector<16xf32>
      %swap3A_679 = vector.shape_cast %add3A_672 : vector<16xf32> to vector<1x1x16xf32>
      tpu.vector_store %arg7[%swap3A_674, %swap3A_675, %swap3A_676], %swap3A_679 {strides = array<i32>} : memref<3x128x128xf32, #tpu.memory_space<vmem>>, vector<1x1x16xf32>,
      %get3A_680 = arith.constant 1 : i32
      %get3A_681 = arith.index_cast %get3A_680 : i32 to index
      %get3A_682 = arith.index_cast %scan3A_520 : i32 to index
      %get3A_683 = arith.constant 112 : index
      %get3A_684 = tpu.vector_load %arg7[%get3A_681, %get3A_682, %get3A_683] {strides = array<i32>} : memref<3x128x128xf32, #tpu.memory_space<vmem>>, vector<1x1x16xf32>,
      %get3A_685 = vector.shape_cast %get3A_684 : vector<1x1x16xf32> to vector<16xf32>
      %mul3A_686 = arith.constant 11.3137083 : f32
      %mul3A_687 = vector.broadcast %mul3A_686 : f32 to vector<16xf32>
      %mul3A_688 = arith.mulf %get3A_685, %mul3A_687 : vector<16xf32>
      %add3A_689 = arith.constant 0 : i32
      %add3A_690 = arith.addi %add3A_689, %scan3A_520 : i32
      %get3A_691 = arith.index_cast %add3A_690 : i32 to index
      %get3A_692 = arith.constant 112 : index
      %get3A_693 = tpu.vector_load %arg8[%get3A_691, %get3A_692] {strides = array<i32>} : memref<256x128xf32, #tpu.memory_space<vmem>>, vector<1x16xf32>,
      %get3A_694 = vector.shape_cast %get3A_693 : vector<1x16xf32> to vector<16xf32>
      %add3A_695 = arith.addf %mul3A_688, %get3A_694 : vector<16xf32>
      %swap3A_696 = arith.constant 1 : i32
      %swap3A_697 = arith.index_cast %swap3A_696 : i32 to index
      %swap3A_698 = arith.index_cast %scan3A_520 : i32 to index
      %swap3A_699 = arith.constant 112 : index
      %swap3A_700 = tpu.vector_load %arg7[%swap3A_697, %swap3A_698, %swap3A_699] {strides = array<i32>} : memref<3x128x128xf32, #tpu.memory_space<vmem>>, vector<1x1x16xf32>,
      %swap3A_701 = vector.shape_cast %swap3A_700 : vector<1x1x16xf32> to vector<16xf32>
      %swap3A_702 = vector.shape_cast %add3A_695 : vector<16xf32> to vector<1x1x16xf32>
      tpu.vector_store %arg7[%swap3A_697, %swap3A_698, %swap3A_699], %swap3A_702 {strides = array<i32>} : memref<3x128x128xf32, #tpu.memory_space<vmem>>, vector<1x1x16xf32>,
    }
    %scan3A_317 = arith.constant 128 : i32
    %add3A_318 = arith.constant 0 : i32
    %add3A_319 = arith.addi %mul3A_2, %add3A_318 : i32
    %dma_start3A_320 = arith.constant 1 : i32
    %dma_start3A_321 = arith.constant 2 : i32
    %dma_start3A_322 = arith.constant 0 : i32
    %dma_start3A_323 = arith.constant 0 : i32
    %dma_start3A_324 = tpu.memref_slice %arg7[%dma_start3A_320, %dma_start3A_322, %dma_start3A_323] : memref<3x128x128xf32, #tpu.memory_space<vmem>> -> memref<1x128x128xf32, #tpu.memory_space<vmem>>
    %dma_start3A_325 = tpu.memref_squeeze %dma_start3A_324 : memref<1x128x128xf32, #tpu.memory_space<vmem>> -> memref<128x128xf32, #tpu.memory_space<vmem>>
    %dma_start3A_326 = arith.constant 0 : i32
    %dma_start3A_327 = tpu.memref_slice %arg5[%dma_start3A_321, %add3A_319, %dma_start3A_326] : memref<4x8192x128xf32, #tpu.memory_space<hbm>> -> memref<1x128x128xf32, #tpu.memory_space<hbm>>
    %dma_start3A_328 = tpu.memref_squeeze %dma_start3A_327 : memref<1x128x128xf32, #tpu.memory_space<hbm>> -> memref<128x128xf32, #tpu.memory_space<hbm>>
    %dma_start3A_329 = arith.constant 0 : i32
    %dma_start3A_330 = tpu.memref_slice %arg5[%dma_start3A_321, %add3A_319, %dma_start3A_329] : memref<4x8192x128xf32, #tpu.memory_space<hbm>> -> memref<1x128x128xf32, #tpu.memory_space<hbm>>
    %dma_start3A_331 = tpu.memref_squeeze %dma_start3A_330 : memref<1x128x128xf32, #tpu.memory_space<hbm>> -> memref<128x128xf32, #tpu.memory_space<hbm>>
    %dma_start3A_332 = arith.constant 0 : i32
    %dma_start3A_333 = arith.constant 0 : i32
    %dma_start3A_334 = tpu.memref_slice %arg7[%dma_start3A_320, %dma_start3A_332, %dma_start3A_333] : memref<3x128x128xf32, #tpu.memory_space<vmem>> -> memref<1x128x128xf32, #tpu.memory_space<vmem>>
    %dma_start3A_335 = tpu.memref_squeeze %dma_start3A_334 : memref<1x128x128xf32, #tpu.memory_space<vmem>> -> memref<128x128xf32, #tpu.memory_space<vmem>>
    tpu.enqueue_dma source(%dma_start3A_335 : memref<128x128xf32, #tpu.memory_space<vmem>>) target(%dma_start3A_331 : memref<128x128xf32, #tpu.memory_space<hbm>>) target_semaphore(%arg13 : memref<!tpu.dma_semaphore, #tpu.memory_space<semaphore_mem>>)
    %dma_wait3A_336 = arith.constant 1 : i32
    %dma_wait3A_337 = arith.constant 2 : i32
    %dma_wait3A_338 = arith.constant 0 : i32
    %dma_wait3A_339 = arith.constant 0 : i32
    %dma_wait3A_340 = tpu.memref_slice %arg7[%dma_wait3A_336, %dma_wait3A_338, %dma_wait3A_339] : memref<3x128x128xf32, #tpu.memory_space<vmem>> -> memref<1x128x128xf32, #tpu.memory_space<vmem>>
    %dma_wait3A_341 = tpu.memref_squeeze %dma_wait3A_340 : memref<1x128x128xf32, #tpu.memory_space<vmem>> -> memref<128x128xf32, #tpu.memory_space<vmem>>
    %dma_wait3A_342 = arith.constant 0 : i32
    %dma_wait3A_343 = tpu.memref_slice %arg5[%dma_wait3A_337, %add3A_319, %dma_wait3A_342] : memref<4x8192x128xf32, #tpu.memory_space<hbm>> -> memref<1x128x128xf32, #tpu.memory_space<hbm>>
    %dma_wait3A_344 = tpu.memref_squeeze %dma_wait3A_343 : memref<1x128x128xf32, #tpu.memory_space<hbm>> -> memref<128x128xf32, #tpu.memory_space<hbm>>
    %dma_wait3A_345 = arith.constant 0 : i32
    %dma_wait3A_346 = tpu.memref_slice %arg5[%dma_wait3A_337, %add3A_319, %dma_wait3A_345] : memref<4x8192x128xf32, #tpu.memory_space<hbm>> -> memref<1x128x128xf32, #tpu.memory_space<hbm>>
    %dma_wait3A_347 = tpu.memref_squeeze %dma_wait3A_346 : memref<1x128x128xf32, #tpu.memory_space<hbm>> -> memref<128x128xf32, #tpu.memory_space<hbm>>
    %dma_wait3A_348 = arith.constant 0 : i32
    %dma_wait3A_349 = arith.constant 0 : i32
    %dma_wait3A_350 = tpu.memref_slice %arg7[%dma_wait3A_336, %dma_wait3A_348, %dma_wait3A_349] : memref<3x128x128xf32, #tpu.memory_space<vmem>> -> memref<1x128x128xf32, #tpu.memory_space<vmem>>
    %dma_wait3A_351 = tpu.memref_squeeze %dma_wait3A_350 : memref<1x128x128xf32, #tpu.memory_space<vmem>> -> memref<128x128xf32, #tpu.memory_space<vmem>>
    tpu.wait_dma2 semaphore(%arg13 : memref<!tpu.dma_semaphore, #tpu.memory_space<semaphore_mem>>) src(%dma_wait3A_351 : memref<128x128xf32, #tpu.memory_space<vmem>>) dst(%dma_wait3A_347 : memref<128x128xf32, #tpu.memory_space<hbm>>)
    %dma_start3A_352 = arith.constant 3 : i32
    %dma_start3A_353 = arith.constant 1 : i32
    %dma_start3A_354 = arith.constant 0 : i32
    %dma_start3A_355 = arith.constant 0 : i32
    %dma_start3A_356 = tpu.memref_slice %arg7[%dma_start3A_353, %dma_start3A_354, %dma_start3A_355] : memref<3x128x128xf32, #tpu.memory_space<vmem>> -> memref<1x128x128xf32, #tpu.memory_space<vmem>>
    %dma_start3A_357 = tpu.memref_squeeze %dma_start3A_356 : memref<1x128x128xf32, #tpu.memory_space<vmem>> -> memref<128x128xf32, #tpu.memory_space<vmem>>
    %dma_start3A_358 = arith.constant 128 : i32
    %dma_start3A_359 = tpu.memref_slice %arg6[%dma_start3A_352, %dma_start3A_358] : memref<4x256xi32, #tpu.memory_space<vmem>> -> memref<1x128xi32, #tpu.memory_space<vmem>>
    %dma_start3A_360 = tpu.memref_squeeze %dma_start3A_359 : memref<1x128xi32, #tpu.memory_space<vmem>> -> memref<128xi32, #tpu.memory_space<vmem>>
    %dma_start3A_361 = arith.constant 0 : i32
    %dma_start3A_362 = arith.constant 0 : i32
    %dma_start3A_363 = tpu.memref_slice %arg2[%dma_start3A_361, %dma_start3A_362] : memref<1000000x128xf32, #tpu.memory_space<hbm>> -> memref<1000000x128xf32, #tpu.memory_space<hbm>>
    tpu.enqueue_indirect_dma source(%dma_start3A_363 : memref<1000000x128xf32, #tpu.memory_space<hbm>>) target(%dma_start3A_357 : memref<128x128xf32, #tpu.memory_space<vmem>>) offsets(%dma_start3A_360 : memref<128xi32, #tpu.memory_space<vmem>>) semaphore(%arg10 : memref<!tpu.dma_semaphore, #tpu.memory_space<semaphore_mem>>)
    %dma_wait3A_364 = arith.constant 2 : i32
    %dma_wait3A_365 = arith.constant 2 : i32
    %dma_wait3A_366 = arith.constant 0 : i32
    %dma_wait3A_367 = arith.constant 0 : i32
    %dma_wait3A_368 = tpu.memref_slice %arg7[%dma_wait3A_365, %dma_wait3A_366, %dma_wait3A_367] : memref<3x128x128xf32, #tpu.memory_space<vmem>> -> memref<1x128x128xf32, #tpu.memory_space<vmem>>
    %dma_wait3A_369 = tpu.memref_squeeze %dma_wait3A_368 : memref<1x128x128xf32, #tpu.memory_space<vmem>> -> memref<128x128xf32, #tpu.memory_space<vmem>>
    %dma_wait3A_370 = arith.constant 128 : i32
    %dma_wait3A_371 = tpu.memref_slice %arg6[%dma_wait3A_364, %dma_wait3A_370] : memref<4x256xi32, #tpu.memory_space<vmem>> -> memref<1x128xi32, #tpu.memory_space<vmem>>
    %dma_wait3A_372 = tpu.memref_squeeze %dma_wait3A_371 : memref<1x128xi32, #tpu.memory_space<vmem>> -> memref<128xi32, #tpu.memory_space<vmem>>
    %dma_wait3A_373 = arith.constant 0 : i32
    %dma_wait3A_374 = arith.constant 0 : i32
    %dma_wait3A_375 = tpu.memref_slice %arg2[%dma_wait3A_373, %dma_wait3A_374] : memref<1000000x128xf32, #tpu.memory_space<hbm>> -> memref<1000000x128xf32, #tpu.memory_space<hbm>>
    tpu.wait_indirect_dma semaphore(%arg11 : memref<!tpu.dma_semaphore, #tpu.memory_space<semaphore_mem>>) src(%dma_wait3A_375 : memref<1000000x128xf32, #tpu.memory_space<hbm>>) dst(%dma_wait3A_369 : memref<128x128xf32, #tpu.memory_space<vmem>>)
    %scan3A_376 = arith.constant 0 : i32
    %scan3A_377 = arith.constant 0 : i32
    %scan3A_378 = arith.constant 128 : i32
    %scan3A_379 = arith.addi %scan3A_377, %scan3A_378 : i32
    %scan3A_380 = arith.constant 1 : i32
    scf.for %scan3A_520 = %scan3A_377 to %scan3A_379 step %scan3A_380  : i32 {
      %get3A = arith.constant 2 : i32
      %get3A_521 = arith.index_cast %get3A : i32 to index
      %get3A_522 = arith.index_cast %scan3A_520 : i32 to index
      %get3A_523 = arith.constant 0 : index
      %get3A_524 = tpu.vector_load %arg7[%get3A_521, %get3A_522, %get3A_523] {strides = array<i32>} : memref<3x128x128xf32, #tpu.memory_space<vmem>>, vector<1x1x16xf32>,
      %get3A_525 = vector.shape_cast %get3A_524 : vector<1x1x16xf32> to vector<16xf32>
      %mul3A_526 = arith.constant 11.3137083 : f32
      %mul3A_527 = vector.broadcast %mul3A_526 : f32 to vector<16xf32>
      %mul3A_528 = arith.mulf %get3A_525, %mul3A_527 : vector<16xf32>
      %add3A_529 = arith.constant 128 : i32
      %add3A_530 = arith.addi %add3A_529, %scan3A_520 : i32
      %get3A_531 = arith.index_cast %add3A_530 : i32 to index
      %get3A_532 = arith.constant 0 : index
      %get3A_533 = tpu.vector_load %arg8[%get3A_531, %get3A_532] {strides = array<i32>} : memref<256x128xf32, #tpu.memory_space<vmem>>, vector<1x16xf32>,
      %get3A_534 = vector.shape_cast %get3A_533 : vector<1x16xf32> to vector<16xf32>
      %add3A_535 = arith.addf %mul3A_528, %get3A_534 : vector<16xf32>
      %swap3A = arith.constant 2 : i32
      %swap3A_536 = arith.index_cast %swap3A : i32 to index
      %swap3A_537 = arith.index_cast %scan3A_520 : i32 to index
      %swap3A_538 = arith.constant 0 : index
      %swap3A_539 = tpu.vector_load %arg7[%swap3A_536, %swap3A_537, %swap3A_538] {strides = array<i32>} : memref<3x128x128xf32, #tpu.memory_space<vmem>>, vector<1x1x16xf32>,
      %swap3A_540 = vector.shape_cast %swap3A_539 : vector<1x1x16xf32> to vector<16xf32>
      %swap3A_541 = vector.shape_cast %add3A_535 : vector<16xf32> to vector<1x1x16xf32>
      tpu.vector_store %arg7[%swap3A_536, %swap3A_537, %swap3A_538], %swap3A_541 {strides = array<i32>} : memref<3x128x128xf32, #tpu.memory_space<vmem>>, vector<1x1x16xf32>,
      %get3A_542 = arith.constant 2 : i32
      %get3A_543 = arith.index_cast %get3A_542 : i32 to index
      %get3A_544 = arith.index_cast %scan3A_520 : i32 to index
      %get3A_545 = arith.constant 16 : index
      %get3A_546 = tpu.vector_load %arg7[%get3A_543, %get3A_544, %get3A_545] {strides = array<i32>} : memref<3x128x128xf32, #tpu.memory_space<vmem>>, vector<1x1x16xf32>,
      %get3A_547 = vector.shape_cast %get3A_546 : vector<1x1x16xf32> to vector<16xf32>
      %mul3A_548 = arith.constant 11.3137083 : f32
      %mul3A_549 = vector.broadcast %mul3A_548 : f32 to vector<16xf32>
      %mul3A_550 = arith.mulf %get3A_547, %mul3A_549 : vector<16xf32>
      %add3A_551 = arith.constant 128 : i32
      %add3A_552 = arith.addi %add3A_551, %scan3A_520 : i32
      %get3A_553 = arith.index_cast %add3A_552 : i32 to index
      %get3A_554 = arith.constant 16 : index
      %get3A_555 = tpu.vector_load %arg8[%get3A_553, %get3A_554] {strides = array<i32>} : memref<256x128xf32, #tpu.memory_space<vmem>>, vector<1x16xf32>,
      %get3A_556 = vector.shape_cast %get3A_555 : vector<1x16xf32> to vector<16xf32>
      %add3A_557 = arith.addf %mul3A_550, %get3A_556 : vector<16xf32>
      %swap3A_558 = arith.constant 2 : i32
      %swap3A_559 = arith.index_cast %swap3A_558 : i32 to index
      %swap3A_560 = arith.index_cast %scan3A_520 : i32 to index
      %swap3A_561 = arith.constant 16 : index
      %swap3A_562 = tpu.vector_load %arg7[%swap3A_559, %swap3A_560, %swap3A_561] {strides = array<i32>} : memref<3x128x128xf32, #tpu.memory_space<vmem>>, vector<1x1x16xf32>,
      %swap3A_563 = vector.shape_cast %swap3A_562 : vector<1x1x16xf32> to vector<16xf32>
      %swap3A_564 = vector.shape_cast %add3A_557 : vector<16xf32> to vector<1x1x16xf32>
      tpu.vector_store %arg7[%swap3A_559, %swap3A_560, %swap3A_561], %swap3A_564 {strides = array<i32>} : memref<3x128x128xf32, #tpu.memory_space<vmem>>, vector<1x1x16xf32>,
      %get3A_565 = arith.constant 2 : i32
      %get3A_566 = arith.index_cast %get3A_565 : i32 to index
      %get3A_567 = arith.index_cast %scan3A_520 : i32 to index
      %get3A_568 = arith.constant 32 : index
      %get3A_569 = tpu.vector_load %arg7[%get3A_566, %get3A_567, %get3A_568] {strides = array<i32>} : memref<3x128x128xf32, #tpu.memory_space<vmem>>, vector<1x1x16xf32>,
      %get3A_570 = vector.shape_cast %get3A_569 : vector<1x1x16xf32> to vector<16xf32>
      %mul3A_571 = arith.constant 11.3137083 : f32
      %mul3A_572 = vector.broadcast %mul3A_571 : f32 to vector<16xf32>
      %mul3A_573 = arith.mulf %get3A_570, %mul3A_572 : vector<16xf32>
      %add3A_574 = arith.constant 128 : i32
      %add3A_575 = arith.addi %add3A_574, %scan3A_520 : i32
      %get3A_576 = arith.index_cast %add3A_575 : i32 to index
      %get3A_577 = arith.constant 32 : index
      %get3A_578 = tpu.vector_load %arg8[%get3A_576, %get3A_577] {strides = array<i32>} : memref<256x128xf32, #tpu.memory_space<vmem>>, vector<1x16xf32>,
      %get3A_579 = vector.shape_cast %get3A_578 : vector<1x16xf32> to vector<16xf32>
      %add3A_580 = arith.addf %mul3A_573, %get3A_579 : vector<16xf32>
      %swap3A_581 = arith.constant 2 : i32
      %swap3A_582 = arith.index_cast %swap3A_581 : i32 to index
      %swap3A_583 = arith.index_cast %scan3A_520 : i32 to index
      %swap3A_584 = arith.constant 32 : index
      %swap3A_585 = tpu.vector_load %arg7[%swap3A_582, %swap3A_583, %swap3A_584] {strides = array<i32>} : memref<3x128x128xf32, #tpu.memory_space<vmem>>, vector<1x1x16xf32>,
      %swap3A_586 = vector.shape_cast %swap3A_585 : vector<1x1x16xf32> to vector<16xf32>
      %swap3A_587 = vector.shape_cast %add3A_580 : vector<16xf32> to vector<1x1x16xf32>
      tpu.vector_store %arg7[%swap3A_582, %swap3A_583, %swap3A_584], %swap3A_587 {strides = array<i32>} : memref<3x128x128xf32, #tpu.memory_space<vmem>>, vector<1x1x16xf32>,
      %get3A_588 = arith.constant 2 : i32
      %get3A_589 = arith.index_cast %get3A_588 : i32 to index
      %get3A_590 = arith.index_cast %scan3A_520 : i32 to index
      %get3A_591 = arith.constant 48 : index
      %get3A_592 = tpu.vector_load %arg7[%get3A_589, %get3A_590, %get3A_591] {strides = array<i32>} : memref<3x128x128xf32, #tpu.memory_space<vmem>>, vector<1x1x16xf32>,
      %get3A_593 = vector.shape_cast %get3A_592 : vector<1x1x16xf32> to vector<16xf32>
      %mul3A_594 = arith.constant 11.3137083 : f32
      %mul3A_595 = vector.broadcast %mul3A_594 : f32 to vector<16xf32>
      %mul3A_596 = arith.mulf %get3A_593, %mul3A_595 : vector<16xf32>
      %add3A_597 = arith.constant 128 : i32
      %add3A_598 = arith.addi %add3A_597, %scan3A_520 : i32
      %get3A_599 = arith.index_cast %add3A_598 : i32 to index
      %get3A_600 = arith.constant 48 : index
      %get3A_601 = tpu.vector_load %arg8[%get3A_599, %get3A_600] {strides = array<i32>} : memref<256x128xf32, #tpu.memory_space<vmem>>, vector<1x16xf32>,
      %get3A_602 = vector.shape_cast %get3A_601 : vector<1x16xf32> to vector<16xf32>
      %add3A_603 = arith.addf %mul3A_596, %get3A_602 : vector<16xf32>
      %swap3A_604 = arith.constant 2 : i32
      %swap3A_605 = arith.index_cast %swap3A_604 : i32 to index
      %swap3A_606 = arith.index_cast %scan3A_520 : i32 to index
      %swap3A_607 = arith.constant 48 : index
      %swap3A_608 = tpu.vector_load %arg7[%swap3A_605, %swap3A_606, %swap3A_607] {strides = array<i32>} : memref<3x128x128xf32, #tpu.memory_space<vmem>>, vector<1x1x16xf32>,
      %swap3A_609 = vector.shape_cast %swap3A_608 : vector<1x1x16xf32> to vector<16xf32>
      %swap3A_610 = vector.shape_cast %add3A_603 : vector<16xf32> to vector<1x1x16xf32>
      tpu.vector_store %arg7[%swap3A_605, %swap3A_606, %swap3A_607], %swap3A_610 {strides = array<i32>} : memref<3x128x128xf32, #tpu.memory_space<vmem>>, vector<1x1x16xf32>,
      %get3A_611 = arith.constant 2 : i32
      %get3A_612 = arith.index_cast %get3A_611 : i32 to index
      %get3A_613 = arith.index_cast %scan3A_520 : i32 to index
      %get3A_614 = arith.constant 64 : index
      %get3A_615 = tpu.vector_load %arg7[%get3A_612, %get3A_613, %get3A_614] {strides = array<i32>} : memref<3x128x128xf32, #tpu.memory_space<vmem>>, vector<1x1x16xf32>,
      %get3A_616 = vector.shape_cast %get3A_615 : vector<1x1x16xf32> to vector<16xf32>
      %mul3A_617 = arith.constant 11.3137083 : f32
      %mul3A_618 = vector.broadcast %mul3A_617 : f32 to vector<16xf32>
      %mul3A_619 = arith.mulf %get3A_616, %mul3A_618 : vector<16xf32>
      %add3A_620 = arith.constant 128 : i32
      %add3A_621 = arith.addi %add3A_620, %scan3A_520 : i32
      %get3A_622 = arith.index_cast %add3A_621 : i32 to index
      %get3A_623 = arith.constant 64 : index
      %get3A_624 = tpu.vector_load %arg8[%get3A_622, %get3A_623] {strides = array<i32>} : memref<256x128xf32, #tpu.memory_space<vmem>>, vector<1x16xf32>,
      %get3A_625 = vector.shape_cast %get3A_624 : vector<1x16xf32> to vector<16xf32>
      %add3A_626 = arith.addf %mul3A_619, %get3A_625 : vector<16xf32>
      %swap3A_627 = arith.constant 2 : i32
      %swap3A_628 = arith.index_cast %swap3A_627 : i32 to index
      %swap3A_629 = arith.index_cast %scan3A_520 : i32 to index
      %swap3A_630 = arith.constant 64 : index
      %swap3A_631 = tpu.vector_load %arg7[%swap3A_628, %swap3A_629, %swap3A_630] {strides = array<i32>} : memref<3x128x128xf32, #tpu.memory_space<vmem>>, vector<1x1x16xf32>,
      %swap3A_632 = vector.shape_cast %swap3A_631 : vector<1x1x16xf32> to vector<16xf32>
      %swap3A_633 = vector.shape_cast %add3A_626 : vector<16xf32> to vector<1x1x16xf32>
      tpu.vector_store %arg7[%swap3A_628, %swap3A_629, %swap3A_630], %swap3A_633 {strides = array<i32>} : memref<3x128x128xf32, #tpu.memory_space<vmem>>, vector<1x1x16xf32>,
      %get3A_634 = arith.constant 2 : i32
      %get3A_635 = arith.index_cast %get3A_634 : i32 to index
      %get3A_636 = arith.index_cast %scan3A_520 : i32 to index
      %get3A_637 = arith.constant 80 : index
      %get3A_638 = tpu.vector_load %arg7[%get3A_635, %get3A_636, %get3A_637] {strides = array<i32>} : memref<3x128x128xf32, #tpu.memory_space<vmem>>, vector<1x1x16xf32>,
      %get3A_639 = vector.shape_cast %get3A_638 : vector<1x1x16xf32> to vector<16xf32>
      %mul3A_640 = arith.constant 11.3137083 : f32
      %mul3A_641 = vector.broadcast %mul3A_640 : f32 to vector<16xf32>
      %mul3A_642 = arith.mulf %get3A_639, %mul3A_641 : vector<16xf32>
      %add3A_643 = arith.constant 128 : i32
      %add3A_644 = arith.addi %add3A_643, %scan3A_520 : i32
      %get3A_645 = arith.index_cast %add3A_644 : i32 to index
      %get3A_646 = arith.constant 80 : index
      %get3A_647 = tpu.vector_load %arg8[%get3A_645, %get3A_646] {strides = array<i32>} : memref<256x128xf32, #tpu.memory_space<vmem>>, vector<1x16xf32>,
      %get3A_648 = vector.shape_cast %get3A_647 : vector<1x16xf32> to vector<16xf32>
      %add3A_649 = arith.addf %mul3A_642, %get3A_648 : vector<16xf32>
      %swap3A_650 = arith.constant 2 : i32
      %swap3A_651 = arith.index_cast %swap3A_650 : i32 to index
      %swap3A_652 = arith.index_cast %scan3A_520 : i32 to index
      %swap3A_653 = arith.constant 80 : index
      %swap3A_654 = tpu.vector_load %arg7[%swap3A_651, %swap3A_652, %swap3A_653] {strides = array<i32>} : memref<3x128x128xf32, #tpu.memory_space<vmem>>, vector<1x1x16xf32>,
      %swap3A_655 = vector.shape_cast %swap3A_654 : vector<1x1x16xf32> to vector<16xf32>
      %swap3A_656 = vector.shape_cast %add3A_649 : vector<16xf32> to vector<1x1x16xf32>
      tpu.vector_store %arg7[%swap3A_651, %swap3A_652, %swap3A_653], %swap3A_656 {strides = array<i32>} : memref<3x128x128xf32, #tpu.memory_space<vmem>>, vector<1x1x16xf32>,
      %get3A_657 = arith.constant 2 : i32
      %get3A_658 = arith.index_cast %get3A_657 : i32 to index
      %get3A_659 = arith.index_cast %scan3A_520 : i32 to index
      %get3A_660 = arith.constant 96 : index
      %get3A_661 = tpu.vector_load %arg7[%get3A_658, %get3A_659, %get3A_660] {strides = array<i32>} : memref<3x128x128xf32, #tpu.memory_space<vmem>>, vector<1x1x16xf32>,
      %get3A_662 = vector.shape_cast %get3A_661 : vector<1x1x16xf32> to vector<16xf32>
      %mul3A_663 = arith.constant 11.3137083 : f32
      %mul3A_664 = vector.broadcast %mul3A_663 : f32 to vector<16xf32>
      %mul3A_665 = arith.mulf %get3A_662, %mul3A_664 : vector<16xf32>
      %add3A_666 = arith.constant 128 : i32
      %add3A_667 = arith.addi %add3A_666, %scan3A_520 : i32
      %get3A_668 = arith.index_cast %add3A_667 : i32 to index
      %get3A_669 = arith.constant 96 : index
      %get3A_670 = tpu.vector_load %arg8[%get3A_668, %get3A_669] {strides = array<i32>} : memref<256x128xf32, #tpu.memory_space<vmem>>, vector<1x16xf32>,
      %get3A_671 = vector.shape_cast %get3A_670 : vector<1x16xf32> to vector<16xf32>
      %add3A_672 = arith.addf %mul3A_665, %get3A_671 : vector<16xf32>
      %swap3A_673 = arith.constant 2 : i32
      %swap3A_674 = arith.index_cast %swap3A_673 : i32 to index
      %swap3A_675 = arith.index_cast %scan3A_520 : i32 to index
      %swap3A_676 = arith.constant 96 : index
      %swap3A_677 = tpu.vector_load %arg7[%swap3A_674, %swap3A_675, %swap3A_676] {strides = array<i32>} : memref<3x128x128xf32, #tpu.memory_space<vmem>>, vector<1x1x16xf32>,
      %swap3A_678 = vector.shape_cast %swap3A_677 : vector<1x1x16xf32> to vector<16xf32>
      %swap3A_679 = vector.shape_cast %add3A_672 : vector<16xf32> to vector<1x1x16xf32>
      tpu.vector_store %arg7[%swap3A_674, %swap3A_675, %swap3A_676], %swap3A_679 {strides = array<i32>} : memref<3x128x128xf32, #tpu.memory_space<vmem>>, vector<1x1x16xf32>,
      %get3A_680 = arith.constant 2 : i32
      %get3A_681 = arith.index_cast %get3A_680 : i32 to index
      %get3A_682 = arith.index_cast %scan3A_520 : i32 to index
      %get3A_683 = arith.constant 112 : index
      %get3A_684 = tpu.vector_load %arg7[%get3A_681, %get3A_682, %get3A_683] {strides = array<i32>} : memref<3x128x128xf32, #tpu.memory_space<vmem>>, vector<1x1x16xf32>,
      %get3A_685 = vector.shape_cast %get3A_684 : vector<1x1x16xf32> to vector<16xf32>
      %mul3A_686 = arith.constant 11.3137083 : f32
      %mul3A_687 = vector.broadcast %mul3A_686 : f32 to vector<16xf32>
      %mul3A_688 = arith.mulf %get3A_685, %mul3A_687 : vector<16xf32>
      %add3A_689 = arith.constant 128 : i32
      %add3A_690 = arith.addi %add3A_689, %scan3A_520 : i32
      %get3A_691 = arith.index_cast %add3A_690 : i32 to index
      %get3A_692 = arith.constant 112 : index
      %get3A_693 = tpu.vector_load %arg8[%get3A_691, %get3A_692] {strides = array<i32>} : memref<256x128xf32, #tpu.memory_space<vmem>>, vector<1x16xf32>,
      %get3A_694 = vector.shape_cast %get3A_693 : vector<1x16xf32> to vector<16xf32>
      %add3A_695 = arith.addf %mul3A_688, %get3A_694 : vector<16xf32>
      %swap3A_696 = arith.constant 2 : i32
      %swap3A_697 = arith.index_cast %swap3A_696 : i32 to index
      %swap3A_698 = arith.index_cast %scan3A_520 : i32 to index
      %swap3A_699 = arith.constant 112 : index
      %swap3A_700 = tpu.vector_load %arg7[%swap3A_697, %swap3A_698, %swap3A_699] {strides = array<i32>} : memref<3x128x128xf32, #tpu.memory_space<vmem>>, vector<1x1x16xf32>,
      %swap3A_701 = vector.shape_cast %swap3A_700 : vector<1x1x16xf32> to vector<16xf32>
      %swap3A_702 = vector.shape_cast %add3A_695 : vector<16xf32> to vector<1x1x16xf32>
      tpu.vector_store %arg7[%swap3A_697, %swap3A_698, %swap3A_699], %swap3A_702 {strides = array<i32>} : memref<3x128x128xf32, #tpu.memory_space<vmem>>, vector<1x1x16xf32>,
    }
    %scan3A_381 = arith.constant 128 : i32
    %add3A_382 = arith.constant 128 : i32
    %add3A_383 = arith.addi %mul3A_2, %add3A_382 : i32
    %dma_start3A_384 = arith.constant 2 : i32
    %dma_start3A_385 = arith.constant 2 : i32
    %dma_start3A_386 = arith.constant 0 : i32
    %dma_start3A_387 = arith.constant 0 : i32
    %dma_start3A_388 = tpu.memref_slice %arg7[%dma_start3A_384, %dma_start3A_386, %dma_start3A_387] : memref<3x128x128xf32, #tpu.memory_space<vmem>> -> memref<1x128x128xf32, #tpu.memory_space<vmem>>
    %dma_start3A_389 = tpu.memref_squeeze %dma_start3A_388 : memref<1x128x128xf32, #tpu.memory_space<vmem>> -> memref<128x128xf32, #tpu.memory_space<vmem>>
    %dma_start3A_390 = arith.constant 0 : i32
    %dma_start3A_391 = tpu.memref_slice %arg5[%dma_start3A_385, %add3A_383, %dma_start3A_390] : memref<4x8192x128xf32, #tpu.memory_space<hbm>> -> memref<1x128x128xf32, #tpu.memory_space<hbm>>
    %dma_start3A_392 = tpu.memref_squeeze %dma_start3A_391 : memref<1x128x128xf32, #tpu.memory_space<hbm>> -> memref<128x128xf32, #tpu.memory_space<hbm>>
    %dma_start3A_393 = arith.constant 0 : i32
    %dma_start3A_394 = tpu.memref_slice %arg5[%dma_start3A_385, %add3A_383, %dma_start3A_393] : memref<4x8192x128xf32, #tpu.memory_space<hbm>> -> memref<1x128x128xf32, #tpu.memory_space<hbm>>
    %dma_start3A_395 = tpu.memref_squeeze %dma_start3A_394 : memref<1x128x128xf32, #tpu.memory_space<hbm>> -> memref<128x128xf32, #tpu.memory_space<hbm>>
    %dma_start3A_396 = arith.constant 0 : i32
    %dma_start3A_397 = arith.constant 0 : i32
    %dma_start3A_398 = tpu.memref_slice %arg7[%dma_start3A_384, %dma_start3A_396, %dma_start3A_397] : memref<3x128x128xf32, #tpu.memory_space<vmem>> -> memref<1x128x128xf32, #tpu.memory_space<vmem>>
    %dma_start3A_399 = tpu.memref_squeeze %dma_start3A_398 : memref<1x128x128xf32, #tpu.memory_space<vmem>> -> memref<128x128xf32, #tpu.memory_space<vmem>>
    tpu.enqueue_dma source(%dma_start3A_399 : memref<128x128xf32, #tpu.memory_space<vmem>>) target(%dma_start3A_395 : memref<128x128xf32, #tpu.memory_space<hbm>>) target_semaphore(%arg14 : memref<!tpu.dma_semaphore, #tpu.memory_space<semaphore_mem>>)
    %dma_wait3A_400 = arith.constant 3 : i32
    %dma_wait3A_401 = arith.constant 0 : i32
    %dma_wait3A_402 = arith.constant 0 : i32
    %dma_wait3A_403 = arith.constant 0 : i32
    %dma_wait3A_404 = tpu.memref_slice %arg7[%dma_wait3A_401, %dma_wait3A_402, %dma_wait3A_403] : memref<3x128x128xf32, #tpu.memory_space<vmem>> -> memref<1x128x128xf32, #tpu.memory_space<vmem>>
    %dma_wait3A_405 = tpu.memref_squeeze %dma_wait3A_404 : memref<1x128x128xf32, #tpu.memory_space<vmem>> -> memref<128x128xf32, #tpu.memory_space<vmem>>
    %dma_wait3A_406 = arith.constant 0 : i32
    %dma_wait3A_407 = tpu.memref_slice %arg6[%dma_wait3A_400, %dma_wait3A_406] : memref<4x256xi32, #tpu.memory_space<vmem>> -> memref<1x128xi32, #tpu.memory_space<vmem>>
    %dma_wait3A_408 = tpu.memref_squeeze %dma_wait3A_407 : memref<1x128xi32, #tpu.memory_space<vmem>> -> memref<128xi32, #tpu.memory_space<vmem>>
    %dma_wait3A_409 = arith.constant 0 : i32
    %dma_wait3A_410 = arith.constant 0 : i32
    %dma_wait3A_411 = tpu.memref_slice %arg2[%dma_wait3A_409, %dma_wait3A_410] : memref<1000000x128xf32, #tpu.memory_space<hbm>> -> memref<1000000x128xf32, #tpu.memory_space<hbm>>
    tpu.wait_indirect_dma semaphore(%arg9 : memref<!tpu.dma_semaphore, #tpu.memory_space<semaphore_mem>>) src(%dma_wait3A_411 : memref<1000000x128xf32, #tpu.memory_space<hbm>>) dst(%dma_wait3A_405 : memref<128x128xf32, #tpu.memory_space<vmem>>)
    %scan3A_412 = arith.constant 0 : i32
    %scan3A_413 = arith.constant 0 : i32
    %scan3A_414 = arith.constant 128 : i32
    %scan3A_415 = arith.addi %scan3A_413, %scan3A_414 : i32
    %scan3A_416 = arith.constant 1 : i32
    scf.for %scan3A_520 = %scan3A_413 to %scan3A_415 step %scan3A_416  : i32 {
      %get3A = arith.constant 0 : i32
      %get3A_521 = arith.index_cast %get3A : i32 to index
      %get3A_522 = arith.index_cast %scan3A_520 : i32 to index
      %get3A_523 = arith.constant 0 : index
      %get3A_524 = tpu.vector_load %arg7[%get3A_521, %get3A_522, %get3A_523] {strides = array<i32>} : memref<3x128x128xf32, #tpu.memory_space<vmem>>, vector<1x1x16xf32>,
      %get3A_525 = vector.shape_cast %get3A_524 : vector<1x1x16xf32> to vector<16xf32>
      %mul3A_526 = arith.constant 11.3137083 : f32
      %mul3A_527 = vector.broadcast %mul3A_526 : f32 to vector<16xf32>
      %mul3A_528 = arith.mulf %get3A_525, %mul3A_527 : vector<16xf32>
      %add3A_529 = arith.constant 0 : i32
      %add3A_530 = arith.addi %add3A_529, %scan3A_520 : i32
      %get3A_531 = arith.index_cast %add3A_530 : i32 to index
      %get3A_532 = arith.constant 0 : index
      %get3A_533 = tpu.vector_load %arg8[%get3A_531, %get3A_532] {strides = array<i32>} : memref<256x128xf32, #tpu.memory_space<vmem>>, vector<1x16xf32>,
      %get3A_534 = vector.shape_cast %get3A_533 : vector<1x16xf32> to vector<16xf32>
      %add3A_535 = arith.addf %mul3A_528, %get3A_534 : vector<16xf32>
      %swap3A = arith.constant 0 : i32
      %swap3A_536 = arith.index_cast %swap3A : i32 to index
      %swap3A_537 = arith.index_cast %scan3A_520 : i32 to index
      %swap3A_538 = arith.constant 0 : index
      %swap3A_539 = tpu.vector_load %arg7[%swap3A_536, %swap3A_537, %swap3A_538] {strides = array<i32>} : memref<3x128x128xf32, #tpu.memory_space<vmem>>, vector<1x1x16xf32>,
      %swap3A_540 = vector.shape_cast %swap3A_539 : vector<1x1x16xf32> to vector<16xf32>
      %swap3A_541 = vector.shape_cast %add3A_535 : vector<16xf32> to vector<1x1x16xf32>
      tpu.vector_store %arg7[%swap3A_536, %swap3A_537, %swap3A_538], %swap3A_541 {strides = array<i32>} : memref<3x128x128xf32, #tpu.memory_space<vmem>>, vector<1x1x16xf32>,
      %get3A_542 = arith.constant 0 : i32
      %get3A_543 = arith.index_cast %get3A_542 : i32 to index
      %get3A_544 = arith.index_cast %scan3A_520 : i32 to index
      %get3A_545 = arith.constant 16 : index
      %get3A_546 = tpu.vector_load %arg7[%get3A_543, %get3A_544, %get3A_545] {strides = array<i32>} : memref<3x128x128xf32, #tpu.memory_space<vmem>>, vector<1x1x16xf32>,
      %get3A_547 = vector.shape_cast %get3A_546 : vector<1x1x16xf32> to vector<16xf32>
      %mul3A_548 = arith.constant 11.3137083 : f32
      %mul3A_549 = vector.broadcast %mul3A_548 : f32 to vector<16xf32>
      %mul3A_550 = arith.mulf %get3A_547, %mul3A_549 : vector<16xf32>
      %add3A_551 = arith.constant 0 : i32
      %add3A_552 = arith.addi %add3A_551, %scan3A_520 : i32
      %get3A_553 = arith.index_cast %add3A_552 : i32 to index
      %get3A_554 = arith.constant 16 : index
      %get3A_555 = tpu.vector_load %arg8[%get3A_553, %get3A_554] {strides = array<i32>} : memref<256x128xf32, #tpu.memory_space<vmem>>, vector<1x16xf32>,
      %get3A_556 = vector.shape_cast %get3A_555 : vector<1x16xf32> to vector<16xf32>
      %add3A_557 = arith.addf %mul3A_550, %get3A_556 : vector<16xf32>
      %swap3A_558 = arith.constant 0 : i32
      %swap3A_559 = arith.index_cast %swap3A_558 : i32 to index
      %swap3A_560 = arith.index_cast %scan3A_520 : i32 to index
      %swap3A_561 = arith.constant 16 : index
      %swap3A_562 = tpu.vector_load %arg7[%swap3A_559, %swap3A_560, %swap3A_561] {strides = array<i32>} : memref<3x128x128xf32, #tpu.memory_space<vmem>>, vector<1x1x16xf32>,
      %swap3A_563 = vector.shape_cast %swap3A_562 : vector<1x1x16xf32> to vector<16xf32>
      %swap3A_564 = vector.shape_cast %add3A_557 : vector<16xf32> to vector<1x1x16xf32>
      tpu.vector_store %arg7[%swap3A_559, %swap3A_560, %swap3A_561], %swap3A_564 {strides = array<i32>} : memref<3x128x128xf32, #tpu.memory_space<vmem>>, vector<1x1x16xf32>,
      %get3A_565 = arith.constant 0 : i32
      %get3A_566 = arith.index_cast %get3A_565 : i32 to index
      %get3A_567 = arith.index_cast %scan3A_520 : i32 to index
      %get3A_568 = arith.constant 32 : index
      %get3A_569 = tpu.vector_load %arg7[%get3A_566, %get3A_567, %get3A_568] {strides = array<i32>} : memref<3x128x128xf32, #tpu.memory_space<vmem>>, vector<1x1x16xf32>,
      %get3A_570 = vector.shape_cast %get3A_569 : vector<1x1x16xf32> to vector<16xf32>
      %mul3A_571 = arith.constant 11.3137083 : f32
      %mul3A_572 = vector.broadcast %mul3A_571 : f32 to vector<16xf32>
      %mul3A_573 = arith.mulf %get3A_570, %mul3A_572 : vector<16xf32>
      %add3A_574 = arith.constant 0 : i32
      %add3A_575 = arith.addi %add3A_574, %scan3A_520 : i32
      %get3A_576 = arith.index_cast %add3A_575 : i32 to index
      %get3A_577 = arith.constant 32 : index
      %get3A_578 = tpu.vector_load %arg8[%get3A_576, %get3A_577] {strides = array<i32>} : memref<256x128xf32, #tpu.memory_space<vmem>>, vector<1x16xf32>,
      %get3A_579 = vector.shape_cast %get3A_578 : vector<1x16xf32> to vector<16xf32>
      %add3A_580 = arith.addf %mul3A_573, %get3A_579 : vector<16xf32>
      %swap3A_581 = arith.constant 0 : i32
      %swap3A_582 = arith.index_cast %swap3A_581 : i32 to index
      %swap3A_583 = arith.index_cast %scan3A_520 : i32 to index
      %swap3A_584 = arith.constant 32 : index
      %swap3A_585 = tpu.vector_load %arg7[%swap3A_582, %swap3A_583, %swap3A_584] {strides = array<i32>} : memref<3x128x128xf32, #tpu.memory_space<vmem>>, vector<1x1x16xf32>,
      %swap3A_586 = vector.shape_cast %swap3A_585 : vector<1x1x16xf32> to vector<16xf32>
      %swap3A_587 = vector.shape_cast %add3A_580 : vector<16xf32> to vector<1x1x16xf32>
      tpu.vector_store %arg7[%swap3A_582, %swap3A_583, %swap3A_584], %swap3A_587 {strides = array<i32>} : memref<3x128x128xf32, #tpu.memory_space<vmem>>, vector<1x1x16xf32>,
      %get3A_588 = arith.constant 0 : i32
      %get3A_589 = arith.index_cast %get3A_588 : i32 to index
      %get3A_590 = arith.index_cast %scan3A_520 : i32 to index
      %get3A_591 = arith.constant 48 : index
      %get3A_592 = tpu.vector_load %arg7[%get3A_589, %get3A_590, %get3A_591] {strides = array<i32>} : memref<3x128x128xf32, #tpu.memory_space<vmem>>, vector<1x1x16xf32>,
      %get3A_593 = vector.shape_cast %get3A_592 : vector<1x1x16xf32> to vector<16xf32>
      %mul3A_594 = arith.constant 11.3137083 : f32
      %mul3A_595 = vector.broadcast %mul3A_594 : f32 to vector<16xf32>
      %mul3A_596 = arith.mulf %get3A_593, %mul3A_595 : vector<16xf32>
      %add3A_597 = arith.constant 0 : i32
      %add3A_598 = arith.addi %add3A_597, %scan3A_520 : i32
      %get3A_599 = arith.index_cast %add3A_598 : i32 to index
      %get3A_600 = arith.constant 48 : index
      %get3A_601 = tpu.vector_load %arg8[%get3A_599, %get3A_600] {strides = array<i32>} : memref<256x128xf32, #tpu.memory_space<vmem>>, vector<1x16xf32>,
      %get3A_602 = vector.shape_cast %get3A_601 : vector<1x16xf32> to vector<16xf32>
      %add3A_603 = arith.addf %mul3A_596, %get3A_602 : vector<16xf32>
      %swap3A_604 = arith.constant 0 : i32
      %swap3A_605 = arith.index_cast %swap3A_604 : i32 to index
      %swap3A_606 = arith.index_cast %scan3A_520 : i32 to index
      %swap3A_607 = arith.constant 48 : index
      %swap3A_608 = tpu.vector_load %arg7[%swap3A_605, %swap3A_606, %swap3A_607] {strides = array<i32>} : memref<3x128x128xf32, #tpu.memory_space<vmem>>, vector<1x1x16xf32>,
      %swap3A_609 = vector.shape_cast %swap3A_608 : vector<1x1x16xf32> to vector<16xf32>
      %swap3A_610 = vector.shape_cast %add3A_603 : vector<16xf32> to vector<1x1x16xf32>
      tpu.vector_store %arg7[%swap3A_605, %swap3A_606, %swap3A_607], %swap3A_610 {strides = array<i32>} : memref<3x128x128xf32, #tpu.memory_space<vmem>>, vector<1x1x16xf32>,
      %get3A_611 = arith.constant 0 : i32
      %get3A_612 = arith.index_cast %get3A_611 : i32 to index
      %get3A_613 = arith.index_cast %scan3A_520 : i32 to index
      %get3A_614 = arith.constant 64 : index
      %get3A_615 = tpu.vector_load %arg7[%get3A_612, %get3A_613, %get3A_614] {strides = array<i32>} : memref<3x128x128xf32, #tpu.memory_space<vmem>>, vector<1x1x16xf32>,
      %get3A_616 = vector.shape_cast %get3A_615 : vector<1x1x16xf32> to vector<16xf32>
      %mul3A_617 = arith.constant 11.3137083 : f32
      %mul3A_618 = vector.broadcast %mul3A_617 : f32 to vector<16xf32>
      %mul3A_619 = arith.mulf %get3A_616, %mul3A_618 : vector<16xf32>
      %add3A_620 = arith.constant 0 : i32
      %add3A_621 = arith.addi %add3A_620, %scan3A_520 : i32
      %get3A_622 = arith.index_cast %add3A_621 : i32 to index
      %get3A_623 = arith.constant 64 : index
      %get3A_624 = tpu.vector_load %arg8[%get3A_622, %get3A_623] {strides = array<i32>} : memref<256x128xf32, #tpu.memory_space<vmem>>, vector<1x16xf32>,
      %get3A_625 = vector.shape_cast %get3A_624 : vector<1x16xf32> to vector<16xf32>
      %add3A_626 = arith.addf %mul3A_619, %get3A_625 : vector<16xf32>
      %swap3A_627 = arith.constant 0 : i32
      %swap3A_628 = arith.index_cast %swap3A_627 : i32 to index
      %swap3A_629 = arith.index_cast %scan3A_520 : i32 to index
      %swap3A_630 = arith.constant 64 : index
      %swap3A_631 = tpu.vector_load %arg7[%swap3A_628, %swap3A_629, %swap3A_630] {strides = array<i32>} : memref<3x128x128xf32, #tpu.memory_space<vmem>>, vector<1x1x16xf32>,
      %swap3A_632 = vector.shape_cast %swap3A_631 : vector<1x1x16xf32> to vector<16xf32>
      %swap3A_633 = vector.shape_cast %add3A_626 : vector<16xf32> to vector<1x1x16xf32>
      tpu.vector_store %arg7[%swap3A_628, %swap3A_629, %swap3A_630], %swap3A_633 {strides = array<i32>} : memref<3x128x128xf32, #tpu.memory_space<vmem>>, vector<1x1x16xf32>,
      %get3A_634 = arith.constant 0 : i32
      %get3A_635 = arith.index_cast %get3A_634 : i32 to index
      %get3A_636 = arith.index_cast %scan3A_520 : i32 to index
      %get3A_637 = arith.constant 80 : index
      %get3A_638 = tpu.vector_load %arg7[%get3A_635, %get3A_636, %get3A_637] {strides = array<i32>} : memref<3x128x128xf32, #tpu.memory_space<vmem>>, vector<1x1x16xf32>,
      %get3A_639 = vector.shape_cast %get3A_638 : vector<1x1x16xf32> to vector<16xf32>
      %mul3A_640 = arith.constant 11.3137083 : f32
      %mul3A_641 = vector.broadcast %mul3A_640 : f32 to vector<16xf32>
      %mul3A_642 = arith.mulf %get3A_639, %mul3A_641 : vector<16xf32>
      %add3A_643 = arith.constant 0 : i32
      %add3A_644 = arith.addi %add3A_643, %scan3A_520 : i32
      %get3A_645 = arith.index_cast %add3A_644 : i32 to index
      %get3A_646 = arith.constant 80 : index
      %get3A_647 = tpu.vector_load %arg8[%get3A_645, %get3A_646] {strides = array<i32>} : memref<256x128xf32, #tpu.memory_space<vmem>>, vector<1x16xf32>,
      %get3A_648 = vector.shape_cast %get3A_647 : vector<1x16xf32> to vector<16xf32>
      %add3A_649 = arith.addf %mul3A_642, %get3A_648 : vector<16xf32>
      %swap3A_650 = arith.constant 0 : i32
      %swap3A_651 = arith.index_cast %swap3A_650 : i32 to index
      %swap3A_652 = arith.index_cast %scan3A_520 : i32 to index
      %swap3A_653 = arith.constant 80 : index
      %swap3A_654 = tpu.vector_load %arg7[%swap3A_651, %swap3A_652, %swap3A_653] {strides = array<i32>} : memref<3x128x128xf32, #tpu.memory_space<vmem>>, vector<1x1x16xf32>,
      %swap3A_655 = vector.shape_cast %swap3A_654 : vector<1x1x16xf32> to vector<16xf32>
      %swap3A_656 = vector.shape_cast %add3A_649 : vector<16xf32> to vector<1x1x16xf32>
      tpu.vector_store %arg7[%swap3A_651, %swap3A_652, %swap3A_653], %swap3A_656 {strides = array<i32>} : memref<3x128x128xf32, #tpu.memory_space<vmem>>, vector<1x1x16xf32>,
      %get3A_657 = arith.constant 0 : i32
      %get3A_658 = arith.index_cast %get3A_657 : i32 to index
      %get3A_659 = arith.index_cast %scan3A_520 : i32 to index
      %get3A_660 = arith.constant 96 : index
      %get3A_661 = tpu.vector_load %arg7[%get3A_658, %get3A_659, %get3A_660] {strides = array<i32>} : memref<3x128x128xf32, #tpu.memory_space<vmem>>, vector<1x1x16xf32>,
      %get3A_662 = vector.shape_cast %get3A_661 : vector<1x1x16xf32> to vector<16xf32>
      %mul3A_663 = arith.constant 11.3137083 : f32
      %mul3A_664 = vector.broadcast %mul3A_663 : f32 to vector<16xf32>
      %mul3A_665 = arith.mulf %get3A_662, %mul3A_664 : vector<16xf32>
      %add3A_666 = arith.constant 0 : i32
      %add3A_667 = arith.addi %add3A_666, %scan3A_520 : i32
      %get3A_668 = arith.index_cast %add3A_667 : i32 to index
      %get3A_669 = arith.constant 96 : index
      %get3A_670 = tpu.vector_load %arg8[%get3A_668, %get3A_669] {strides = array<i32>} : memref<256x128xf32, #tpu.memory_space<vmem>>, vector<1x16xf32>,
      %get3A_671 = vector.shape_cast %get3A_670 : vector<1x16xf32> to vector<16xf32>
      %add3A_672 = arith.addf %mul3A_665, %get3A_671 : vector<16xf32>
      %swap3A_673 = arith.constant 0 : i32
      %swap3A_674 = arith.index_cast %swap3A_673 : i32 to index
      %swap3A_675 = arith.index_cast %scan3A_520 : i32 to index
      %swap3A_676 = arith.constant 96 : index
      %swap3A_677 = tpu.vector_load %arg7[%swap3A_674, %swap3A_675, %swap3A_676] {strides = array<i32>} : memref<3x128x128xf32, #tpu.memory_space<vmem>>, vector<1x1x16xf32>,
      %swap3A_678 = vector.shape_cast %swap3A_677 : vector<1x1x16xf32> to vector<16xf32>
      %swap3A_679 = vector.shape_cast %add3A_672 : vector<16xf32> to vector<1x1x16xf32>
      tpu.vector_store %arg7[%swap3A_674, %swap3A_675, %swap3A_676], %swap3A_679 {strides = array<i32>} : memref<3x128x128xf32, #tpu.memory_space<vmem>>, vector<1x1x16xf32>,
      %get3A_680 = arith.constant 0 : i32
      %get3A_681 = arith.index_cast %get3A_680 : i32 to index
      %get3A_682 = arith.index_cast %scan3A_520 : i32 to index
      %get3A_683 = arith.constant 112 : index
      %get3A_684 = tpu.vector_load %arg7[%get3A_681, %get3A_682, %get3A_683] {strides = array<i32>} : memref<3x128x128xf32, #tpu.memory_space<vmem>>, vector<1x1x16xf32>,
      %get3A_685 = vector.shape_cast %get3A_684 : vector<1x1x16xf32> to vector<16xf32>
      %mul3A_686 = arith.constant 11.3137083 : f32
      %mul3A_687 = vector.broadcast %mul3A_686 : f32 to vector<16xf32>
      %mul3A_688 = arith.mulf %get3A_685, %mul3A_687 : vector<16xf32>
      %add3A_689 = arith.constant 0 : i32
      %add3A_690 = arith.addi %add3A_689, %scan3A_520 : i32
      %get3A_691 = arith.index_cast %add3A_690 : i32 to index
      %get3A_692 = arith.constant 112 : index
      %get3A_693 = tpu.vector_load %arg8[%get3A_691, %get3A_692] {strides = array<i32>} : memref<256x128xf32, #tpu.memory_space<vmem>>, vector<1x16xf32>,
      %get3A_694 = vector.shape_cast %get3A_693 : vector<1x16xf32> to vector<16xf32>
      %add3A_695 = arith.addf %mul3A_688, %get3A_694 : vector<16xf32>
      %swap3A_696 = arith.constant 0 : i32
      %swap3A_697 = arith.index_cast %swap3A_696 : i32 to index
      %swap3A_698 = arith.index_cast %scan3A_520 : i32 to index
      %swap3A_699 = arith.constant 112 : index
      %swap3A_700 = tpu.vector_load %arg7[%swap3A_697, %swap3A_698, %swap3A_699] {strides = array<i32>} : memref<3x128x128xf32, #tpu.memory_space<vmem>>, vector<1x1x16xf32>,
      %swap3A_701 = vector.shape_cast %swap3A_700 : vector<1x1x16xf32> to vector<16xf32>
      %swap3A_702 = vector.shape_cast %add3A_695 : vector<16xf32> to vector<1x1x16xf32>
      tpu.vector_store %arg7[%swap3A_697, %swap3A_698, %swap3A_699], %swap3A_702 {strides = array<i32>} : memref<3x128x128xf32, #tpu.memory_space<vmem>>, vector<1x1x16xf32>,
    }
    %scan3A_417 = arith.constant 128 : i32
    %add3A_418 = arith.constant 0 : i32
    %add3A_419 = arith.addi %mul3A_2, %add3A_418 : i32
    %dma_start3A_420 = arith.constant 0 : i32
    %dma_start3A_421 = arith.constant 3 : i32
    %dma_start3A_422 = arith.constant 0 : i32
    %dma_start3A_423 = arith.constant 0 : i32
    %dma_start3A_424 = tpu.memref_slice %arg7[%dma_start3A_420, %dma_start3A_422, %dma_start3A_423] : memref<3x128x128xf32, #tpu.memory_space<vmem>> -> memref<1x128x128xf32, #tpu.memory_space<vmem>>
    %dma_start3A_425 = tpu.memref_squeeze %dma_start3A_424 : memref<1x128x128xf32, #tpu.memory_space<vmem>> -> memref<128x128xf32, #tpu.memory_space<vmem>>
    %dma_start3A_426 = arith.constant 0 : i32
    %dma_start3A_427 = tpu.memref_slice %arg5[%dma_start3A_421, %add3A_419, %dma_start3A_426] : memref<4x8192x128xf32, #tpu.memory_space<hbm>> -> memref<1x128x128xf32, #tpu.memory_space<hbm>>
    %dma_start3A_428 = tpu.memref_squeeze %dma_start3A_427 : memref<1x128x128xf32, #tpu.memory_space<hbm>> -> memref<128x128xf32, #tpu.memory_space<hbm>>
    %dma_start3A_429 = arith.constant 0 : i32
    %dma_start3A_430 = tpu.memref_slice %arg5[%dma_start3A_421, %add3A_419, %dma_start3A_429] : memref<4x8192x128xf32, #tpu.memory_space<hbm>> -> memref<1x128x128xf32, #tpu.memory_space<hbm>>
    %dma_start3A_431 = tpu.memref_squeeze %dma_start3A_430 : memref<1x128x128xf32, #tpu.memory_space<hbm>> -> memref<128x128xf32, #tpu.memory_space<hbm>>
    %dma_start3A_432 = arith.constant 0 : i32
    %dma_start3A_433 = arith.constant 0 : i32
    %dma_start3A_434 = tpu.memref_slice %arg7[%dma_start3A_420, %dma_start3A_432, %dma_start3A_433] : memref<3x128x128xf32, #tpu.memory_space<vmem>> -> memref<1x128x128xf32, #tpu.memory_space<vmem>>
    %dma_start3A_435 = tpu.memref_squeeze %dma_start3A_434 : memref<1x128x128xf32, #tpu.memory_space<vmem>> -> memref<128x128xf32, #tpu.memory_space<vmem>>
    tpu.enqueue_dma source(%dma_start3A_435 : memref<128x128xf32, #tpu.memory_space<vmem>>) target(%dma_start3A_431 : memref<128x128xf32, #tpu.memory_space<hbm>>) target_semaphore(%arg12 : memref<!tpu.dma_semaphore, #tpu.memory_space<semaphore_mem>>)
    %dma_wait3A_436 = arith.constant 3 : i32
    %dma_wait3A_437 = arith.constant 1 : i32
    %dma_wait3A_438 = arith.constant 0 : i32
    %dma_wait3A_439 = arith.constant 0 : i32
    %dma_wait3A_440 = tpu.memref_slice %arg7[%dma_wait3A_437, %dma_wait3A_438, %dma_wait3A_439] : memref<3x128x128xf32, #tpu.memory_space<vmem>> -> memref<1x128x128xf32, #tpu.memory_space<vmem>>
    %dma_wait3A_441 = tpu.memref_squeeze %dma_wait3A_440 : memref<1x128x128xf32, #tpu.memory_space<vmem>> -> memref<128x128xf32, #tpu.memory_space<vmem>>
    %dma_wait3A_442 = arith.constant 128 : i32
    %dma_wait3A_443 = tpu.memref_slice %arg6[%dma_wait3A_436, %dma_wait3A_442] : memref<4x256xi32, #tpu.memory_space<vmem>> -> memref<1x128xi32, #tpu.memory_space<vmem>>
    %dma_wait3A_444 = tpu.memref_squeeze %dma_wait3A_443 : memref<1x128xi32, #tpu.memory_space<vmem>> -> memref<128xi32, #tpu.memory_space<vmem>>
    %dma_wait3A_445 = arith.constant 0 : i32
    %dma_wait3A_446 = arith.constant 0 : i32
    %dma_wait3A_447 = tpu.memref_slice %arg2[%dma_wait3A_445, %dma_wait3A_446] : memref<1000000x128xf32, #tpu.memory_space<hbm>> -> memref<1000000x128xf32, #tpu.memory_space<hbm>>
    tpu.wait_indirect_dma semaphore(%arg10 : memref<!tpu.dma_semaphore, #tpu.memory_space<semaphore_mem>>) src(%dma_wait3A_447 : memref<1000000x128xf32, #tpu.memory_space<hbm>>) dst(%dma_wait3A_441 : memref<128x128xf32, #tpu.memory_space<vmem>>)
    %scan3A_448 = arith.constant 0 : i32
    %scan3A_449 = arith.constant 0 : i32
    %scan3A_450 = arith.constant 128 : i32
    %scan3A_451 = arith.addi %scan3A_449, %scan3A_450 : i32
    %scan3A_452 = arith.constant 1 : i32
    scf.for %scan3A_520 = %scan3A_449 to %scan3A_451 step %scan3A_452  : i32 {
      %get3A = arith.constant 1 : i32
      %get3A_521 = arith.index_cast %get3A : i32 to index
      %get3A_522 = arith.index_cast %scan3A_520 : i32 to index
      %get3A_523 = arith.constant 0 : index
      %get3A_524 = tpu.vector_load %arg7[%get3A_521, %get3A_522, %get3A_523] {strides = array<i32>} : memref<3x128x128xf32, #tpu.memory_space<vmem>>, vector<1x1x16xf32>,
      %get3A_525 = vector.shape_cast %get3A_524 : vector<1x1x16xf32> to vector<16xf32>
      %mul3A_526 = arith.constant 11.3137083 : f32
      %mul3A_527 = vector.broadcast %mul3A_526 : f32 to vector<16xf32>
      %mul3A_528 = arith.mulf %get3A_525, %mul3A_527 : vector<16xf32>
      %add3A_529 = arith.constant 128 : i32
      %add3A_530 = arith.addi %add3A_529, %scan3A_520 : i32
      %get3A_531 = arith.index_cast %add3A_530 : i32 to index
      %get3A_532 = arith.constant 0 : index
      %get3A_533 = tpu.vector_load %arg8[%get3A_531, %get3A_532] {strides = array<i32>} : memref<256x128xf32, #tpu.memory_space<vmem>>, vector<1x16xf32>,
      %get3A_534 = vector.shape_cast %get3A_533 : vector<1x16xf32> to vector<16xf32>
      %add3A_535 = arith.addf %mul3A_528, %get3A_534 : vector<16xf32>
      %swap3A = arith.constant 1 : i32
      %swap3A_536 = arith.index_cast %swap3A : i32 to index
      %swap3A_537 = arith.index_cast %scan3A_520 : i32 to index
      %swap3A_538 = arith.constant 0 : index
      %swap3A_539 = tpu.vector_load %arg7[%swap3A_536, %swap3A_537, %swap3A_538] {strides = array<i32>} : memref<3x128x128xf32, #tpu.memory_space<vmem>>, vector<1x1x16xf32>,
      %swap3A_540 = vector.shape_cast %swap3A_539 : vector<1x1x16xf32> to vector<16xf32>
      %swap3A_541 = vector.shape_cast %add3A_535 : vector<16xf32> to vector<1x1x16xf32>
      tpu.vector_store %arg7[%swap3A_536, %swap3A_537, %swap3A_538], %swap3A_541 {strides = array<i32>} : memref<3x128x128xf32, #tpu.memory_space<vmem>>, vector<1x1x16xf32>,
      %get3A_542 = arith.constant 1 : i32
      %get3A_543 = arith.index_cast %get3A_542 : i32 to index
      %get3A_544 = arith.index_cast %scan3A_520 : i32 to index
      %get3A_545 = arith.constant 16 : index
      %get3A_546 = tpu.vector_load %arg7[%get3A_543, %get3A_544, %get3A_545] {strides = array<i32>} : memref<3x128x128xf32, #tpu.memory_space<vmem>>, vector<1x1x16xf32>,
      %get3A_547 = vector.shape_cast %get3A_546 : vector<1x1x16xf32> to vector<16xf32>
      %mul3A_548 = arith.constant 11.3137083 : f32
      %mul3A_549 = vector.broadcast %mul3A_548 : f32 to vector<16xf32>
      %mul3A_550 = arith.mulf %get3A_547, %mul3A_549 : vector<16xf32>
      %add3A_551 = arith.constant 128 : i32
      %add3A_552 = arith.addi %add3A_551, %scan3A_520 : i32
      %get3A_553 = arith.index_cast %add3A_552 : i32 to index
      %get3A_554 = arith.constant 16 : index
      %get3A_555 = tpu.vector_load %arg8[%get3A_553, %get3A_554] {strides = array<i32>} : memref<256x128xf32, #tpu.memory_space<vmem>>, vector<1x16xf32>,
      %get3A_556 = vector.shape_cast %get3A_555 : vector<1x16xf32> to vector<16xf32>
      %add3A_557 = arith.addf %mul3A_550, %get3A_556 : vector<16xf32>
      %swap3A_558 = arith.constant 1 : i32
      %swap3A_559 = arith.index_cast %swap3A_558 : i32 to index
      %swap3A_560 = arith.index_cast %scan3A_520 : i32 to index
      %swap3A_561 = arith.constant 16 : index
      %swap3A_562 = tpu.vector_load %arg7[%swap3A_559, %swap3A_560, %swap3A_561] {strides = array<i32>} : memref<3x128x128xf32, #tpu.memory_space<vmem>>, vector<1x1x16xf32>,
      %swap3A_563 = vector.shape_cast %swap3A_562 : vector<1x1x16xf32> to vector<16xf32>
      %swap3A_564 = vector.shape_cast %add3A_557 : vector<16xf32> to vector<1x1x16xf32>
      tpu.vector_store %arg7[%swap3A_559, %swap3A_560, %swap3A_561], %swap3A_564 {strides = array<i32>} : memref<3x128x128xf32, #tpu.memory_space<vmem>>, vector<1x1x16xf32>,
      %get3A_565 = arith.constant 1 : i32
      %get3A_566 = arith.index_cast %get3A_565 : i32 to index
      %get3A_567 = arith.index_cast %scan3A_520 : i32 to index
      %get3A_568 = arith.constant 32 : index
      %get3A_569 = tpu.vector_load %arg7[%get3A_566, %get3A_567, %get3A_568] {strides = array<i32>} : memref<3x128x128xf32, #tpu.memory_space<vmem>>, vector<1x1x16xf32>,
      %get3A_570 = vector.shape_cast %get3A_569 : vector<1x1x16xf32> to vector<16xf32>
      %mul3A_571 = arith.constant 11.3137083 : f32
      %mul3A_572 = vector.broadcast %mul3A_571 : f32 to vector<16xf32>
      %mul3A_573 = arith.mulf %get3A_570, %mul3A_572 : vector<16xf32>
      %add3A_574 = arith.constant 128 : i32
      %add3A_575 = arith.addi %add3A_574, %scan3A_520 : i32
      %get3A_576 = arith.index_cast %add3A_575 : i32 to index
      %get3A_577 = arith.constant 32 : index
      %get3A_578 = tpu.vector_load %arg8[%get3A_576, %get3A_577] {strides = array<i32>} : memref<256x128xf32, #tpu.memory_space<vmem>>, vector<1x16xf32>,
      %get3A_579 = vector.shape_cast %get3A_578 : vector<1x16xf32> to vector<16xf32>
      %add3A_580 = arith.addf %mul3A_573, %get3A_579 : vector<16xf32>
      %swap3A_581 = arith.constant 1 : i32
      %swap3A_582 = arith.index_cast %swap3A_581 : i32 to index
      %swap3A_583 = arith.index_cast %scan3A_520 : i32 to index
      %swap3A_584 = arith.constant 32 : index
      %swap3A_585 = tpu.vector_load %arg7[%swap3A_582, %swap3A_583, %swap3A_584] {strides = array<i32>} : memref<3x128x128xf32, #tpu.memory_space<vmem>>, vector<1x1x16xf32>,
      %swap3A_586 = vector.shape_cast %swap3A_585 : vector<1x1x16xf32> to vector<16xf32>
      %swap3A_587 = vector.shape_cast %add3A_580 : vector<16xf32> to vector<1x1x16xf32>
      tpu.vector_store %arg7[%swap3A_582, %swap3A_583, %swap3A_584], %swap3A_587 {strides = array<i32>} : memref<3x128x128xf32, #tpu.memory_space<vmem>>, vector<1x1x16xf32>,
      %get3A_588 = arith.constant 1 : i32
      %get3A_589 = arith.index_cast %get3A_588 : i32 to index
      %get3A_590 = arith.index_cast %scan3A_520 : i32 to index
      %get3A_591 = arith.constant 48 : index
      %get3A_592 = tpu.vector_load %arg7[%get3A_589, %get3A_590, %get3A_591] {strides = array<i32>} : memref<3x128x128xf32, #tpu.memory_space<vmem>>, vector<1x1x16xf32>,
      %get3A_593 = vector.shape_cast %get3A_592 : vector<1x1x16xf32> to vector<16xf32>
      %mul3A_594 = arith.constant 11.3137083 : f32
      %mul3A_595 = vector.broadcast %mul3A_594 : f32 to vector<16xf32>
      %mul3A_596 = arith.mulf %get3A_593, %mul3A_595 : vector<16xf32>
      %add3A_597 = arith.constant 128 : i32
      %add3A_598 = arith.addi %add3A_597, %scan3A_520 : i32
      %get3A_599 = arith.index_cast %add3A_598 : i32 to index
      %get3A_600 = arith.constant 48 : index
      %get3A_601 = tpu.vector_load %arg8[%get3A_599, %get3A_600] {strides = array<i32>} : memref<256x128xf32, #tpu.memory_space<vmem>>, vector<1x16xf32>,
      %get3A_602 = vector.shape_cast %get3A_601 : vector<1x16xf32> to vector<16xf32>
      %add3A_603 = arith.addf %mul3A_596, %get3A_602 : vector<16xf32>
      %swap3A_604 = arith.constant 1 : i32
      %swap3A_605 = arith.index_cast %swap3A_604 : i32 to index
      %swap3A_606 = arith.index_cast %scan3A_520 : i32 to index
      %swap3A_607 = arith.constant 48 : index
      %swap3A_608 = tpu.vector_load %arg7[%swap3A_605, %swap3A_606, %swap3A_607] {strides = array<i32>} : memref<3x128x128xf32, #tpu.memory_space<vmem>>, vector<1x1x16xf32>,
      %swap3A_609 = vector.shape_cast %swap3A_608 : vector<1x1x16xf32> to vector<16xf32>
      %swap3A_610 = vector.shape_cast %add3A_603 : vector<16xf32> to vector<1x1x16xf32>
      tpu.vector_store %arg7[%swap3A_605, %swap3A_606, %swap3A_607], %swap3A_610 {strides = array<i32>} : memref<3x128x128xf32, #tpu.memory_space<vmem>>, vector<1x1x16xf32>,
      %get3A_611 = arith.constant 1 : i32
      %get3A_612 = arith.index_cast %get3A_611 : i32 to index
      %get3A_613 = arith.index_cast %scan3A_520 : i32 to index
      %get3A_614 = arith.constant 64 : index
      %get3A_615 = tpu.vector_load %arg7[%get3A_612, %get3A_613, %get3A_614] {strides = array<i32>} : memref<3x128x128xf32, #tpu.memory_space<vmem>>, vector<1x1x16xf32>,
      %get3A_616 = vector.shape_cast %get3A_615 : vector<1x1x16xf32> to vector<16xf32>
      %mul3A_617 = arith.constant 11.3137083 : f32
      %mul3A_618 = vector.broadcast %mul3A_617 : f32 to vector<16xf32>
      %mul3A_619 = arith.mulf %get3A_616, %mul3A_618 : vector<16xf32>
      %add3A_620 = arith.constant 128 : i32
      %add3A_621 = arith.addi %add3A_620, %scan3A_520 : i32
      %get3A_622 = arith.index_cast %add3A_621 : i32 to index
      %get3A_623 = arith.constant 64 : index
      %get3A_624 = tpu.vector_load %arg8[%get3A_622, %get3A_623] {strides = array<i32>} : memref<256x128xf32, #tpu.memory_space<vmem>>, vector<1x16xf32>,
      %get3A_625 = vector.shape_cast %get3A_624 : vector<1x16xf32> to vector<16xf32>
      %add3A_626 = arith.addf %mul3A_619, %get3A_625 : vector<16xf32>
      %swap3A_627 = arith.constant 1 : i32
      %swap3A_628 = arith.index_cast %swap3A_627 : i32 to index
      %swap3A_629 = arith.index_cast %scan3A_520 : i32 to index
      %swap3A_630 = arith.constant 64 : index
      %swap3A_631 = tpu.vector_load %arg7[%swap3A_628, %swap3A_629, %swap3A_630] {strides = array<i32>} : memref<3x128x128xf32, #tpu.memory_space<vmem>>, vector<1x1x16xf32>,
      %swap3A_632 = vector.shape_cast %swap3A_631 : vector<1x1x16xf32> to vector<16xf32>
      %swap3A_633 = vector.shape_cast %add3A_626 : vector<16xf32> to vector<1x1x16xf32>
      tpu.vector_store %arg7[%swap3A_628, %swap3A_629, %swap3A_630], %swap3A_633 {strides = array<i32>} : memref<3x128x128xf32, #tpu.memory_space<vmem>>, vector<1x1x16xf32>,
      %get3A_634 = arith.constant 1 : i32
      %get3A_635 = arith.index_cast %get3A_634 : i32 to index
      %get3A_636 = arith.index_cast %scan3A_520 : i32 to index
      %get3A_637 = arith.constant 80 : index
      %get3A_638 = tpu.vector_load %arg7[%get3A_635, %get3A_636, %get3A_637] {strides = array<i32>} : memref<3x128x128xf32, #tpu.memory_space<vmem>>, vector<1x1x16xf32>,
      %get3A_639 = vector.shape_cast %get3A_638 : vector<1x1x16xf32> to vector<16xf32>
      %mul3A_640 = arith.constant 11.3137083 : f32
      %mul3A_641 = vector.broadcast %mul3A_640 : f32 to vector<16xf32>
      %mul3A_642 = arith.mulf %get3A_639, %mul3A_641 : vector<16xf32>
      %add3A_643 = arith.constant 128 : i32
      %add3A_644 = arith.addi %add3A_643, %scan3A_520 : i32
      %get3A_645 = arith.index_cast %add3A_644 : i32 to index
      %get3A_646 = arith.constant 80 : index
      %get3A_647 = tpu.vector_load %arg8[%get3A_645, %get3A_646] {strides = array<i32>} : memref<256x128xf32, #tpu.memory_space<vmem>>, vector<1x16xf32>,
      %get3A_648 = vector.shape_cast %get3A_647 : vector<1x16xf32> to vector<16xf32>
      %add3A_649 = arith.addf %mul3A_642, %get3A_648 : vector<16xf32>
      %swap3A_650 = arith.constant 1 : i32
      %swap3A_651 = arith.index_cast %swap3A_650 : i32 to index
      %swap3A_652 = arith.index_cast %scan3A_520 : i32 to index
      %swap3A_653 = arith.constant 80 : index
      %swap3A_654 = tpu.vector_load %arg7[%swap3A_651, %swap3A_652, %swap3A_653] {strides = array<i32>} : memref<3x128x128xf32, #tpu.memory_space<vmem>>, vector<1x1x16xf32>,
      %swap3A_655 = vector.shape_cast %swap3A_654 : vector<1x1x16xf32> to vector<16xf32>
      %swap3A_656 = vector.shape_cast %add3A_649 : vector<16xf32> to vector<1x1x16xf32>
      tpu.vector_store %arg7[%swap3A_651, %swap3A_652, %swap3A_653], %swap3A_656 {strides = array<i32>} : memref<3x128x128xf32, #tpu.memory_space<vmem>>, vector<1x1x16xf32>,
      %get3A_657 = arith.constant 1 : i32
      %get3A_658 = arith.index_cast %get3A_657 : i32 to index
      %get3A_659 = arith.index_cast %scan3A_520 : i32 to index
      %get3A_660 = arith.constant 96 : index
      %get3A_661 = tpu.vector_load %arg7[%get3A_658, %get3A_659, %get3A_660] {strides = array<i32>} : memref<3x128x128xf32, #tpu.memory_space<vmem>>, vector<1x1x16xf32>,
      %get3A_662 = vector.shape_cast %get3A_661 : vector<1x1x16xf32> to vector<16xf32>
      %mul3A_663 = arith.constant 11.3137083 : f32
      %mul3A_664 = vector.broadcast %mul3A_663 : f32 to vector<16xf32>
      %mul3A_665 = arith.mulf %get3A_662, %mul3A_664 : vector<16xf32>
      %add3A_666 = arith.constant 128 : i32
      %add3A_667 = arith.addi %add3A_666, %scan3A_520 : i32
      %get3A_668 = arith.index_cast %add3A_667 : i32 to index
      %get3A_669 = arith.constant 96 : index
      %get3A_670 = tpu.vector_load %arg8[%get3A_668, %get3A_669] {strides = array<i32>} : memref<256x128xf32, #tpu.memory_space<vmem>>, vector<1x16xf32>,
      %get3A_671 = vector.shape_cast %get3A_670 : vector<1x16xf32> to vector<16xf32>
      %add3A_672 = arith.addf %mul3A_665, %get3A_671 : vector<16xf32>
      %swap3A_673 = arith.constant 1 : i32
      %swap3A_674 = arith.index_cast %swap3A_673 : i32 to index
      %swap3A_675 = arith.index_cast %scan3A_520 : i32 to index
      %swap3A_676 = arith.constant 96 : index
      %swap3A_677 = tpu.vector_load %arg7[%swap3A_674, %swap3A_675, %swap3A_676] {strides = array<i32>} : memref<3x128x128xf32, #tpu.memory_space<vmem>>, vector<1x1x16xf32>,
      %swap3A_678 = vector.shape_cast %swap3A_677 : vector<1x1x16xf32> to vector<16xf32>
      %swap3A_679 = vector.shape_cast %add3A_672 : vector<16xf32> to vector<1x1x16xf32>
      tpu.vector_store %arg7[%swap3A_674, %swap3A_675, %swap3A_676], %swap3A_679 {strides = array<i32>} : memref<3x128x128xf32, #tpu.memory_space<vmem>>, vector<1x1x16xf32>,
      %get3A_680 = arith.constant 1 : i32
      %get3A_681 = arith.index_cast %get3A_680 : i32 to index
      %get3A_682 = arith.index_cast %scan3A_520 : i32 to index
      %get3A_683 = arith.constant 112 : index
      %get3A_684 = tpu.vector_load %arg7[%get3A_681, %get3A_682, %get3A_683] {strides = array<i32>} : memref<3x128x128xf32, #tpu.memory_space<vmem>>, vector<1x1x16xf32>,
      %get3A_685 = vector.shape_cast %get3A_684 : vector<1x1x16xf32> to vector<16xf32>
      %mul3A_686 = arith.constant 11.3137083 : f32
      %mul3A_687 = vector.broadcast %mul3A_686 : f32 to vector<16xf32>
      %mul3A_688 = arith.mulf %get3A_685, %mul3A_687 : vector<16xf32>
      %add3A_689 = arith.constant 128 : i32
      %add3A_690 = arith.addi %add3A_689, %scan3A_520 : i32
      %get3A_691 = arith.index_cast %add3A_690 : i32 to index
      %get3A_692 = arith.constant 112 : index
      %get3A_693 = tpu.vector_load %arg8[%get3A_691, %get3A_692] {strides = array<i32>} : memref<256x128xf32, #tpu.memory_space<vmem>>, vector<1x16xf32>,
      %get3A_694 = vector.shape_cast %get3A_693 : vector<1x16xf32> to vector<16xf32>
      %add3A_695 = arith.addf %mul3A_688, %get3A_694 : vector<16xf32>
      %swap3A_696 = arith.constant 1 : i32
      %swap3A_697 = arith.index_cast %swap3A_696 : i32 to index
      %swap3A_698 = arith.index_cast %scan3A_520 : i32 to index
      %swap3A_699 = arith.constant 112 : index
      %swap3A_700 = tpu.vector_load %arg7[%swap3A_697, %swap3A_698, %swap3A_699] {strides = array<i32>} : memref<3x128x128xf32, #tpu.memory_space<vmem>>, vector<1x1x16xf32>,
      %swap3A_701 = vector.shape_cast %swap3A_700 : vector<1x1x16xf32> to vector<16xf32>
      %swap3A_702 = vector.shape_cast %add3A_695 : vector<16xf32> to vector<1x1x16xf32>
      tpu.vector_store %arg7[%swap3A_697, %swap3A_698, %swap3A_699], %swap3A_702 {strides = array<i32>} : memref<3x128x128xf32, #tpu.memory_space<vmem>>, vector<1x1x16xf32>,
    }
    %scan3A_453 = arith.constant 128 : i32
    %add3A_454 = arith.constant 128 : i32
    %add3A_455 = arith.addi %mul3A_2, %add3A_454 : i32
    %dma_start3A_456 = arith.constant 1 : i32
    %dma_start3A_457 = arith.constant 3 : i32
    %dma_start3A_458 = arith.constant 0 : i32
    %dma_start3A_459 = arith.constant 0 : i32
    %dma_start3A_460 = tpu.memref_slice %arg7[%dma_start3A_456, %dma_start3A_458, %dma_start3A_459] : memref<3x128x128xf32, #tpu.memory_space<vmem>> -> memref<1x128x128xf32, #tpu.memory_space<vmem>>
    %dma_start3A_461 = tpu.memref_squeeze %dma_start3A_460 : memref<1x128x128xf32, #tpu.memory_space<vmem>> -> memref<128x128xf32, #tpu.memory_space<vmem>>
    %dma_start3A_462 = arith.constant 0 : i32
    %dma_start3A_463 = tpu.memref_slice %arg5[%dma_start3A_457, %add3A_455, %dma_start3A_462] : memref<4x8192x128xf32, #tpu.memory_space<hbm>> -> memref<1x128x128xf32, #tpu.memory_space<hbm>>
    %dma_start3A_464 = tpu.memref_squeeze %dma_start3A_463 : memref<1x128x128xf32, #tpu.memory_space<hbm>> -> memref<128x128xf32, #tpu.memory_space<hbm>>
    %dma_start3A_465 = arith.constant 0 : i32
    %dma_start3A_466 = tpu.memref_slice %arg5[%dma_start3A_457, %add3A_455, %dma_start3A_465] : memref<4x8192x128xf32, #tpu.memory_space<hbm>> -> memref<1x128x128xf32, #tpu.memory_space<hbm>>
    %dma_start3A_467 = tpu.memref_squeeze %dma_start3A_466 : memref<1x128x128xf32, #tpu.memory_space<hbm>> -> memref<128x128xf32, #tpu.memory_space<hbm>>
    %dma_start3A_468 = arith.constant 0 : i32
    %dma_start3A_469 = arith.constant 0 : i32
    %dma_start3A_470 = tpu.memref_slice %arg7[%dma_start3A_456, %dma_start3A_468, %dma_start3A_469] : memref<3x128x128xf32, #tpu.memory_space<vmem>> -> memref<1x128x128xf32, #tpu.memory_space<vmem>>
    %dma_start3A_471 = tpu.memref_squeeze %dma_start3A_470 : memref<1x128x128xf32, #tpu.memory_space<vmem>> -> memref<128x128xf32, #tpu.memory_space<vmem>>
    tpu.enqueue_dma source(%dma_start3A_471 : memref<128x128xf32, #tpu.memory_space<vmem>>) target(%dma_start3A_467 : memref<128x128xf32, #tpu.memory_space<hbm>>) target_semaphore(%arg13 : memref<!tpu.dma_semaphore, #tpu.memory_space<semaphore_mem>>)
    %dma_wait3A_472 = arith.constant 2 : i32
    %dma_wait3A_473 = arith.constant 2 : i32
    %dma_wait3A_474 = arith.constant 0 : i32
    %dma_wait3A_475 = arith.constant 0 : i32
    %dma_wait3A_476 = tpu.memref_slice %arg7[%dma_wait3A_472, %dma_wait3A_474, %dma_wait3A_475] : memref<3x128x128xf32, #tpu.memory_space<vmem>> -> memref<1x128x128xf32, #tpu.memory_space<vmem>>
    %dma_wait3A_477 = tpu.memref_squeeze %dma_wait3A_476 : memref<1x128x128xf32, #tpu.memory_space<vmem>> -> memref<128x128xf32, #tpu.memory_space<vmem>>
    %dma_wait3A_478 = arith.constant 0 : i32
    %dma_wait3A_479 = tpu.memref_slice %arg5[%dma_wait3A_473, %add3A_383, %dma_wait3A_478] : memref<4x8192x128xf32, #tpu.memory_space<hbm>> -> memref<1x128x128xf32, #tpu.memory_space<hbm>>
    %dma_wait3A_480 = tpu.memref_squeeze %dma_wait3A_479 : memref<1x128x128xf32, #tpu.memory_space<hbm>> -> memref<128x128xf32, #tpu.memory_space<hbm>>
    %dma_wait3A_481 = arith.constant 0 : i32
    %dma_wait3A_482 = tpu.memref_slice %arg5[%dma_wait3A_473, %add3A_383, %dma_wait3A_481] : memref<4x8192x128xf32, #tpu.memory_space<hbm>> -> memref<1x128x128xf32, #tpu.memory_space<hbm>>
    %dma_wait3A_483 = tpu.memref_squeeze %dma_wait3A_482 : memref<1x128x128xf32, #tpu.memory_space<hbm>> -> memref<128x128xf32, #tpu.memory_space<hbm>>
    %dma_wait3A_484 = arith.constant 0 : i32
    %dma_wait3A_485 = arith.constant 0 : i32
    %dma_wait3A_486 = tpu.memref_slice %arg7[%dma_wait3A_472, %dma_wait3A_484, %dma_wait3A_485] : memref<3x128x128xf32, #tpu.memory_space<vmem>> -> memref<1x128x128xf32, #tpu.memory_space<vmem>>
    %dma_wait3A_487 = tpu.memref_squeeze %dma_wait3A_486 : memref<1x128x128xf32, #tpu.memory_space<vmem>> -> memref<128x128xf32, #tpu.memory_space<vmem>>
    tpu.wait_dma2 semaphore(%arg14 : memref<!tpu.dma_semaphore, #tpu.memory_space<semaphore_mem>>) src(%dma_wait3A_487 : memref<128x128xf32, #tpu.memory_space<vmem>>) dst(%dma_wait3A_483 : memref<128x128xf32, #tpu.memory_space<hbm>>)
    %dma_wait3A_488 = arith.constant 0 : i32
    %dma_wait3A_489 = arith.constant 3 : i32
    %dma_wait3A_490 = arith.constant 0 : i32
    %dma_wait3A_491 = arith.constant 0 : i32
    %dma_wait3A_492 = tpu.memref_slice %arg7[%dma_wait3A_488, %dma_wait3A_490, %dma_wait3A_491] : memref<3x128x128xf32, #tpu.memory_space<vmem>> -> memref<1x128x128xf32, #tpu.memory_space<vmem>>
    %dma_wait3A_493 = tpu.memref_squeeze %dma_wait3A_492 : memref<1x128x128xf32, #tpu.memory_space<vmem>> -> memref<128x128xf32, #tpu.memory_space<vmem>>
    %dma_wait3A_494 = arith.constant 0 : i32
    %dma_wait3A_495 = tpu.memref_slice %arg5[%dma_wait3A_489, %add3A_419, %dma_wait3A_494] : memref<4x8192x128xf32, #tpu.memory_space<hbm>> -> memref<1x128x128xf32, #tpu.memory_space<hbm>>
    %dma_wait3A_496 = tpu.memref_squeeze %dma_wait3A_495 : memref<1x128x128xf32, #tpu.memory_space<hbm>> -> memref<128x128xf32, #tpu.memory_space<hbm>>
    %dma_wait3A_497 = arith.constant 0 : i32
    %dma_wait3A_498 = tpu.memref_slice %arg5[%dma_wait3A_489, %add3A_419, %dma_wait3A_497] : memref<4x8192x128xf32, #tpu.memory_space<hbm>> -> memref<1x128x128xf32, #tpu.memory_space<hbm>>
    %dma_wait3A_499 = tpu.memref_squeeze %dma_wait3A_498 : memref<1x128x128xf32, #tpu.memory_space<hbm>> -> memref<128x128xf32, #tpu.memory_space<hbm>>
    %dma_wait3A_500 = arith.constant 0 : i32
    %dma_wait3A_501 = arith.constant 0 : i32
    %dma_wait3A_502 = tpu.memref_slice %arg7[%dma_wait3A_488, %dma_wait3A_500, %dma_wait3A_501] : memref<3x128x128xf32, #tpu.memory_space<vmem>> -> memref<1x128x128xf32, #tpu.memory_space<vmem>>
    %dma_wait3A_503 = tpu.memref_squeeze %dma_wait3A_502 : memref<1x128x128xf32, #tpu.memory_space<vmem>> -> memref<128x128xf32, #tpu.memory_space<vmem>>
    tpu.wait_dma2 semaphore(%arg12 : memref<!tpu.dma_semaphore, #tpu.memory_space<semaphore_mem>>) src(%dma_wait3A_503 : memref<128x128xf32, #tpu.memory_space<vmem>>) dst(%dma_wait3A_499 : memref<128x128xf32, #tpu.memory_space<hbm>>)
    %dma_wait3A_504 = arith.constant 1 : i32
    %dma_wait3A_505 = arith.constant 3 : i32
    %dma_wait3A_506 = arith.constant 0 : i32
    %dma_wait3A_507 = arith.constant 0 : i32
    %dma_wait3A_508 = tpu.memref_slice %arg7[%dma_wait3A_504, %dma_wait3A_506, %dma_wait3A_507] : memref<3x128x128xf32, #tpu.memory_space<vmem>> -> memref<1x128x128xf32, #tpu.memory_space<vmem>>
    %dma_wait3A_509 = tpu.memref_squeeze %dma_wait3A_508 : memref<1x128x128xf32, #tpu.memory_space<vmem>> -> memref<128x128xf32, #tpu.memory_space<vmem>>
    %dma_wait3A_510 = arith.constant 0 : i32
    %dma_wait3A_511 = tpu.memref_slice %arg5[%dma_wait3A_505, %add3A_455, %dma_wait3A_510] : memref<4x8192x128xf32, #tpu.memory_space<hbm>> -> memref<1x128x128xf32, #tpu.memory_space<hbm>>
    %dma_wait3A_512 = tpu.memref_squeeze %dma_wait3A_511 : memref<1x128x128xf32, #tpu.memory_space<hbm>> -> memref<128x128xf32, #tpu.memory_space<hbm>>
    %dma_wait3A_513 = arith.constant 0 : i32
    %dma_wait3A_514 = tpu.memref_slice %arg5[%dma_wait3A_505, %add3A_455, %dma_wait3A_513] : memref<4x8192x128xf32, #tpu.memory_space<hbm>> -> memref<1x128x128xf32, #tpu.memory_space<hbm>>
    %dma_wait3A_515 = tpu.memref_squeeze %dma_wait3A_514 : memref<1x128x128xf32, #tpu.memory_space<hbm>> -> memref<128x128xf32, #tpu.memory_space<hbm>>
    %dma_wait3A_516 = arith.constant 0 : i32
    %dma_wait3A_517 = arith.constant 0 : i32
    %dma_wait3A_518 = tpu.memref_slice %arg7[%dma_wait3A_504, %dma_wait3A_516, %dma_wait3A_517] : memref<3x128x128xf32, #tpu.memory_space<vmem>> -> memref<1x128x128xf32, #tpu.memory_space<vmem>>
    %dma_wait3A_519 = tpu.memref_squeeze %dma_wait3A_518 : memref<1x128x128xf32, #tpu.memory_space<vmem>> -> memref<128x128xf32, #tpu.memory_space<vmem>>
    tpu.wait_dma2 semaphore(%arg13 : memref<!tpu.dma_semaphore, #tpu.memory_space<semaphore_mem>>) src(%dma_wait3A_519 : memref<128x128xf32, #tpu.memory_space<vmem>>) dst(%dma_wait3A_515 : memref<128x128xf32, #tpu.memory_space<hbm>>)
    return
  }
}

</mosaic_0001>

<sc_bundles>
// kernel: kernel.3.cloned.1.call-start
scs
__scs_entry_jumppad:
0x0: {  	(pc) =	sbr.rel $0x88, $3  }
0x1: {  	(tag) =	ssettag $0x0;
	lr =	simm.s32 $0x1  }
0x2: {  	[smem:$0x3F9F] =	sst lr;
	_ =	strace $0xD0000000  }
0x3: {  	_ = 	snop  }
0x4: {  	_ = 	snop  }
0x5: {  	_ = 	snop  }
0x6: {  	_ = 	snop  }
0x7: {  	_ = 	snop  }
__scs_overlays_trampoline_lowered:
0x8: {  	[smem:$0x3FAE] =	sst s0  }
0x9: {  	[smem:$0x3FAF] =	sst s1  }
0xa: {  	[smem:$0x3FB0] =	sst s2  }
0xb: {  	[smem:$0x3FB1] =	sst s3  }
0xc: {  	[smem:$0x3FB2] =	sst s4  }
0xd: {  	[smem:$0x3FB3] =	sst s5  }
0xe: {  	[smem:$0x3FB4] =	sst s6  }
0xf: {  	[smem:$0x3FB5] =	sst s7  }
0x10: {  	[smem:$0x3FB6] =	sst s8  }
0x11: {  	[smem:$0x3FB7] =	sst s9;
	s0 =	simm.s32 @!p0 $0x0  }
0x12: {  	s1 =	sld [smem:$0x3F9D];
	s0 =	simm.s32 @p0 $0x1  }
0x13: {  	[smem:$0x3FB8] =	sst s0;
	s0 =	simm.s32 @!p1 $0x0  }
0x14: {  	s2 =	sld [smem:$0x3F9C];
	s0 =	simm.s32 @p1 $0x1  }
0x15: {  	[smem:$0x3FB9] =	sst s0;
	s0 =	simm.s32 @!p2 $0x0  }
0x16: {  	s3 =	sld [smem:$0x3FDB];
	s0 =	simm.s32 @p2 $0x1  }
0x17: {  	s4 =	simm.s32 $0x1BF5;
	[smem:$0x3FBB] =	sst s0  }
0x18: {  	s0 =	sld [smem:$0x3F9E];
	_ =	swait.ge [sflag:s4], $0x0  }
0x19: {  	s7 =	sld [smem:$0x3F9F]  }
0x1a: {  	s8 =	sadd.s32 $0xFFFFE003, lr  }
0x1b: {  	s9 =	sadd.s32 $0xFFFFFEF7, lr;
	s5 =	simm.s32 $0xFFFFFFFF;
	p2 =	slt.u32 s8, $0xFFFFF086  }
0x1c: {  	p1 =	slt.u32 s9, $0xF7A;
	s5 =	simm.s32 @!p2 $0x0  }
0x1d: {  	s5 =	simm.s32 @p1 $0x1;
	p0 =	seq.s32 s7, s2  }
0x1e: {  	s7 =	smul.u32 @!p0 $0xF7A, s2;
	p2 =	seq.s32 @!p0 s5, $0x0  }
0x1f: {  	s9 =	smul.u32 $0xF7A, s1;
	s8 =	simm.s32 @!p0 $0x1BF5;
	p2 =	por !p2, p0  }
0x20: {  	[sflag:s8] =	ssyncset.s32 @!p0 $0xFFFFF086;
	s6 =	sadd.s32 @!p0 s3, s7;
	s7 =	simm.s32 @!p0 $0x108  }
0x21: {  	s3 =	sadd.s32 s3, s9;
	s6 =	sadd.s32 @!p0 $0x88, s6;
	s7 =	simm.s32 @p2 $0x1082  }
0x22: {  	[simem:s7], [sflag:s8] =	dma.local @!p0 [hbm:s6], $0xF7A  }
0x23: {  	s9 =	sor.u32 $0xD0000000, s2;
	s6 =	simm.s32 $0x108;
	_ =	swait.ge @!p0 [sflag:s8], $0x0  }
0x24: {  	s3 =	sadd.s32 $0x88, s3;
	s6 =	simm.s32 @!p1 $0x1082;
	[sflag:s4] =	ssyncset.s32 $0xFFFFF086  }
0x25: {  	[simem:s6], [sflag:s4] =	dma.local [hbm:s3], $0xF7A  }
0x26: {  	[smem:$0x3F9F] =	sst s1;
	(tag) =	ssettag s2;
	_ =	strace s9  }
0x27: {  	s1 =	sld [smem:$0x3FAF]  }
0x28: {  	s2 =	sld [smem:$0x3FB0]  }
0x29: {  	s4 =	sld [smem:$0x3FB2]  }
0x2a: {  	p0 =	seq.s32 s5, $0x0;
	s5 =	sld [smem:$0x3FB3]  }
0x2b: {  	s6 =	sld [smem:$0x3FB4]  }
0x2c: {  	s7 =	sld [smem:$0x3FB5]  }
0x2d: {  	s3 =	simm.s32 $0x108;
	s8 =	sld [smem:$0x3FB6]  }
0x2e: {  	s3 =	simm.s32 @!p0 $0x1082;
	s9 =	sld [smem:$0x3FB7]  }
0x2f: {  	lr =	sadd.s32 s0, s3;
	s0 =	sld [smem:$0x3FAE]  }
0x30: {  	s3 =	sld [smem:$0x3FB1]  }
0x31: {  	[smem:$0x3FBA] =	sst s10  }
0x32: {  	s10 =	sld [smem:$0x3FB8];
	_ =	sdelay $0x3  }
0x33: {  	p0 =	seq.s32 s10, $0x1;
	s10 =	sld [smem:$0x3FBA];
	_ =	sdelay $0x3  }
0x34: {  	[smem:$0x3FBA] =	sst s10  }
0x35: {  	s10 =	sld [smem:$0x3FB9];
	_ =	sdelay $0x3  }
0x36: {  	p1 =	seq.s32 s10, $0x1;
	s10 =	sld [smem:$0x3FBA];
	_ =	sdelay $0x3  }
0x37: {  	[smem:$0x3FBA] =	sst s10  }
0x38: {  	s10 =	sld [smem:$0x3FBB]  }
0x39: {  	_ = 	snop;
	(pc) =	sbr.ind lr, $3  }
0x3a: {  	_ = 	snop  }
0x3b: {  	_ = 	snop  }
0x3c: {  	p2 =	seq.s32 s10, $0x1;
	s10 =	sld [smem:$0x3FBA]  }
0x3d: {  	_ =	shalt  }
0x3e: {  	_ =	shalt  }
0x3f: {  	_ =	shalt  }
0x40: {  	_ =	shalt  }
0x41: {  	_ =	shalt  }
0x42: {  	_ =	shalt  }
0x43: {  	_ =	shalt  }
0x44: {  	_ =	shalt  }
0x45: {  	_ =	shalt  }
0x46: {  	_ =	shalt  }
0x47: {  	_ =	shalt  }
0x48: {  	_ =	shalt  }
0x49: {  	_ =	shalt  }
0x4a: {  	_ =	shalt  }
0x4b: {  	_ =	shalt  }
0x4c: {  	_ =	shalt  }
0x4d: {  	_ =	shalt  }
0x4e: {  	_ =	shalt  }
0x4f: {  	_ =	shalt  }
0x50: {  	_ =	shalt  }
0x51: {  	_ =	shalt  }
0x52: {  	_ =	shalt  }
0x53: {  	_ =	shalt  }
0x54: {  	_ =	shalt  }
0x55: {  	_ =	shalt  }
0x56: {  	_ =	shalt  }
0x57: {  	_ =	shalt  }
0x58: {  	_ =	shalt  }
0x59: {  	_ =	shalt  }
0x5a: {  	_ =	shalt  }
0x5b: {  	_ =	shalt  }
0x5c: {  	_ =	shalt  }
0x5d: {  	_ =	shalt  }
0x5e: {  	_ =	shalt  }
0x5f: {  	_ =	shalt  }
0x60: {  	_ =	shalt  }
0x61: {  	_ =	shalt  }
0x62: {  	_ =	shalt  }
0x63: {  	_ =	shalt  }
0x64: {  	_ =	shalt  }
0x65: {  	_ =	shalt  }
0x66: {  	_ =	shalt  }
0x67: {  	_ =	shalt  }
0x68: {  	_ =	shalt  }
0x69: {  	_ =	shalt  }
0x6a: {  	_ =	shalt  }
0x6b: {  	_ =	shalt  }
0x6c: {  	_ =	shalt  }
0x6d: {  	_ =	shalt  }
0x6e: {  	_ =	shalt  }
0x6f: {  	_ =	shalt  }
0x70: {  	_ =	shalt  }
0x71: {  	_ =	shalt  }
0x72: {  	_ =	shalt  }
0x73: {  	_ =	shalt  }
0x74: {  	_ =	shalt  }
0x75: {  	_ =	shalt  }
0x76: {  	_ =	shalt  }
0x77: {  	_ =	shalt  }
0x78: {  	_ =	shalt  }
0x79: {  	_ =	shalt  }
0x7a: {  	_ =	shalt  }
0x7b: {  	_ =	shalt  }
0x7c: {  	_ =	shalt  }
0x7d: {  	_ =	shalt  }
0x7e: {  	_ =	shalt  }
0x7f: {  	_ =	shalt  }
0x80: {  	_ =	shalt  }
0x81: {  	_ =	shalt  }
0x82: {  	_ =	shalt  }
0x83: {  	_ =	shalt  }
0x84: {  	_ =	shalt  }
0x85: {  	_ =	shalt  }
0x86: {  	_ =	shalt  }
0x87: {  	_ =	shalt  }
.Lfunc_end0:
.L_simem_size_0:
called_computation_lowered:
.L_overlay_start_0:
0x88: {  	s2 =	sld [smem:$0x3FD9]  }
0x89: {  	s3 =	sld [smem:$0x3FFE];
	_ =	sdelay $0x1  }
0x8a: {  	s1 =	srdreg.scid  }
0x8b: {  	s0 =	sand.u32 $0x1, s1  }
0x8c: {  	s17 =	sshll.u32 s0, $0xA;
	s2 =	sadd.s32 s3, s2  }
0x8d: {  	s2 =	sadd.s32 s2, s17  }
0x8e: {  	[smem:$0x3FC6] =	sst s2  }
0x8f: {  	_ = 	snop  }
0x90: {  	s2 =	sld [smem:$0x3FC9]  }
0x91: {  	s18 =	sld [smem:$0x3FC8]  }
0x92: {  	s4 =	sld [smem:$0x3FD0];
	(tm) =	ssettm $0x1  }
0x93: {  	s5 =	sld [smem:$0x3FFB];
	_ =	sdelay $0x3  }
0x94: {  	_ =	strace s5  }
0x95: {  	s5 =	sld [smem:$0x3FFC];
	_ =	sdelay $0x3  }
0x96: {  	_ =	strace s5  }
0x97: {  	s5 =	sld [smem:$0x3FFD];
	_ =	sdelay $0x3  }
0x98: {  	_ =	strace s5  }
0x99: {  	_ =	strace $0x8FFFFFFF  }
0x9a: {  	s19 =	sld [smem:$0x3FDB];
	_ =	sdelay $0x1  }
0x9b: {  	s6 =	simm.s32 $_scs_section_size  }
0x9c: {  	s7 =	simm.s32 $_size__tile_overlayer_lowered;
	s8 =	simm.s32 $_tile_overlayer_lowered  }
0x9d: {  	s22 =	simm.s32 $0x1BFF;
	s21 =	sshll.u32 s8, $0x1;
	s5 =	sadd.s32 s6, s19  }
0x9e: {  	s9 =	simm.s32 $0x0;
	s20 =	sshll.u32 s7, $0x1;
	s7 =	sadd.s32 s21, s5  }
0x9f: {  	[timem:s9], [sflag:s22] =	dma.local [hbm:s7], s20  }
0xa0: {  	_ =	swait.ge [sflag:s22], s20  }
0xa1: {  	s6 =	ssub.s32 $0x0, s20;
	[sflag:s22] =	ssyncset.done $0x0  }
0xa2: {  	[sflag:s22] =	ssyncadd.s32 s6;
	_ =	sdelay $0x1  }
0xa3: {  	s23 =	simm.s32 $0x1B8B  }
0xa4: {  	_ =	swait.ge [sflag:s23], $0x1  }
0xa5: {  	[sflag:s23] =	ssyncset.done $0x0  }
0xa6: {  	s25 =	simm.s32 $0x1B8E;
	s24 =	sld [smem:$0x3FFE];
	[sflag:s23] =	ssyncadd.s32 $0xFFFFFFFF  }
0xa7: {  	s26 =	simm.s32 $execute0_lowered;
	[smem:$0x3FD2] =	sst s25  }
0xa8: {  	s7 =	sshll.u32 s26, $0x1;
	_ =	strace $0x80000046;
	[dreg:$0x1] =	wrdreg $0xFFFFFFFF  }
0xa9: {  	s28 =	simm.s32 $_size_execute0_lowered;
	s5 =	sadd.s32 s5, s7;
	[dreg:$0x0] =	wrdreg $0x0  }
0xaa: {  	s7 =	sshll.u32 s28, $0x1;
	[dreg:$0x2] =	wrdreg s5  }
0xab: {  	[dreg:$0x3] =	wrdreg s7  }
0xac: {  	[dreg:$0x4] =	wrdreg $0xC0  }
0xad: {  	_ =	task [dreg:s9], $0x5FFFF  }
0xae: {  	[dreg:$0x1] =	wrdreg $0xFFFFFFFF  }
0xaf: {  	[dreg:$0x0] =	wrdreg $0x60  }
0xb0: {  	[dreg:$0x2] =	wrdreg s18  }
0xb1: {  	[dreg:$0x3] =	wrdreg s2  }
0xb2: {  	[dreg:$0x4] =	wrdreg s24  }
0xb3: {  	[dreg:$0x5] =	wrdreg s4  }
0xb4: {  	[dreg:$0x6] =	wrdreg $0x9  }
0xb5: {  	_ =	task.clear_ibuf [dreg:s9], $0x7FFFF;
	_ =	strace $0x90000046  }
0xb6: {  	s29 =	simm.s32 $0x9;
	_ =	strace $0x80000048  }
0xb7: {  	_ =	swait.ge [sflag:s29], $0x1  }
0xb8: {  	[sflag:s29] =	ssyncadd.s32 $0xFFFFFFFF  }
0xb9: {  	_ =	strace $0x90000048  }
0xba: {  	_ =	sfence  }
0xbb: {  	s30 =	sld [smem:$0x0];
	_ =	sdelay $0x2  }
0xbc: {  	s31 =	sshll.u32 s1, $0xD;
	s1 =	sshrl.u32 s1, $0x2  }
0xbd: {  	s3 =	sand.u32 $0x4000, s31;
	s1 =	sadd.s32 s1, s30  }
0xbe: {  	s0 =	sor.u32 s3, s0;
	s1 =	sshll.u32 s1, $0x11  }
0xbf: {  	s0 =	sor.u32 s1, s0  }
0xc0: {  	s0 =	sadd.s32 $0x8F2B, s0  }
0xc1: {  	[sflag:s0] =	ssyncadd.remote.s32 $0x1  }
0xc2: {  	_ =	sfence.sel $0xFFFF  }
0xc3: {  	[dreg:$0x0] =	wrdreg $0xFFFFFFFF;
	(pc) =	sbr.abs _section_cstart, $3  }
0xc4: {  	[dreg:$0x1] =	wrdreg $0xFFFFFFFF  }
0xc5: {  	_ =	task.clear_ibuf [dreg:s9], $0x2FFFF;
	_ =	strace $0x9FFFFFFF  }
0xc6: {  	(tm) =	ssettm $0x7FFFFFFF  }
0xc7: {  	_ =	shalt  }
tec
execute0_lowered:
.L_overlay_start_1:
0x0: {  	(tag) =	ssettag $0x1  }
0x1: {  	s1 =	rddreg [dreg:$0x0]  }
0x2: {  	s0 =	rddreg [dreg:$0x1]  }
0x3: {  	s2 =	srdreg.scid;
	s4 =	rddreg [dreg:$0x2]  }
0x4: {  	s3 =	stileid.u32;
	s5 =	rddreg [dreg:$0x3]  }
0x5: {  	s16 =	simm.s32 $0x8;
	s17 =	simm.s32 $0x80;
	s18 =	simm.s32 $0x400  }
0x6: {  	s20 =	simm.s32 $0x4400;
	s21 =	simm.s32 $0x7;
	s22 =	simm.s32 $0x8400  }
0x7: {  	s23 =	simm.s32 $0x1;
	s24 =	simm.s32 $0x4;
	s26 =	simm.s32 $0x2  }
0x8: {  	s28 =	simm.s32 $0x5;
	s30 =	simm.s32 $0x3;
	s31 =	simm.s32 $0x6  }
0x9: {  	s15 =	simm.s32 $0x380;
	s19 =	simm.s32 $0x0;
	s2 =	sand.u32 $0x1, s2  }
0xa: {  	s6 =	sshll.u32 s3, $0x9;
	s3 =	simm.s32 $0x0;
	s7 =	sshll.u32 s2, $0x8  }
0xb: {  	[smem:$0x7FF] =	sst s3;
	s2 =	ssub.s32 $0x2, s2;
	s6 =	sor.u32 s7, s6  }
0xc: {  	_ =	strace $0x80000047;
	s29 =	sshrl.u32 s2, $0x1;
	s7 =	sshll.u32 s6, $0x4  }
0xd: {  	s2 =	ssub.s32 s2, s29;
	s6 =	sshrl.u32 s6, $0x1;
	s8 =	sadd.s32 s7, s4  }
0xe: {  	s4 =	sadd.s32 s5, s7;
	s6 =	sadd.s32 s0, s6;
	s14 =	smax.u32 s2, $0x1  }
0xf: {  	s0 =	simm.s32 $0x180;
	s5 =	sadd.s32 $0x400, s8;
	s7 =	sadd.s32 $0x800, s4  }
0x10: {  	s8 =	sadd.s32 $0x20000, s4;
	s9 =	sadd.s32 $0x20800, s4;
	s10 =	sadd.s32 $0x40000, s4  }
0x11: {  	s11 =	sadd.s32 $0x40800, s4;
	s12 =	sadd.s32 $0x60000, s4;
	s13 =	sadd.s32 $0x60800, s4  }
.LBB2_1:
0x12: {  	s2 =	simm.s32 $0xC400  }
0x13: {  	[tilespmem:s2], [sflag:$0x7] =	stream.linear.gather [hbm4b:s5+s3], $0x8000, $0x38;
	[tilespmem:$0x14400] =	vst v63  }
0x14: {  	_ = 	snop  }
0x15: {  	[tilespmem:s3], [sflag:$0x8] =	stream.linear.gather [hbm4b:s6+s3], $0x400, $0x38;
	[tilespmem:$0x14400] =	vst v63  }
0x16: {  	_ =	swait.ge [sflag:s16], $0x400  }
0x17: {  	[sflag:s16] =	ssyncset.done $0x0  }
0x18: {  	[sflag:s16] =	ssyncadd.s32 $0xFFFFFC00  }
0x19: {  	[tilespmem:s18], [sflag:$0x1] =	stream.indirect.gather [hbm4b:s1+s17], $0x80, s3, s17, $0xb8;
	[tilespmem:$0x14400] =	vst v63  }
0x1a: {  	s25 =	simm.s32 $0x200  }
0x1b: {  	[tilespmem:s20], [sflag:$0x2] =	stream.indirect.gather [hbm4b:s1+s17], $0x80, s25, s17, $0xb8;
	[tilespmem:$0x14400] =	vst v63  }
0x1c: {  	_ =	swait.ge [sflag:s21], $0x8000  }
0x1d: {  	[sflag:s21] =	ssyncset.done $0x0  }
0x1e: {  	[sflag:s21] =	ssyncadd.s32 $0xFFFF8000  }
0x1f: {  	[tilespmem:s22], [sflag:$0x3] =	stream.indirect.gather [hbm4b:s1+s17], $0x80, s17, s17, $0xb8;
	[tilespmem:$0x14400] =	vst v63  }
0x20: {  	_ =	swait.ge [sflag:s23], $0x4000  }
0x21: {  	[sflag:s23] =	ssyncset.done $0x0  }
0x22: {  	s25 =	simm.s32 $0x0;
	[sflag:s23] =	ssyncadd.s32 $0xFFFFC000  }
0x23: {  	v5 =	vld [tilespmem:s25+$0xC400]  }
0x24: {  	v4 =	vld [tilespmem:s25+$0xC410]  }
0x25: {  	v3 =	vld [tilespmem:s25+$0xC420]  }
0x26: {  	v2 =	vld [tilespmem:s25+$0xC430]  }
0x27: {  	v1 =	vld [tilespmem:s25+$0xC440]  }
0x28: {  	v0 =	vld [tilespmem:s25+$0xC450]  }
0x29: {  	v6 =	vld [tilespmem:s25+$0x400]  }
0x2a: {  	v11 =	vld [tilespmem:s25+$0x410]  }
0x2b: {  	v10 =	vld [tilespmem:s25+$0x420]  }
0x2c: {  	v9 =	vld [tilespmem:s25+$0x430]  }
0x2d: {  	v8 =	vld [tilespmem:s25+$0x440]  }
0x2e: {  	v7 =	vld [tilespmem:s25+$0x450];
	v12 =	vmul.f32 $1.131370830e+01, v6  }
0x2f: {  	s29 =	simm.s32 $0x200;
	v11 =	vmul.f32 $1.131370830e+01, v11;
	v6 =	vld [tilespmem:s25+$0x460]  }
.LBB2_2:
0x30: {  	p0 =	sne.s32 s29, $0xFE00;
	v5 =	vadd.f32 v5, v12;
	v10 =	vmul.f32 $1.131370830e+01, v10;
	v12 =	vld [tilespmem:s25+$0x470]  }
0x31: {  	v4 =	vadd.f32 v4, v11;
	v9 =	vmul.f32 $1.131370830e+01, v9;
	v11 =	vld [tilespmem:s25+$0xC460]  }
0x32: {  	s2 =	sshra.s32 s29, $0x2;
	[tilespmem:s25+$0x400] =	vst v5;
	v3 =	vadd.f32 v3, v10;
	v8 =	vmul.f32 $1.131370830e+01, v8;
	v10 =	vld [tilespmem:s25+$0xC470]  }
0x33: {  	v5 =	vld [tilespmem:s2+$0xC400];
	[tilespmem:s25+$0x410] =	vst v4;
	v2 =	vadd.f32 v2, v9;
	v7 =	vmul.f32 $1.131370830e+01, v7  }
0x34: {  	v4 =	vld [tilespmem:s2+$0xC410];
	[tilespmem:s25+$0x420] =	vst v3;
	v1 =	vadd.f32 v1, v8;
	v6 =	vmul.f32 $1.131370830e+01, v6  }
0x35: {  	v3 =	vld [tilespmem:s2+$0xC420];
	[tilespmem:s25+$0x430] =	vst v2;
	v0 =	vadd.f32 v0, v7;
	v7 =	vmul.f32 $1.131370830e+01, v12  }
0x36: {  	v2 =	vld [tilespmem:s2+$0xC430];
	[tilespmem:s25+$0x440] =	vst v1;
	v6 =	vadd.f32 v11, v6  }
0x37: {  	v1 =	vld [tilespmem:s2+$0xC440];
	[tilespmem:s25+$0x450] =	vst v0;
	v7 =	vadd.f32 v10, v7  }
0x38: {  	v0 =	vld [tilespmem:s2+$0xC450];
	[tilespmem:s25+$0x460] =	vst v6  }
0x39: {  	v6 =	vld [tilespmem:s2+$0x400];
	[tilespmem:s25+$0x470] =	vst v7;
	s25 =	smov.u32 s2  }
0x3a: {  	v11 =	vld [tilespmem:s25+$0x410]  }
.Ltmp0:
0x3b: {  	v10 =	vld [tilespmem:s25+$0x420];
	(pc) =	sbr.rel @p0 .LBB2_2-.Ltmp0, $4  }
0x3c: {  	v9 =	vld [tilespmem:s25+$0x430]  }
0x3d: {  	v8 =	vld [tilespmem:s25+$0x440]  }
0x3e: {  	v12 =	vmul.f32 $1.131370830e+01, v6;
	v7 =	vld [tilespmem:s25+$0x450]  }
0x3f: {  	s29 =	sadd.s32 $0x200, s29;
	v11 =	vmul.f32 $1.131370830e+01, v11;
	v6 =	vld [tilespmem:s25+$0x460]  }
0x40: {  	v5 =	vadd.f32 v5, v12;
	v12 =	vld [tilespmem:s25+$0x470];
	v10 =	vmul.f32 $1.131370830e+01, v10  }
0x41: {  	v13 =	vld [tilespmem:s25+$0xC460];
	v4 =	vadd.f32 v4, v11;
	v9 =	vmul.f32 $1.131370830e+01, v9  }
0x42: {  	[tilespmem:s25+$0x400] =	vst v5;
	v3 =	vadd.f32 v3, v10;
	v5 =	vmul.f32 $1.131370830e+01, v8;
	v8 =	vld [tilespmem:s25+$0xC470]  }
0x43: {  	[tilespmem:s25+$0x410] =	vst v4;
	v2 =	vadd.f32 v2, v9;
	v4 =	vmul.f32 $1.131370830e+01, v7  }
0x44: {  	[tilespmem:s25+$0x420] =	vst v3;
	v1 =	vadd.f32 v1, v5;
	v3 =	vmul.f32 $1.131370830e+01, v6  }
0x45: {  	[tilespmem:s25+$0x430] =	vst v2;
	v0 =	vadd.f32 v0, v4;
	v2 =	vmul.f32 $1.131370830e+01, v12  }
0x46: {  	[tilespmem:s25+$0x440] =	vst v1;
	v1 =	vadd.f32 v13, v3  }
0x47: {  	[tilespmem:s25+$0x450] =	vst v0;
	v0 =	vadd.f32 v8, v2  }
0x48: {  	[tilespmem:s25+$0x460] =	vst v1  }
0x49: {  	s2 =	simm.s32 $0x0;
	[tilespmem:s25+$0x470] =	vst v0  }
0x4a: {  	[hbm4b:s4+s2] =	stream.linear.scatter [tilespmem:s18], [sflag:$0x4], $0x4000, $0x38;
	[tilespmem:$0x14400] =	vst v63  }
0x4b: {  	_ =	swait.ge [sflag:s24], $0x4000  }
0x4c: {  	[sflag:s24] =	ssyncset.done $0x0  }
0x4d: {  	s25 =	simm.s32 $0x280;
	[sflag:s24] =	ssyncadd.s32 $0xFFFFC000  }
0x4e: {  	[tilespmem:s18], [sflag:$0x1] =	stream.indirect.gather [hbm4b:s1+s17], $0x80, s25, s17, $0xb8;
	[tilespmem:$0x14400] =	vst v63  }
0x4f: {  	_ =	swait.ge [sflag:s26], $0x4000  }
0x50: {  	[sflag:s26] =	ssyncset.done $0x0  }
0x51: {  	s25 =	simm.s32 $0x0;
	[sflag:s26] =	ssyncadd.s32 $0xFFFFC000  }
0x52: {  	v5 =	vld [tilespmem:s25+$0x10400]  }
0x53: {  	v4 =	vld [tilespmem:s25+$0x10410]  }
0x54: {  	v3 =	vld [tilespmem:s25+$0x10420]  }
0x55: {  	v2 =	vld [tilespmem:s25+$0x10430]  }
0x56: {  	v1 =	vld [tilespmem:s25+$0x10440]  }
0x57: {  	v0 =	vld [tilespmem:s25+$0x10450]  }
0x58: {  	v6 =	vld [tilespmem:s25+$0x4400]  }
0x59: {  	v11 =	vld [tilespmem:s25+$0x4410]  }
0x5a: {  	v10 =	vld [tilespmem:s25+$0x4420]  }
0x5b: {  	v9 =	vld [tilespmem:s25+$0x4430]  }
0x5c: {  	v8 =	vld [tilespmem:s25+$0x4440]  }
0x5d: {  	v7 =	vld [tilespmem:s25+$0x4450];
	v12 =	vmul.f32 $1.131370830e+01, v6  }
0x5e: {  	s29 =	simm.s32 $0x200;
	v11 =	vmul.f32 $1.131370830e+01, v11;
	v6 =	vld [tilespmem:s25+$0x4460]  }
.LBB2_4:
0x5f: {  	p0 =	sne.s32 s29, $0xFE00;
	v5 =	vadd.f32 v5, v12;
	v10 =	vmul.f32 $1.131370830e+01, v10;
	v12 =	vld [tilespmem:s25+$0x4470]  }
0x60: {  	v4 =	vadd.f32 v4, v11;
	v9 =	vmul.f32 $1.131370830e+01, v9;
	v11 =	vld [tilespmem:s25+$0x10460]  }
0x61: {  	s2 =	sshra.s32 s29, $0x2;
	[tilespmem:s25+$0x4400] =	vst v5;
	v3 =	vadd.f32 v3, v10;
	v8 =	vmul.f32 $1.131370830e+01, v8;
	v10 =	vld [tilespmem:s25+$0x10470]  }
0x62: {  	v5 =	vld [tilespmem:s2+$0x10400];
	[tilespmem:s25+$0x4410] =	vst v4;
	v2 =	vadd.f32 v2, v9;
	v7 =	vmul.f32 $1.131370830e+01, v7  }
0x63: {  	v4 =	vld [tilespmem:s2+$0x10410];
	[tilespmem:s25+$0x4420] =	vst v3;
	v1 =	vadd.f32 v1, v8;
	v6 =	vmul.f32 $1.131370830e+01, v6  }
0x64: {  	v3 =	vld [tilespmem:s2+$0x10420];
	[tilespmem:s25+$0x4430] =	vst v2;
	v0 =	vadd.f32 v0, v7;
	v7 =	vmul.f32 $1.131370830e+01, v12  }
0x65: {  	v2 =	vld [tilespmem:s2+$0x10430];
	[tilespmem:s25+$0x4440] =	vst v1;
	v6 =	vadd.f32 v11, v6  }
0x66: {  	v1 =	vld [tilespmem:s2+$0x10440];
	[tilespmem:s25+$0x4450] =	vst v0;
	v7 =	vadd.f32 v10, v7  }
0x67: {  	v0 =	vld [tilespmem:s2+$0x10450];
	[tilespmem:s25+$0x4460] =	vst v6  }
0x68: {  	v6 =	vld [tilespmem:s2+$0x4400];
	[tilespmem:s25+$0x4470] =	vst v7;
	s25 =	smov.u32 s2  }
0x69: {  	v11 =	vld [tilespmem:s25+$0x4410]  }
.Ltmp1:
0x6a: {  	v10 =	vld [tilespmem:s25+$0x4420];
	(pc) =	sbr.rel @p0 .LBB2_4-.Ltmp1, $4  }
0x6b: {  	v9 =	vld [tilespmem:s25+$0x4430]  }
0x6c: {  	v8 =	vld [tilespmem:s25+$0x4440]  }
0x6d: {  	v12 =	vmul.f32 $1.131370830e+01, v6;
	v7 =	vld [tilespmem:s25+$0x4450]  }
0x6e: {  	s29 =	sadd.s32 $0x200, s29;
	v11 =	vmul.f32 $1.131370830e+01, v11;
	v6 =	vld [tilespmem:s25+$0x4460]  }
0x6f: {  	v5 =	vadd.f32 v5, v12;
	v12 =	vld [tilespmem:s25+$0x4470];
	v10 =	vmul.f32 $1.131370830e+01, v10  }
0x70: {  	v13 =	vld [tilespmem:s25+$0x10460];
	v4 =	vadd.f32 v4, v11;
	v9 =	vmul.f32 $1.131370830e+01, v9  }
0x71: {  	[tilespmem:s25+$0x4400] =	vst v5;
	v3 =	vadd.f32 v3, v10;
	v5 =	vmul.f32 $1.131370830e+01, v8;
	v8 =	vld [tilespmem:s25+$0x10470]  }
0x72: {  	[tilespmem:s25+$0x4410] =	vst v4;
	v2 =	vadd.f32 v2, v9;
	v4 =	vmul.f32 $1.131370830e+01, v7  }
0x73: {  	[tilespmem:s25+$0x4420] =	vst v3;
	v1 =	vadd.f32 v1, v5;
	v3 =	vmul.f32 $1.131370830e+01, v6  }
0x74: {  	[tilespmem:s25+$0x4430] =	vst v2;
	v0 =	vadd.f32 v0, v4;
	v2 =	vmul.f32 $1.131370830e+01, v12  }
0x75: {  	[tilespmem:s25+$0x4440] =	vst v1;
	v1 =	vadd.f32 v13, v3  }
0x76: {  	[tilespmem:s25+$0x4450] =	vst v0;
	v0 =	vadd.f32 v8, v2  }
0x77: {  	[tilespmem:s25+$0x4460] =	vst v1  }
0x78: {  	s2 =	simm.s32 $0x0;
	[tilespmem:s25+$0x4470] =	vst v0  }
0x79: {  	[hbm4b:s7+s2] =	stream.linear.scatter [tilespmem:s20], [sflag:$0x5], $0x4000, $0x38;
	[tilespmem:$0x14400] =	vst v63  }
0x7a: {  	_ =	swait.ge [sflag:s28], $0x4000  }
0x7b: {  	[sflag:s28] =	ssyncset.done $0x0  }
0x7c: {  	s25 =	simm.s32 $0x100;
	[sflag:s28] =	ssyncadd.s32 $0xFFFFC000  }
0x7d: {  	[tilespmem:s20], [sflag:$0x2] =	stream.indirect.gather [hbm4b:s1+s17], $0x80, s25, s17, $0xb8;
	[tilespmem:$0x14400] =	vst v63  }
0x7e: {  	_ =	swait.ge [sflag:s30], $0x4000  }
0x7f: {  	[sflag:s30] =	ssyncset.done $0x0  }
0x80: {  	s25 =	simm.s32 $0x0;
	[sflag:s30] =	ssyncadd.s32 $0xFFFFC000  }
0x81: {  	v5 =	vld [tilespmem:s25+$0xC400]  }
0x82: {  	v4 =	vld [tilespmem:s25+$0xC410]  }
0x83: {  	v3 =	vld [tilespmem:s25+$0xC420]  }
0x84: {  	v2 =	vld [tilespmem:s25+$0xC430]  }
0x85: {  	v1 =	vld [tilespmem:s25+$0xC440]  }
0x86: {  	v0 =	vld [tilespmem:s25+$0xC450]  }
0x87: {  	v6 =	vld [tilespmem:s25+$0x8400]  }
0x88: {  	v11 =	vld [tilespmem:s25+$0x8410]  }
0x89: {  	v10 =	vld [tilespmem:s25+$0x8420]  }
0x8a: {  	v9 =	vld [tilespmem:s25+$0x8430]  }
0x8b: {  	v8 =	vld [tilespmem:s25+$0x8440]  }
0x8c: {  	v7 =	vld [tilespmem:s25+$0x8450];
	v12 =	vmul.f32 $1.131370830e+01, v6  }
0x8d: {  	s29 =	simm.s32 $0x200;
	v11 =	vmul.f32 $1.131370830e+01, v11;
	v6 =	vld [tilespmem:s25+$0x8460]  }
.LBB2_6:
0x8e: {  	p0 =	sne.s32 s29, $0xFE00;
	v5 =	vadd.f32 v5, v12;
	v10 =	vmul.f32 $1.131370830e+01, v10;
	v12 =	vld [tilespmem:s25+$0x8470]  }
0x8f: {  	v4 =	vadd.f32 v4, v11;
	v9 =	vmul.f32 $1.131370830e+01, v9;
	v11 =	vld [tilespmem:s25+$0xC460]  }
0x90: {  	s2 =	sshra.s32 s29, $0x2;
	[tilespmem:s25+$0x8400] =	vst v5;
	v3 =	vadd.f32 v3, v10;
	v8 =	vmul.f32 $1.131370830e+01, v8;
	v10 =	vld [tilespmem:s25+$0xC470]  }
0x91: {  	v5 =	vld [tilespmem:s2+$0xC400];
	[tilespmem:s25+$0x8410] =	vst v4;
	v2 =	vadd.f32 v2, v9;
	v7 =	vmul.f32 $1.131370830e+01, v7  }
0x92: {  	v4 =	vld [tilespmem:s2+$0xC410];
	[tilespmem:s25+$0x8420] =	vst v3;
	v1 =	vadd.f32 v1, v8;
	v6 =	vmul.f32 $1.131370830e+01, v6  }
0x93: {  	v3 =	vld [tilespmem:s2+$0xC420];
	[tilespmem:s25+$0x8430] =	vst v2;
	v0 =	vadd.f32 v0, v7;
	v7 =	vmul.f32 $1.131370830e+01, v12  }
0x94: {  	v2 =	vld [tilespmem:s2+$0xC430];
	[tilespmem:s25+$0x8440] =	vst v1;
	v6 =	vadd.f32 v11, v6  }
0x95: {  	v1 =	vld [tilespmem:s2+$0xC440];
	[tilespmem:s25+$0x8450] =	vst v0;
	v7 =	vadd.f32 v10, v7  }
0x96: {  	v0 =	vld [tilespmem:s2+$0xC450];
	[tilespmem:s25+$0x8460] =	vst v6  }
0x97: {  	v6 =	vld [tilespmem:s2+$0x8400];
	[tilespmem:s25+$0x8470] =	vst v7;
	s25 =	smov.u32 s2  }
0x98: {  	v11 =	vld [tilespmem:s25+$0x8410]  }
.Ltmp2:
0x99: {  	v10 =	vld [tilespmem:s25+$0x8420];
	(pc) =	sbr.rel @p0 .LBB2_6-.Ltmp2, $4  }
0x9a: {  	v9 =	vld [tilespmem:s25+$0x8430]  }
0x9b: {  	v8 =	vld [tilespmem:s25+$0x8440]  }
0x9c: {  	v12 =	vmul.f32 $1.131370830e+01, v6;
	v7 =	vld [tilespmem:s25+$0x8450]  }
0x9d: {  	s29 =	sadd.s32 $0x200, s29;
	v11 =	vmul.f32 $1.131370830e+01, v11;
	v6 =	vld [tilespmem:s25+$0x8460]  }
0x9e: {  	v5 =	vadd.f32 v5, v12;
	v12 =	vld [tilespmem:s25+$0x8470];
	v10 =	vmul.f32 $1.131370830e+01, v10  }
0x9f: {  	v13 =	vld [tilespmem:s25+$0xC460];
	v4 =	vadd.f32 v4, v11;
	v9 =	vmul.f32 $1.131370830e+01, v9  }
0xa0: {  	[tilespmem:s25+$0x8400] =	vst v5;
	v3 =	vadd.f32 v3, v10;
	v5 =	vmul.f32 $1.131370830e+01, v8;
	v8 =	vld [tilespmem:s25+$0xC470]  }
0xa1: {  	[tilespmem:s25+$0x8410] =	vst v4;
	v2 =	vadd.f32 v2, v9;
	v4 =	vmul.f32 $1.131370830e+01, v7  }
0xa2: {  	[tilespmem:s25+$0x8420] =	vst v3;
	v1 =	vadd.f32 v1, v5;
	v3 =	vmul.f32 $1.131370830e+01, v6  }
0xa3: {  	[tilespmem:s25+$0x8430] =	vst v2;
	v0 =	vadd.f32 v0, v4;
	v2 =	vmul.f32 $1.131370830e+01, v12  }
0xa4: {  	[tilespmem:s25+$0x8440] =	vst v1;
	v1 =	vadd.f32 v13, v3  }
0xa5: {  	[tilespmem:s25+$0x8450] =	vst v0;
	v0 =	vadd.f32 v8, v2  }
0xa6: {  	[tilespmem:s25+$0x8460] =	vst v1  }
0xa7: {  	s2 =	simm.s32 $0x0;
	[tilespmem:s25+$0x8470] =	vst v0  }
0xa8: {  	[hbm4b:s8+s2] =	stream.linear.scatter [tilespmem:s22], [sflag:$0x6], $0x4000, $0x38;
	[tilespmem:$0x14400] =	vst v63  }
0xa9: {  	_ =	swait.ge [sflag:s31], $0x4000  }
0xaa: {  	[sflag:s31] =	ssyncset.done $0x0  }
0xab: {  	s25 =	simm.s32 $0x300;
	[sflag:s31] =	ssyncadd.s32 $0xFFFFC000  }
0xac: {  	[tilespmem:s22], [sflag:$0x3] =	stream.indirect.gather [hbm4b:s1+s17], $0x80, s25, s17, $0xb8;
	[tilespmem:$0x14400] =	vst v63  }
0xad: {  	_ =	swait.ge [sflag:s23], $0x4000  }
0xae: {  	[sflag:s23] =	ssyncset.done $0x0  }
0xaf: {  	s25 =	simm.s32 $0x0;
	[sflag:s23] =	ssyncadd.s32 $0xFFFFC000  }
0xb0: {  	v5 =	vld [tilespmem:s25+$0x10400]  }
0xb1: {  	v4 =	vld [tilespmem:s25+$0x10410]  }
0xb2: {  	v3 =	vld [tilespmem:s25+$0x10420]  }
0xb3: {  	v2 =	vld [tilespmem:s25+$0x10430]  }
0xb4: {  	v1 =	vld [tilespmem:s25+$0x10440]  }
0xb5: {  	v0 =	vld [tilespmem:s25+$0x10450]  }
0xb6: {  	v6 =	vld [tilespmem:s25+$0x400]  }
0xb7: {  	v11 =	vld [tilespmem:s25+$0x410]  }
0xb8: {  	v10 =	vld [tilespmem:s25+$0x420]  }
0xb9: {  	v9 =	vld [tilespmem:s25+$0x430]  }
0xba: {  	v8 =	vld [tilespmem:s25+$0x440]  }
0xbb: {  	v7 =	vld [tilespmem:s25+$0x450];
	v12 =	vmul.f32 $1.131370830e+01, v6  }
0xbc: {  	s29 =	simm.s32 $0x200;
	v11 =	vmul.f32 $1.131370830e+01, v11;
	v6 =	vld [tilespmem:s25+$0x460]  }
.LBB2_8:
0xbd: {  	p0 =	sne.s32 s29, $0xFE00;
	v5 =	vadd.f32 v5, v12;
	v10 =	vmul.f32 $1.131370830e+01, v10;
	v12 =	vld [tilespmem:s25+$0x470]  }
0xbe: {  	v4 =	vadd.f32 v4, v11;
	v9 =	vmul.f32 $1.131370830e+01, v9;
	v11 =	vld [tilespmem:s25+$0x10460]  }
0xbf: {  	s2 =	sshra.s32 s29, $0x2;
	[tilespmem:s25+$0x400] =	vst v5;
	v3 =	vadd.f32 v3, v10;
	v8 =	vmul.f32 $1.131370830e+01, v8;
	v10 =	vld [tilespmem:s25+$0x10470]  }
0xc0: {  	v5 =	vld [tilespmem:s2+$0x10400];
	[tilespmem:s25+$0x410] =	vst v4;
	v2 =	vadd.f32 v2, v9;
	v7 =	vmul.f32 $1.131370830e+01, v7  }
0xc1: {  	v4 =	vld [tilespmem:s2+$0x10410];
	[tilespmem:s25+$0x420] =	vst v3;
	v1 =	vadd.f32 v1, v8;
	v6 =	vmul.f32 $1.131370830e+01, v6  }
0xc2: {  	v3 =	vld [tilespmem:s2+$0x10420];
	[tilespmem:s25+$0x430] =	vst v2;
	v0 =	vadd.f32 v0, v7;
	v7 =	vmul.f32 $1.131370830e+01, v12  }
0xc3: {  	v2 =	vld [tilespmem:s2+$0x10430];
	[tilespmem:s25+$0x440] =	vst v1;
	v6 =	vadd.f32 v11, v6  }
0xc4: {  	v1 =	vld [tilespmem:s2+$0x10440];
	[tilespmem:s25+$0x450] =	vst v0;
	v7 =	vadd.f32 v10, v7  }
0xc5: {  	v0 =	vld [tilespmem:s2+$0x10450];
	[tilespmem:s25+$0x460] =	vst v6  }
0xc6: {  	v6 =	vld [tilespmem:s2+$0x400];
	[tilespmem:s25+$0x470] =	vst v7;
	s25 =	smov.u32 s2  }
0xc7: {  	v11 =	vld [tilespmem:s25+$0x410]  }
.Ltmp3:
0xc8: {  	v10 =	vld [tilespmem:s25+$0x420];
	(pc) =	sbr.rel @p0 .LBB2_8-.Ltmp3, $4  }
0xc9: {  	v9 =	vld [tilespmem:s25+$0x430]  }
0xca: {  	v8 =	vld [tilespmem:s25+$0x440]  }
0xcb: {  	v12 =	vmul.f32 $1.131370830e+01, v6;
	v7 =	vld [tilespmem:s25+$0x450]  }
0xcc: {  	s29 =	sadd.s32 $0x200, s29;
	v11 =	vmul.f32 $1.131370830e+01, v11;
	v6 =	vld [tilespmem:s25+$0x460]  }
0xcd: {  	v5 =	vadd.f32 v5, v12;
	v12 =	vld [tilespmem:s25+$0x470];
	v10 =	vmul.f32 $1.131370830e+01, v10  }
0xce: {  	v13 =	vld [tilespmem:s25+$0x10460];
	v4 =	vadd.f32 v4, v11;
	v9 =	vmul.f32 $1.131370830e+01, v9  }
0xcf: {  	[tilespmem:s25+$0x400] =	vst v5;
	v3 =	vadd.f32 v3, v10;
	v5 =	vmul.f32 $1.131370830e+01, v8;
	v8 =	vld [tilespmem:s25+$0x10470]  }
0xd0: {  	[tilespmem:s25+$0x410] =	vst v4;
	v2 =	vadd.f32 v2, v9;
	v4 =	vmul.f32 $1.131370830e+01, v7  }
0xd1: {  	[tilespmem:s25+$0x420] =	vst v3;
	v1 =	vadd.f32 v1, v5;
	v3 =	vmul.f32 $1.131370830e+01, v6  }
0xd2: {  	[tilespmem:s25+$0x430] =	vst v2;
	v0 =	vadd.f32 v0, v4;
	v2 =	vmul.f32 $1.131370830e+01, v12  }
0xd3: {  	[tilespmem:s25+$0x440] =	vst v1;
	v1 =	vadd.f32 v13, v3  }
0xd4: {  	[tilespmem:s25+$0x450] =	vst v0;
	v0 =	vadd.f32 v8, v2  }
0xd5: {  	[tilespmem:s25+$0x460] =	vst v1  }
0xd6: {  	s2 =	simm.s32 $0x0;
	[tilespmem:s25+$0x470] =	vst v0  }
0xd7: {  	[hbm4b:s9+s2] =	stream.linear.scatter [tilespmem:s18], [sflag:$0x4], $0x4000, $0x38;
	[tilespmem:$0x14400] =	vst v63  }
0xd8: {  	_ =	swait.ge [sflag:s24], $0x4000  }
0xd9: {  	[sflag:s24] =	ssyncset.done $0x0  }
0xda: {  	[sflag:s24] =	ssyncadd.s32 $0xFFFFC000  }
0xdb: {  	[tilespmem:s18], [sflag:$0x1] =	stream.indirect.gather [hbm4b:s1+s17], $0x80, s0, s17, $0xb8;
	[tilespmem:$0x14400] =	vst v63  }
0xdc: {  	_ =	swait.ge [sflag:s26], $0x4000  }
0xdd: {  	[sflag:s26] =	ssyncset.done $0x0  }
0xde: {  	s25 =	simm.s32 $0x0;
	[sflag:s26] =	ssyncadd.s32 $0xFFFFC000  }
0xdf: {  	v5 =	vld [tilespmem:s25+$0xC400]  }
0xe0: {  	v4 =	vld [tilespmem:s25+$0xC410]  }
0xe1: {  	v3 =	vld [tilespmem:s25+$0xC420]  }
0xe2: {  	v2 =	vld [tilespmem:s25+$0xC430]  }
0xe3: {  	v1 =	vld [tilespmem:s25+$0xC440]  }
0xe4: {  	v0 =	vld [tilespmem:s25+$0xC450]  }
0xe5: {  	v6 =	vld [tilespmem:s25+$0x4400]  }
0xe6: {  	v11 =	vld [tilespmem:s25+$0x4410]  }
0xe7: {  	v10 =	vld [tilespmem:s25+$0x4420]  }
0xe8: {  	v9 =	vld [tilespmem:s25+$0x4430]  }
0xe9: {  	v8 =	vld [tilespmem:s25+$0x4440]  }
0xea: {  	v7 =	vld [tilespmem:s25+$0x4450];
	v12 =	vmul.f32 $1.131370830e+01, v6  }
0xeb: {  	s29 =	simm.s32 $0x200;
	v11 =	vmul.f32 $1.131370830e+01, v11;
	v6 =	vld [tilespmem:s25+$0x4460]  }
.LBB2_10:
0xec: {  	p0 =	sne.s32 s29, $0xFE00;
	v5 =	vadd.f32 v5, v12;
	v10 =	vmul.f32 $1.131370830e+01, v10;
	v12 =	vld [tilespmem:s25+$0x4470]  }
0xed: {  	v4 =	vadd.f32 v4, v11;
	v9 =	vmul.f32 $1.131370830e+01, v9;
	v11 =	vld [tilespmem:s25+$0xC460]  }
0xee: {  	s2 =	sshra.s32 s29, $0x2;
	[tilespmem:s25+$0x4400] =	vst v5;
	v3 =	vadd.f32 v3, v10;
	v8 =	vmul.f32 $1.131370830e+01, v8;
	v10 =	vld [tilespmem:s25+$0xC470]  }
0xef: {  	v5 =	vld [tilespmem:s2+$0xC400];
	[tilespmem:s25+$0x4410] =	vst v4;
	v2 =	vadd.f32 v2, v9;
	v7 =	vmul.f32 $1.131370830e+01, v7  }
0xf0: {  	v4 =	vld [tilespmem:s2+$0xC410];
	[tilespmem:s25+$0x4420] =	vst v3;
	v1 =	vadd.f32 v1, v8;
	v6 =	vmul.f32 $1.131370830e+01, v6  }
0xf1: {  	v3 =	vld [tilespmem:s2+$0xC420];
	[tilespmem:s25+$0x4430] =	vst v2;
	v0 =	vadd.f32 v0, v7;
	v7 =	vmul.f32 $1.131370830e+01, v12  }
0xf2: {  	v2 =	vld [tilespmem:s2+$0xC430];
	[tilespmem:s25+$0x4440] =	vst v1;
	v6 =	vadd.f32 v11, v6  }
0xf3: {  	v1 =	vld [tilespmem:s2+$0xC440];
	[tilespmem:s25+$0x4450] =	vst v0;
	v7 =	vadd.f32 v10, v7  }
0xf4: {  	v0 =	vld [tilespmem:s2+$0xC450];
	[tilespmem:s25+$0x4460] =	vst v6  }
0xf5: {  	v6 =	vld [tilespmem:s2+$0x4400];
	[tilespmem:s25+$0x4470] =	vst v7;
	s25 =	smov.u32 s2  }
0xf6: {  	v11 =	vld [tilespmem:s25+$0x4410]  }
.Ltmp4:
0xf7: {  	v10 =	vld [tilespmem:s25+$0x4420];
	(pc) =	sbr.rel @p0 .LBB2_10-.Ltmp4, $4  }
0xf8: {  	v9 =	vld [tilespmem:s25+$0x4430]  }
0xf9: {  	v8 =	vld [tilespmem:s25+$0x4440]  }
0xfa: {  	v12 =	vmul.f32 $1.131370830e+01, v6;
	v7 =	vld [tilespmem:s25+$0x4450]  }
0xfb: {  	s29 =	sadd.s32 $0x200, s29;
	v11 =	vmul.f32 $1.131370830e+01, v11;
	v6 =	vld [tilespmem:s25+$0x4460]  }
0xfc: {  	v5 =	vadd.f32 v5, v12;
	v12 =	vld [tilespmem:s25+$0x4470];
	v10 =	vmul.f32 $1.131370830e+01, v10  }
0xfd: {  	v13 =	vld [tilespmem:s25+$0xC460];
	v4 =	vadd.f32 v4, v11;
	v9 =	vmul.f32 $1.131370830e+01, v9  }
0xfe: {  	[tilespmem:s25+$0x4400] =	vst v5;
	v3 =	vadd.f32 v3, v10;
	v5 =	vmul.f32 $1.131370830e+01, v8;
	v8 =	vld [tilespmem:s25+$0xC470]  }
0xff: {  	[tilespmem:s25+$0x4410] =	vst v4;
	v2 =	vadd.f32 v2, v9;
	v4 =	vmul.f32 $1.131370830e+01, v7  }
0x100: {  	[tilespmem:s25+$0x4420] =	vst v3;
	v1 =	vadd.f32 v1, v5;
	v3 =	vmul.f32 $1.131370830e+01, v6  }
0x101: {  	[tilespmem:s25+$0x4430] =	vst v2;
	v0 =	vadd.f32 v0, v4;
	v2 =	vmul.f32 $1.131370830e+01, v12  }
0x102: {  	[tilespmem:s25+$0x4440] =	vst v1;
	v1 =	vadd.f32 v13, v3  }
0x103: {  	[tilespmem:s25+$0x4450] =	vst v0;
	v0 =	vadd.f32 v8, v2  }
0x104: {  	[tilespmem:s25+$0x4460] =	vst v1  }
0x105: {  	s2 =	simm.s32 $0x0;
	[tilespmem:s25+$0x4470] =	vst v0  }
0x106: {  	[hbm4b:s10+s2] =	stream.linear.scatter [tilespmem:s20], [sflag:$0x5], $0x4000, $0x38;
	[tilespmem:$0x14400] =	vst v63  }
0x107: {  	_ =	swait.ge [sflag:s28], $0x4000  }
0x108: {  	[sflag:s28] =	ssyncset.done $0x0  }
0x109: {  	[sflag:s28] =	ssyncadd.s32 $0xFFFFC000  }
0x10a: {  	[tilespmem:s20], [sflag:$0x2] =	stream.indirect.gather [hbm4b:s1+s17], $0x80, s15, s17, $0xb8;
	[tilespmem:$0x14400] =	vst v63  }
0x10b: {  	_ =	swait.ge [sflag:s30], $0x4000  }
0x10c: {  	[sflag:s30] =	ssyncset.done $0x0  }
0x10d: {  	s25 =	simm.s32 $0x0;
	[sflag:s30] =	ssyncadd.s32 $0xFFFFC000  }
0x10e: {  	v5 =	vld [tilespmem:s25+$0x10400]  }
0x10f: {  	v4 =	vld [tilespmem:s25+$0x10410]  }
0x110: {  	v3 =	vld [tilespmem:s25+$0x10420]  }
0x111: {  	v2 =	vld [tilespmem:s25+$0x10430]  }
0x112: {  	v1 =	vld [tilespmem:s25+$0x10440]  }
0x113: {  	v0 =	vld [tilespmem:s25+$0x10450]  }
0x114: {  	v6 =	vld [tilespmem:s25+$0x8400]  }
0x115: {  	v11 =	vld [tilespmem:s25+$0x8410]  }
0x116: {  	v10 =	vld [tilespmem:s25+$0x8420]  }
0x117: {  	v9 =	vld [tilespmem:s25+$0x8430]  }
0x118: {  	v8 =	vld [tilespmem:s25+$0x8440]  }
0x119: {  	v7 =	vld [tilespmem:s25+$0x8450];
	v12 =	vmul.f32 $1.131370830e+01, v6  }
0x11a: {  	s29 =	simm.s32 $0x200;
	v11 =	vmul.f32 $1.131370830e+01, v11;
	v6 =	vld [tilespmem:s25+$0x8460]  }
.LBB2_12:
0x11b: {  	p0 =	sne.s32 s29, $0xFE00;
	v5 =	vadd.f32 v5, v12;
	v10 =	vmul.f32 $1.131370830e+01, v10;
	v12 =	vld [tilespmem:s25+$0x8470]  }
0x11c: {  	v4 =	vadd.f32 v4, v11;
	v9 =	vmul.f32 $1.131370830e+01, v9;
	v11 =	vld [tilespmem:s25+$0x10460]  }
0x11d: {  	s2 =	sshra.s32 s29, $0x2;
	[tilespmem:s25+$0x8400] =	vst v5;
	v3 =	vadd.f32 v3, v10;
	v8 =	vmul.f32 $1.131370830e+01, v8;
	v10 =	vld [tilespmem:s25+$0x10470]  }
0x11e: {  	v5 =	vld [tilespmem:s2+$0x10400];
	[tilespmem:s25+$0x8410] =	vst v4;
	v2 =	vadd.f32 v2, v9;
	v7 =	vmul.f32 $1.131370830e+01, v7  }
0x11f: {  	v4 =	vld [tilespmem:s2+$0x10410];
	[tilespmem:s25+$0x8420] =	vst v3;
	v1 =	vadd.f32 v1, v8;
	v6 =	vmul.f32 $1.131370830e+01, v6  }
0x120: {  	v3 =	vld [tilespmem:s2+$0x10420];
	[tilespmem:s25+$0x8430] =	vst v2;
	v0 =	vadd.f32 v0, v7;
	v7 =	vmul.f32 $1.131370830e+01, v12  }
0x121: {  	v2 =	vld [tilespmem:s2+$0x10430];
	[tilespmem:s25+$0x8440] =	vst v1;
	v6 =	vadd.f32 v11, v6  }
0x122: {  	v1 =	vld [tilespmem:s2+$0x10440];
	[tilespmem:s25+$0x8450] =	vst v0;
	v7 =	vadd.f32 v10, v7  }
0x123: {  	v0 =	vld [tilespmem:s2+$0x10450];
	[tilespmem:s25+$0x8460] =	vst v6  }
0x124: {  	v6 =	vld [tilespmem:s2+$0x8400];
	[tilespmem:s25+$0x8470] =	vst v7;
	s25 =	smov.u32 s2  }
0x125: {  	v11 =	vld [tilespmem:s25+$0x8410]  }
.Ltmp5:
0x126: {  	v10 =	vld [tilespmem:s25+$0x8420];
	(pc) =	sbr.rel @p0 .LBB2_12-.Ltmp5, $4  }
0x127: {  	v9 =	vld [tilespmem:s25+$0x8430]  }
0x128: {  	v8 =	vld [tilespmem:s25+$0x8440]  }
0x129: {  	v12 =	vmul.f32 $1.131370830e+01, v6;
	v7 =	vld [tilespmem:s25+$0x8450]  }
0x12a: {  	s29 =	sadd.s32 $0x200, s29;
	v11 =	vmul.f32 $1.131370830e+01, v11;
	v6 =	vld [tilespmem:s25+$0x8460]  }
0x12b: {  	v5 =	vadd.f32 v5, v12;
	v12 =	vld [tilespmem:s25+$0x8470];
	v10 =	vmul.f32 $1.131370830e+01, v10  }
0x12c: {  	v13 =	vld [tilespmem:s25+$0x10460];
	v4 =	vadd.f32 v4, v11;
	v9 =	vmul.f32 $1.131370830e+01, v9  }
0x12d: {  	[tilespmem:s25+$0x8400] =	vst v5;
	v3 =	vadd.f32 v3, v10;
	v5 =	vmul.f32 $1.131370830e+01, v8;
	v8 =	vld [tilespmem:s25+$0x10470]  }
0x12e: {  	[tilespmem:s25+$0x8410] =	vst v4;
	v2 =	vadd.f32 v2, v9;
	v4 =	vmul.f32 $1.131370830e+01, v7  }
0x12f: {  	[tilespmem:s25+$0x8420] =	vst v3;
	v1 =	vadd.f32 v1, v5;
	v3 =	vmul.f32 $1.131370830e+01, v6  }
0x130: {  	[tilespmem:s25+$0x8430] =	vst v2;
	v0 =	vadd.f32 v0, v4;
	v2 =	vmul.f32 $1.131370830e+01, v12  }
0x131: {  	[tilespmem:s25+$0x8440] =	vst v1;
	v1 =	vadd.f32 v13, v3  }
0x132: {  	[tilespmem:s25+$0x8450] =	vst v0;
	v0 =	vadd.f32 v8, v2  }
0x133: {  	[tilespmem:s25+$0x8460] =	vst v1  }
0x134: {  	s2 =	simm.s32 $0x0;
	[tilespmem:s25+$0x8470] =	vst v0  }
0x135: {  	[hbm4b:s11+s2] =	stream.linear.scatter [tilespmem:s22], [sflag:$0x6], $0x4000, $0x38;
	[tilespmem:$0x14400] =	vst v63  }
0x136: {  	_ =	swait.ge [sflag:s23], $0x4000  }
0x137: {  	[sflag:s23] =	ssyncset.done $0x0  }
0x138: {  	s25 =	simm.s32 $0x0;
	[sflag:s23] =	ssyncadd.s32 $0xFFFFC000  }
0x139: {  	v5 =	vld [tilespmem:s25+$0xC400]  }
0x13a: {  	v4 =	vld [tilespmem:s25+$0xC410]  }
0x13b: {  	v3 =	vld [tilespmem:s25+$0xC420]  }
0x13c: {  	v2 =	vld [tilespmem:s25+$0xC430]  }
0x13d: {  	v1 =	vld [tilespmem:s25+$0xC440]  }
0x13e: {  	v0 =	vld [tilespmem:s25+$0xC450]  }
0x13f: {  	v6 =	vld [tilespmem:s25+$0x400]  }
0x140: {  	v11 =	vld [tilespmem:s25+$0x410]  }
0x141: {  	v10 =	vld [tilespmem:s25+$0x420]  }
0x142: {  	v9 =	vld [tilespmem:s25+$0x430]  }
0x143: {  	v8 =	vld [tilespmem:s25+$0x440]  }
0x144: {  	v7 =	vld [tilespmem:s25+$0x450];
	v12 =	vmul.f32 $1.131370830e+01, v6  }
0x145: {  	s29 =	simm.s32 $0x200;
	v11 =	vmul.f32 $1.131370830e+01, v11;
	v6 =	vld [tilespmem:s25+$0x460]  }
.LBB2_14:
0x146: {  	p0 =	sne.s32 s29, $0xFE00;
	v5 =	vadd.f32 v5, v12;
	v10 =	vmul.f32 $1.131370830e+01, v10;
	v12 =	vld [tilespmem:s25+$0x470]  }
0x147: {  	v4 =	vadd.f32 v4, v11;
	v9 =	vmul.f32 $1.131370830e+01, v9;
	v11 =	vld [tilespmem:s25+$0xC460]  }
0x148: {  	s2 =	sshra.s32 s29, $0x2;
	[tilespmem:s25+$0x400] =	vst v5;
	v3 =	vadd.f32 v3, v10;
	v8 =	vmul.f32 $1.131370830e+01, v8;
	v10 =	vld [tilespmem:s25+$0xC470]  }
0x149: {  	v5 =	vld [tilespmem:s2+$0xC400];
	[tilespmem:s25+$0x410] =	vst v4;
	v2 =	vadd.f32 v2, v9;
	v7 =	vmul.f32 $1.131370830e+01, v7  }
0x14a: {  	v4 =	vld [tilespmem:s2+$0xC410];
	[tilespmem:s25+$0x420] =	vst v3;
	v1 =	vadd.f32 v1, v8;
	v6 =	vmul.f32 $1.131370830e+01, v6  }
0x14b: {  	v3 =	vld [tilespmem:s2+$0xC420];
	[tilespmem:s25+$0x430] =	vst v2;
	v0 =	vadd.f32 v0, v7;
	v7 =	vmul.f32 $1.131370830e+01, v12  }
0x14c: {  	v2 =	vld [tilespmem:s2+$0xC430];
	[tilespmem:s25+$0x440] =	vst v1;
	v6 =	vadd.f32 v11, v6  }
0x14d: {  	v1 =	vld [tilespmem:s2+$0xC440];
	[tilespmem:s25+$0x450] =	vst v0;
	v7 =	vadd.f32 v10, v7  }
0x14e: {  	v0 =	vld [tilespmem:s2+$0xC450];
	[tilespmem:s25+$0x460] =	vst v6  }
0x14f: {  	v6 =	vld [tilespmem:s2+$0x400];
	[tilespmem:s25+$0x470] =	vst v7;
	s25 =	smov.u32 s2  }
0x150: {  	v11 =	vld [tilespmem:s25+$0x410]  }
.Ltmp6:
0x151: {  	v10 =	vld [tilespmem:s25+$0x420];
	(pc) =	sbr.rel @p0 .LBB2_14-.Ltmp6, $4  }
0x152: {  	v9 =	vld [tilespmem:s25+$0x430]  }
0x153: {  	v8 =	vld [tilespmem:s25+$0x440]  }
0x154: {  	v12 =	vmul.f32 $1.131370830e+01, v6;
	v7 =	vld [tilespmem:s25+$0x450]  }
0x155: {  	s29 =	sadd.s32 $0x200, s29;
	v11 =	vmul.f32 $1.131370830e+01, v11;
	v6 =	vld [tilespmem:s25+$0x460]  }
0x156: {  	v5 =	vadd.f32 v5, v12;
	v12 =	vld [tilespmem:s25+$0x470];
	v10 =	vmul.f32 $1.131370830e+01, v10  }
0x157: {  	v13 =	vld [tilespmem:s25+$0xC460];
	v4 =	vadd.f32 v4, v11;
	v9 =	vmul.f32 $1.131370830e+01, v9  }
0x158: {  	[tilespmem:s25+$0x400] =	vst v5;
	v3 =	vadd.f32 v3, v10;
	v5 =	vmul.f32 $1.131370830e+01, v8;
	v8 =	vld [tilespmem:s25+$0xC470]  }
0x159: {  	[tilespmem:s25+$0x410] =	vst v4;
	v2 =	vadd.f32 v2, v9;
	v4 =	vmul.f32 $1.131370830e+01, v7  }
0x15a: {  	[tilespmem:s25+$0x420] =	vst v3;
	v1 =	vadd.f32 v1, v5;
	v3 =	vmul.f32 $1.131370830e+01, v6  }
0x15b: {  	[tilespmem:s25+$0x430] =	vst v2;
	v0 =	vadd.f32 v0, v4;
	v2 =	vmul.f32 $1.131370830e+01, v12  }
0x15c: {  	[tilespmem:s25+$0x440] =	vst v1;
	v1 =	vadd.f32 v13, v3  }
0x15d: {  	[tilespmem:s25+$0x450] =	vst v0;
	v0 =	vadd.f32 v8, v2  }
0x15e: {  	[tilespmem:s25+$0x460] =	vst v1  }
0x15f: {  	s2 =	simm.s32 $0x0;
	[tilespmem:s25+$0x470] =	vst v0  }
0x160: {  	[hbm4b:s12+s2] =	stream.linear.scatter [tilespmem:s18], [sflag:$0x4], $0x4000, $0x38;
	[tilespmem:$0x14400] =	vst v63  }
0x161: {  	_ =	swait.ge [sflag:s26], $0x4000  }
0x162: {  	[sflag:s26] =	ssyncset.done $0x0  }
0x163: {  	s25 =	simm.s32 $0x0;
	[sflag:s26] =	ssyncadd.s32 $0xFFFFC000  }
0x164: {  	v5 =	vld [tilespmem:s25+$0x10400]  }
0x165: {  	v4 =	vld [tilespmem:s25+$0x10410]  }
0x166: {  	v3 =	vld [tilespmem:s25+$0x10420]  }
0x167: {  	v2 =	vld [tilespmem:s25+$0x10430]  }
0x168: {  	v1 =	vld [tilespmem:s25+$0x10440]  }
0x169: {  	v0 =	vld [tilespmem:s25+$0x10450]  }
0x16a: {  	v6 =	vld [tilespmem:s25+$0x4400]  }
0x16b: {  	v11 =	vld [tilespmem:s25+$0x4410]  }
0x16c: {  	v10 =	vld [tilespmem:s25+$0x4420]  }
0x16d: {  	v9 =	vld [tilespmem:s25+$0x4430]  }
0x16e: {  	v8 =	vld [tilespmem:s25+$0x4440]  }
0x16f: {  	v7 =	vld [tilespmem:s25+$0x4450];
	v12 =	vmul.f32 $1.131370830e+01, v6  }
0x170: {  	s29 =	simm.s32 $0x200;
	v11 =	vmul.f32 $1.131370830e+01, v11;
	v6 =	vld [tilespmem:s25+$0x4460]  }
.LBB2_16:
0x171: {  	p0 =	sne.s32 s29, $0xFE00;
	v5 =	vadd.f32 v5, v12;
	v10 =	vmul.f32 $1.131370830e+01, v10;
	v12 =	vld [tilespmem:s25+$0x4470]  }
0x172: {  	v4 =	vadd.f32 v4, v11;
	v9 =	vmul.f32 $1.131370830e+01, v9;
	v11 =	vld [tilespmem:s25+$0x10460]  }
0x173: {  	s2 =	sshra.s32 s29, $0x2;
	[tilespmem:s25+$0x4400] =	vst v5;
	v3 =	vadd.f32 v3, v10;
	v8 =	vmul.f32 $1.131370830e+01, v8;
	v10 =	vld [tilespmem:s25+$0x10470]  }
0x174: {  	v5 =	vld [tilespmem:s2+$0x10400];
	[tilespmem:s25+$0x4410] =	vst v4;
	v2 =	vadd.f32 v2, v9;
	v7 =	vmul.f32 $1.131370830e+01, v7  }
0x175: {  	v4 =	vld [tilespmem:s2+$0x10410];
	[tilespmem:s25+$0x4420] =	vst v3;
	v1 =	vadd.f32 v1, v8;
	v6 =	vmul.f32 $1.131370830e+01, v6  }
0x176: {  	v3 =	vld [tilespmem:s2+$0x10420];
	[tilespmem:s25+$0x4430] =	vst v2;
	v0 =	vadd.f32 v0, v7;
	v7 =	vmul.f32 $1.131370830e+01, v12  }
0x177: {  	v2 =	vld [tilespmem:s2+$0x10430];
	[tilespmem:s25+$0x4440] =	vst v1;
	v6 =	vadd.f32 v11, v6  }
0x178: {  	v1 =	vld [tilespmem:s2+$0x10440];
	[tilespmem:s25+$0x4450] =	vst v0;
	v7 =	vadd.f32 v10, v7  }
0x179: {  	v0 =	vld [tilespmem:s2+$0x10450];
	[tilespmem:s25+$0x4460] =	vst v6  }
0x17a: {  	v6 =	vld [tilespmem:s2+$0x4400];
	[tilespmem:s25+$0x4470] =	vst v7;
	s25 =	smov.u32 s2  }
0x17b: {  	v11 =	vld [tilespmem:s25+$0x4410]  }
.Ltmp7:
0x17c: {  	v10 =	vld [tilespmem:s25+$0x4420];
	(pc) =	sbr.rel @p0 .LBB2_16-.Ltmp7, $4  }
0x17d: {  	v9 =	vld [tilespmem:s25+$0x4430]  }
0x17e: {  	v8 =	vld [tilespmem:s25+$0x4440]  }
0x17f: {  	v12 =	vmul.f32 $1.131370830e+01, v6;
	v7 =	vld [tilespmem:s25+$0x4450]  }
0x180: {  	s29 =	sadd.s32 $0x200, s29;
	v11 =	vmul.f32 $1.131370830e+01, v11;
	v6 =	vld [tilespmem:s25+$0x4460]  }
0x181: {  	v5 =	vadd.f32 v5, v12;
	v56 =	vld [tilespmem:s25+$0x4470];
	v10 =	vmul.f32 $1.131370830e+01, v10  }
0x182: {  	v13 =	vld [tilespmem:s25+$0x10460];
	v4 =	vadd.f32 v4, v11;
	v9 =	vmul.f32 $1.131370830e+01, v9  }
0x183: {  	v58 =	vld [tilespmem:s25+$0x10470];
	[tilespmem:s25+$0x4400] =	vst v5;
	v3 =	vadd.f32 v3, v10;
	v57 =	vmul.f32 $1.131370830e+01, v8  }
0x184: {  	[tilespmem:s25+$0x4410] =	vst v4;
	v2 =	vadd.f32 v2, v9;
	v59 =	vmul.f32 $1.131370830e+01, v7  }
0x185: {  	[tilespmem:s25+$0x4420] =	vst v3;
	v1 =	vadd.f32 v1, v57;
	v60 =	vmul.f32 $1.131370830e+01, v6  }
0x186: {  	[tilespmem:s25+$0x4430] =	vst v2;
	v0 =	vadd.f32 v0, v59;
	v61 =	vmul.f32 $1.131370830e+01, v56  }
0x187: {  	[tilespmem:s25+$0x4440] =	vst v1;
	v62 =	vadd.f32 v13, v60  }
0x188: {  	[tilespmem:s25+$0x4450] =	vst v0;
	v63 =	vadd.f32 v58, v61  }
0x189: {  	[tilespmem:s25+$0x4460] =	vst v62  }
0x18a: {  	[tilespmem:s25+$0x4470] =	vst v63  }
0x18b: {  	[hbm4b:s13+s3] =	stream.linear.scatter [tilespmem:s20], [sflag:$0x5], $0x4000, $0x38;
	[tilespmem:$0x14400] =	vst v63  }
0x18c: {  	_ =	swait.ge [sflag:s31], $0x4000  }
0x18d: {  	[sflag:s31] =	ssyncset.done $0x0  }
0x18e: {  	s19 =	sadd.s32 $0x1, s19;
	[sflag:s31] =	ssyncadd.s32 $0xFFFFC000  }
0x18f: {  	p0 =	sne.s32 s19, s14;
	_ =	swait.ge [sflag:s24], $0x4000  }
.Ltmp8:
0x190: {  	[sflag:s24] =	ssyncset.done $0x0;
	(pc) =	sbr.rel @p0 .LBB2_1-.Ltmp8, $4  }
0x191: {  	[sflag:s24] =	ssyncadd.s32 $0xFFFFC000  }
0x192: {  	_ =	swait.ge [sflag:s28], $0x4000  }
0x193: {  	[sflag:s28] =	ssyncset.done $0x0  }
0x194: {  	[sflag:s28] =	ssyncadd.s32 $0xFFFFC000  }
0x195: {  	_ =	sfence.sel $0x180000  }
0x196: {  	[bflag:$0x0] =	sbarrier.arrive $0xFFFF  }
0x197: {  	_ =	strace $0x90000047  }
0x198: {  	s0 =	stileid.u32;
	[bflag:$0x2] =	sbarrier.arrive $0xFFFF  }
0x199: {  	p0 =	sne.s32 s0, $0x0;
	s0 =	rddreg [dreg:$0x4]  }
0x19a: {  	s0 =	sadd.s32 @!p0 $0x100000, s0  }
0x19b: {  	[sflag:s0] =	ssyncadd.tile.s32 @!p0 $0x1;
	_ =	shalt  }
.Lfunc_end2:
_tile_overlayer_lowered:
.L_overlay_start_2:
0x19c: {  	(tag) =	ssettag $0x2  }
0x19d: {  	s0 =	rddreg [dreg:$0x0];
	s2 =	stileid.u32  }
0x19e: {  	s1 =	rddreg [dreg:$0x1];
	p0 =	sne.s32 s2, $0x0  }
0x19f: {  	s3 =	rddreg [dreg:$0x2];
	[bflag:$0x3] =	sbarrier.arrive $0xFFFF;
	s2 =	simm.s32 @!p0 $0x1C08  }
0x1a0: {  	[timem:s3], [sflag:s2] =	dma.local @!p0 [hbm:s0], s1  }
0x1a1: {  	s0 =	simm.s32 @!p0 $0x8  }
0x1a2: {  	_ =	swait.ge @!p0 [sflag:s0], s1  }
0x1a3: {  	s1 =	ssub.s32 @!p0 $0x0, s1;
	[sflag:s0] =	ssyncset.done @!p0 $0x0  }
0x1a4: {  	[sflag:s0] =	ssyncadd.s32 @!p0 s1  }
0x1a5: {  	[bflag:$0x3] =	sbarrier.arrive $0xFFFF  }
0x1a6: {  	_ =	shalt  }

</sc_bundles>
